<compile_context>
chip_gen: v7x
topology: tpu7x:2x2x1
jax: 0.10.2.dev20260603
libtpu: 0.0.44.dev20260713+nightly
codegen_flags: <defaults>
</compile_context>

<pallas_src>
import functools

import jax
import jax.numpy as jnp
from jax import lax
from jax.experimental import pallas as pl
from jax.experimental.pallas import tpu as pltpu
from jax.experimental.pallas import tpu_sc as plsc

_NC = 2
_NS = 16
_NW = _NC * _NS

_B = 80
_DW = 16
_PAD_ROWS = 16


def _sc_segsum(rows, src3d, dst3d, zeros_rows, zeros_deg, ones_b, with_deg):
    n, w = rows.shape
    nchunks = src3d.shape[1]
    sub_stride = 8 * (n // (8 * _NS))
    sub_rows = n - sub_stride * (_NS - 1)

    mesh = plsc.VectorSubcoreMesh(core_axis_name="c", subcore_axis_name="s")

    out_type = [jax.ShapeDtypeStruct((_NC, n, w), jnp.float32)]
    if with_deg:
        out_type.append(jax.ShapeDtypeStruct((_NC, n, _DW), jnp.float32))

    scratch = [
        pltpu.VMEM((nchunks, _B), jnp.int32),
        pltpu.VMEM((nchunks, _B), jnp.int32),
        pltpu.VMEM((2, _B, w), jnp.float32),
        pltpu.VMEM((_B, _DW), jnp.float32),
        pltpu.SemaphoreType.DMA((2,)),
        pltpu.SemaphoreType.DMA((2,)),
        pltpu.VMEM_SHARED((n + _PAD_ROWS, w), jnp.float32),
        pltpu.VMEM_SHARED((n + _PAD_ROWS, _DW), jnp.float32),
    ]

    def body(rows_hbm, src_hbm, dst_hbm, zr_hbm, zd_hbm, ones_hbm,
             *refs):
        if with_deg:
            acc_out, deg_out = refs[0], refs[1]
            scr = refs[2:]
        else:
            acc_out = refs[0]
            scr = refs[1:]
        src_v, dst_v, rows_v, ones_v, sem, sem_w, acc_sh, deg_sh = scr

        c = lax.axis_index("c")
        s = lax.axis_index("s")
        wid = s * _NC + c

        r0 = s * sub_stride
        pltpu.sync_copy(zr_hbm.at[pl.ds(r0, sub_rows)],
                        acc_sh.at[pl.ds(r0, sub_rows)])
        if with_deg:
            pltpu.sync_copy(zd_hbm.at[pl.ds(r0, sub_rows)],
                            deg_sh.at[pl.ds(r0, sub_rows)])
            pltpu.sync_copy(ones_hbm, ones_v)

        pltpu.sync_copy(src_hbm.at[wid], src_v)
        pltpu.sync_copy(dst_hbm.at[wid], dst_v)
        pltpu.async_copy(rows_hbm.at[src_v.at[0]], rows_v.at[0], sem.at[0])
        plsc.subcore_barrier()

        def step(j, carry):
            slot = lax.rem(j, 2)
            nslot = lax.rem(j + 1, 2)

            @pl.when(j >= 1)
            def _():
                pltpu.make_async_copy(rows_v.at[nslot],
                                      acc_sh.at[dst_v.at[0]],
                                      sem_w.at[nslot]).wait()

            @pl.when(j + 1 < nchunks)
            def _():
                pltpu.async_copy(rows_hbm.at[src_v.at[j + 1]],
                                 rows_v.at[nslot], sem.at[nslot])

            pltpu.make_async_copy(rows_hbm.at[src_v.at[j]],
                                  rows_v.at[slot], sem.at[slot]).wait()
            pltpu.async_copy(rows_v.at[slot], acc_sh.at[dst_v.at[j]],
                             sem_w.at[slot], add=True)
            if with_deg:
                pltpu.sync_copy(ones_v, deg_sh.at[dst_v.at[j]], add=True)
            return carry

        lax.fori_loop(0, nchunks, step, 0)
        pltpu.make_async_copy(rows_v.at[(nchunks - 1) % 2],
                              acc_sh.at[dst_v.at[0]],
                              sem_w.at[(nchunks - 1) % 2]).wait()
        plsc.subcore_barrier()

        pltpu.sync_copy(acc_sh.at[pl.ds(r0, sub_rows)],
                        acc_out.at[c].at[pl.ds(r0, sub_rows)])
        if with_deg:
            pltpu.sync_copy(deg_sh.at[pl.ds(r0, sub_rows)],
                            deg_out.at[c].at[pl.ds(r0, sub_rows)])

    k = pl.kernel(body, out_type=tuple(out_type), mesh=mesh,
                  scratch_types=scratch,
                  compiler_params=pltpu.CompilerParams(
                      use_tc_tiling_on_sc=False))
    return k(rows, src3d, dst3d, zeros_rows, zeros_deg, ones_b)


_BG = 64


def _sc_gather(z, il3d):
    n, w = z.shape
    nchunks = il3d.shape[1]
    nidx = il3d.shape[2]

    mesh = plsc.VectorSubcoreMesh(core_axis_name="c", subcore_axis_name="s")

    out_type = jax.ShapeDtypeStruct((_NW * nchunks * nidx, w), jnp.float32)
    scratch = [
        pltpu.VMEM((nchunks, nidx), jnp.int32),
        pltpu.VMEM((2, nidx, w), jnp.float32),
        pltpu.SemaphoreType.DMA((2,)),
    ]

    def body(z_hbm, il_hbm, zc_out, il_v, buf, sem):
        c = lax.axis_index("c")
        s = lax.axis_index("s")
        wid = s * _NC + c
        base = wid * nchunks * nidx

        pltpu.sync_copy(il_hbm.at[wid], il_v)
        pltpu.async_copy(z_hbm.at[il_v.at[0]], buf.at[0], sem.at[0])

        def step(j, carry):
            slot = lax.rem(j, 2)
            nslot = lax.rem(j + 1, 2)

            @pl.when(j + 1 < nchunks)
            def _():
                pltpu.async_copy(z_hbm.at[il_v.at[j + 1]],
                                 buf.at[nslot], sem.at[nslot])

            pltpu.make_async_copy(z_hbm.at[il_v.at[j]],
                                  buf.at[slot], sem.at[slot]).wait()
            pltpu.sync_copy(buf.at[slot],
                            zc_out.at[pl.ds(base + j * nidx, nidx)])
            return carry

        lax.fori_loop(0, nchunks, step, 0)

    k = pl.kernel(body, out_type=out_type, mesh=mesh, scratch_types=scratch,
                  compiler_params=pltpu.CompilerParams(
                      use_tc_tiling_on_sc=False))
    return k(z, il3d)


_BN = 2000
_BE = 2000


def _full(shape):
    return pl.BlockSpec(shape, lambda i: tuple(0 for _ in shape))


def _rows(shape):
    return pl.BlockSpec(shape, lambda i: (i,) + tuple(0 for _ in shape[1:]))


def _tc_in_proj(x, wl, wr):
    n, f = x.shape
    h = wl.shape[1]

    def body(x_ref, wl_ref, wr_ref, xl_ref, xr_ref):
        xb = x_ref[...]
        xl_ref[...] = jnp.dot(xb, wl_ref[...],
                              preferred_element_type=jnp.float32)
        xr_ref[...] = jnp.dot(xb, wr_ref[...],
                              preferred_element_type=jnp.float32)

    return pl.pallas_call(
        body,
        grid=(n // _BN,),
        in_specs=[_rows((_BN, f)), _full((f, h)), _full((f, h))],
        out_specs=[_rows((_BN, h)), _rows((_BN, h))],
        out_shape=(jax.ShapeDtypeStruct((n, h), jnp.float32),
                   jax.ShapeDtypeStruct((n, h), jnp.float32)),
    )(x, wl, wr)


def _tc_layer1(a0, a1, d0, d1, b1, xr, w2l, w2r):
    n, h = a0.shape
    d = w2l.shape[1]

    def body(a0_r, a1_r, d0_r, d1_r, b1_r, xr_r, w2l_r, w2r_r,
             hl_o, hr_o, deg_o):
        deg = jnp.maximum(d0_r[...][:, 0:1] + d1_r[...][:, 0:1], 1.0)
        mean = (a0_r[...] + a1_r[...]) / deg
        hcur = jnp.maximum(mean + b1_r[...] + xr_r[...], 0.0)
        hl_o[...] = jnp.dot(hcur, w2l_r[...],
                            preferred_element_type=jnp.float32)
        hr_o[...] = jnp.dot(hcur, w2r_r[...],
                            preferred_element_type=jnp.float32)
        deg_o[...] = deg

    return pl.pallas_call(
        body,
        grid=(n // _BN,),
        in_specs=[_rows((_BN, h)), _rows((_BN, h)),
                  _rows((_BN, _DW)), _rows((_BN, _DW)),
                  _full((1, h)), _rows((_BN, h)),
                  _full((h, d)), _full((h, d))],
        out_specs=[_rows((_BN, d)), _rows((_BN, d)), _rows((_BN, 1))],
        out_shape=(jax.ShapeDtypeStruct((n, d), jnp.float32),
                   jax.ShapeDtypeStruct((n, d), jnp.float32),
                   jax.ShapeDtypeStruct((n, 1), jnp.float32)),
    )(a0, a1, d0, d1, b1, xr, w2l, w2r)


def _tc_layer2(a0, a1, deg, b2, hr):
    n, d = a0.shape

    def body(a0_r, a1_r, deg_r, b2_r, hr_r, z_o):
        z_o[...] = (a0_r[...] + a1_r[...]) / deg_r[...] + b2_r[...] + hr_r[...]

    return pl.pallas_call(
        body,
        grid=(n // _BN,),
        in_specs=[_rows((_BN, d)), _rows((_BN, d)), _rows((_BN, 1)),
                  _full((1, d)), _rows((_BN, d))],
        out_specs=_rows((_BN, d)),
        out_shape=jax.ShapeDtypeStruct((n, d), jnp.float32),
    )(a0, a1, deg, b2, hr)


_RB = 1024
_NR = 16


def _tc_predict(zc, tse, tso, wt1, bt1, wt2, bt2, wp1ab, wp1c, bp1, wp2, bp2,
                wp3, bp3):
    nrow = tse.shape[0]
    nr2 = _NR // 2
    grid = nrow // nr2

    def body(zc_ref, tse_ref, tso_ref, wt1_r, bt1_r, wt2_r, bt2_r, wp1_r,
             wp1c_r, bp1_r, wp2_r, bp2_r, wp3_r, bp3_r, oute_ref, outo_ref):
        w25 = jnp.dot(wt2_r[...], wp1c_r[...],
                      preferred_element_type=jnp.float32)
        b25 = jnp.dot(bt2_r[...], wp1c_r[...],
                      preferred_element_type=jnp.float32)
        tecols = jnp.transpose(tse_ref[...], (1, 0))
        tocols = jnp.transpose(tso_ref[...], (1, 0))

        def chain(zcr, tcol):
            he = jnp.maximum(tcol * wt1_r[...] + bt1_r[...], 0.0)
            tw = jnp.dot(he, w25, preferred_element_type=jnp.float32) + b25
            h1 = jnp.maximum(
                jnp.dot(zcr, wp1_r[...],
                        preferred_element_type=jnp.float32) + tw + bp1_r[...],
                0.0)
            h2 = jnp.maximum(
                jnp.dot(h1, wp2_r[...],
                        preferred_element_type=jnp.float32) + bp2_r[...], 0.0)
            return jnp.dot(h2, wp3_r[...],
                           preferred_element_type=jnp.float32) + bp3_r[...]

        se, so = [], []
        for r in range(nr2):
            rows = zc_ref[r * _RB:(r + 1) * _RB, :]
            se.append(chain(rows[:, 0:64], tecols[:, r:r + 1]))
            so.append(chain(rows[:, 64:128], tocols[:, r:r + 1]))
        oute_ref[...] = jnp.transpose(jnp.concatenate(se, axis=1), (1, 0))
        outo_ref[...] = jnp.transpose(jnp.concatenate(so, axis=1), (1, 0))

    return pl.pallas_call(
        body,
        grid=(grid,),
        in_specs=[pl.BlockSpec((nr2 * _RB, 128), lambda i: (i, 0)),
                  pl.BlockSpec((nr2, _RB), lambda i: (i, 0)),
                  pl.BlockSpec((nr2, _RB), lambda i: (i, 0)),
                  _full((1, 32)), _full((1, 32)), _full((32, 16)),
                  _full((1, 16)), _full((64, 64)), _full((16, 64)),
                  _full((1, 64)), _full((64, 32)), _full((1, 32)),
                  _full((32, 1)), _full((1, 1))],
        out_specs=[pl.BlockSpec((nr2, _RB), lambda i: (i, 0)),
                   pl.BlockSpec((nr2, _RB), lambda i: (i, 0))],
        out_shape=(jax.ShapeDtypeStruct((nrow, _RB), jnp.float32),
                   jax.ShapeDtypeStruct((nrow, _RB), jnp.float32)),
    )(zc, tse, tso, wt1, bt1, wt2, bt2, wp1ab, wp1c, bp1, wp2, bp2, wp3, bp3)


def kernel(x, edge_index, pred_edges, timestamps, W1_l, b1_l, W1_r,
           W2_l, b2_l, W2_r, Wt1, bt1, Wt2, bt2,
           Wp1, bp1, Wp2, bp2, Wp3, bp3):
    n, f_in = x.shape
    e = edge_index.shape[1]
    h = W1_l.shape[1]
    d = W2_l.shape[1]
    t = Wt2.shape[1]

    e_s = -(-e // (_NW * _B)) * (_NW * _B)
    pad_s = e_s - e
    nchunks = e_s // _NW // _B
    src3d = jnp.concatenate([edge_index[0], jnp.zeros((pad_s,), jnp.int32)]
                            ).reshape(_NW, nchunks, _B)
    dst3d = jnp.concatenate([edge_index[1],
                             jnp.full((pad_s,), n, jnp.int32)]
                            ).reshape(_NW, nchunks, _B)

    tile = _NR * _RB
    e_pad = -(-e // tile) * tile
    nch_g = e_pad // _NW // _BG
    pad = e_pad - e
    pad0 = jnp.zeros((pad,), jnp.int32)
    ps_pad = jnp.concatenate([pred_edges[0], pad0])
    pd_pad = jnp.concatenate([pred_edges[1], pad0])
    il3d = jnp.stack([ps_pad, pd_pad], axis=1).reshape(_NW, nch_g, 2 * _BG)
    ts_pad = jnp.concatenate([timestamps, jnp.zeros((pad,), jnp.float32)])
    tse = ts_pad[0::2].reshape(e_pad // 2 // _RB, _RB)
    tso = ts_pad[1::2].reshape(e_pad // 2 // _RB, _RB)

    zeros_h = jnp.zeros((n, h), jnp.float32)
    zeros_d = jnp.zeros((n, d), jnp.float32)
    zeros_dw = jnp.zeros((n, _DW), jnp.float32)
    ones_b = jnp.ones((_B, _DW), jnp.float32)

    xl, xr = _tc_in_proj(x, W1_l, W1_r)
    acc1, degp = _sc_segsum(xl, src3d, dst3d, zeros_h, zeros_dw, ones_b,
                            with_deg=True)
    hl, hr, deg = _tc_layer1(acc1[0], acc1[1], degp[0], degp[1],
                             b1_l.reshape(1, h), xr, W2_l, W2_r)

    (acc2,) = _sc_segsum(hl, src3d, dst3d, zeros_d, zeros_dw, ones_b,
                         with_deg=False)
    z = _tc_layer2(acc2[0], acc2[1], deg, b2_l.reshape(1, d), hr)

    zc_raw = _sc_gather(z, il3d)
    zc = zc_raw.reshape(e_pad // 2, 128)
    oute, outo = _tc_predict(zc, tse, tso,
                             Wt1.reshape(1, 32), bt1.reshape(1, 32),
                             Wt2, bt2.reshape(1, t),
                             Wp1[:2 * d], Wp1[2 * d:],
                             bp1.reshape(1, 64), Wp2, bp2.reshape(1, 32),
                             Wp3, bp3.reshape(1, 1))
    out = jnp.stack([oute.reshape(-1), outo.reshape(-1)], axis=1)
    return out.reshape(e_pad)[:e]

# --- scband reference (transcript-rebuilt; emitter-appended) ---
"""Pipeline reference for scband-lateral-movement-gnn-81544249081906 (READ-ONLY COPY).

The authoritative reference and input builder live on the scoring server;
editing this copy changes nothing except your own understanding.
"""

import jax, jax.numpy as jnp
import numpy as np

N = 10000
E = 320000
F_IN = 128
H = 64
D = 32
T = 16

def _lin(k, fan_in, fan_out):
    return jax.random.normal(k, (fan_in, fan_out), dtype=jnp.float32) * (1.0 / np.sqrt(fan_in))

def setup_inputs(seed: int = 0):
    key = jax.random.key(seed)
    ks = jax.random.split(key, 16)
    inp = {}
    inp["x"] = jax.random.normal(ks[0], (N, F_IN), dtype=jnp.float32)
    inp["edge_index"] = jax.random.randint(ks[1], (2, E), 0, N, dtype=jnp.int32)
    inp["pred_edges"] = jax.random.randint(ks[2], (2, E), 0, N, dtype=jnp.int32)
    inp["timestamps"] = jax.random.uniform(ks[3], (E,), dtype=jnp.float32)
    # SAGEConv 1: lin_l (neighbor, with bias), lin_r (root, no bias)
    inp["W1_l"] = _lin(ks[4], F_IN, H); inp["b1_l"] = jnp.zeros((H,), jnp.float32)
    inp["W1_r"] = _lin(ks[5], F_IN, H)
    # SAGEConv 2
    inp["W2_l"] = _lin(ks[6], H, D); inp["b2_l"] = jnp.zeros((D,), jnp.float32)
    inp["W2_r"] = _lin(ks[7], H, D)
    # Temporal edge encoder: Linear(1,32) -> ReLU -> Linear(32,T)
    inp["Wt1"] = _lin(ks[8], 1, 32); inp["bt1"] = jnp.zeros((32,), jnp.float32)
    inp["Wt2"] = _lin(ks[9], 32, T); inp["bt2"] = jnp.zeros((T,), jnp.float32)
    # Link predictor MLP: Linear(2D+T,64) -> ReLU -> Linear(64,32) -> ReLU -> Linear(32,1)
    inp["Wp1"] = _lin(ks[10], 2 * D + T, 64); inp["bp1"] = jnp.zeros((64,), jnp.float32)
    inp["Wp2"] = _lin(ks[11], 64, 32); inp["bp2"] = jnp.zeros((32,), jnp.float32)
    inp["Wp3"] = _lin(ks[12], 32, 1); inp["bp3"] = jnp.zeros((1,), jnp.float32)
    return inp

def _sage(x, src, dst, Wl, bl, Wr, n):
    # PyG SAGEConv (aggr='mean'): out = lin_l(mean_{j in N(i)} x_j) + lin_r(x_i)
    msg = jnp.take(x, src, axis=0)
    agg = jax.ops.segment_sum(msg, dst, num_segments=n)
    deg = jax.ops.segment_sum(jnp.ones(src.shape[0], dtype=x.dtype), dst, num_segments=n)
    mean = agg / jnp.clip(deg, 1.0, None)[:, None]
    return mean @ Wl + bl + x @ Wr

def reference(x, edge_index, pred_edges, timestamps, W1_l, b1_l, W1_r, W2_l, b2_l, W2_r, Wt1, bt1, Wt2, bt2, Wp1, bp1, Wp2, bp2, Wp3, bp3):
    src, dst = edge_index[0], edge_index[1]
    # GraphSAGE encoder (dropout = identity at inference)
    h = _sage(x, src, dst, W1_l, b1_l, W1_r, N)
    h = jax.nn.relu(h)
    z = _sage(h, src, dst, W2_l, b2_l, W2_r, N)
    # decode: gather endpoints of prediction edges
    z_src = jnp.take(z, pred_edges[0], axis=0)
    z_dst = jnp.take(z, pred_edges[1], axis=0)
    # temporal edge encoder
    tfeat = jax.nn.relu(timestamps[:, None] @ Wt1 + bt1) @ Wt2 + bt2
    hcat = jnp.concatenate([z_src, z_dst, tfeat], axis=-1)
    out = jax.nn.relu(hcat @ Wp1 + bp1)
    out = jax.nn.relu(out @ Wp2 + bp2)
    out = out @ Wp3 + bp3
    return out.squeeze(-1)

if __name__ == "__main__":
    import jax
    _d = setup_inputs()
    print(jax.jit(kernel)(*tuple(_d.values())))

</pallas_src>

<mosaic_0001>
#map = affine_map<(d0, d1) -> (0, 0)>
#map1 = affine_map<(d0, d1) -> (0, 0, 0)>
module attributes {stable_mosaic.version = 14 : i64} {
  func.func @body(%arg0: i32, %arg1: i32, %arg2: memref<10000x32xf32, #tpu.memory_space<hbm>>, %arg3: memref<32x160x128xi32, #tpu.memory_space<hbm>>, %arg4: memref<655360x32xf32, #tpu.memory_space<hbm>>, %arg5: memref<160x128xi32, #tpu.memory_space<vmem>>, %arg6: memref<2x128x32xf32, #tpu.memory_space<vmem>>, %arg7: memref<2x!tpu.dma_semaphore, #tpu.memory_space<semaphore_mem>>) attributes {dimension_semantics = [#tpu.dimension_semantics<core_parallel>, #tpu.dimension_semantics<subcore_parallel>], iteration_bounds = array<i64: 2, 16>, scalar_prefetch = 0 : i64, scratch_operands = 3 : i64, tpu.core_type = #tpu.core_type<sc_vector_subcore>, window_params = [{transform_indices = #map}, {transform_indices = #map1}, {transform_indices = #map}]} {
    %mul3A = arith.constant 2 : i32
    %mul3A_0 = arith.muli %arg1, %mul3A : i32
    %add3A = arith.addi %mul3A_0, %arg0 : i32
    %mul3A_1 = arith.constant 160 : i32
    %mul3A_2 = arith.muli %add3A, %mul3A_1 : i32
    %mul3A_3 = arith.constant 128 : i32
    %mul3A_4 = arith.muli %mul3A_2, %mul3A_3 : i32
    "tpu.region"() ({
      %run_scoped3A = tpu.sem_alloc : memref<!tpu.dma_semaphore, #tpu.memory_space<semaphore_mem>>
      %dma_start3A_24 = arith.constant 0 : i32
      %dma_start3A_25 = arith.constant 0 : i32
      %dma_start3A_26 = tpu.memref_slice %arg3[%add3A, %dma_start3A_24, %dma_start3A_25] : memref<32x160x128xi32, #tpu.memory_space<hbm>> -> memref<1x160x128xi32, #tpu.memory_space<hbm>>
      %dma_start3A_27 = tpu.memref_squeeze %dma_start3A_26 : memref<1x160x128xi32, #tpu.memory_space<hbm>> -> memref<160x128xi32, #tpu.memory_space<hbm>>
      %dma_start3A_28 = arith.constant 0 : i32
      %dma_start3A_29 = arith.constant 0 : i32
      %dma_start3A_30 = tpu.memref_slice %arg3[%add3A, %dma_start3A_28, %dma_start3A_29] : memref<32x160x128xi32, #tpu.memory_space<hbm>> -> memref<1x160x128xi32, #tpu.memory_space<hbm>>
      %dma_start3A_31 = tpu.memref_squeeze %dma_start3A_30 : memref<1x160x128xi32, #tpu.memory_space<hbm>> -> memref<160x128xi32, #tpu.memory_space<hbm>>
      tpu.enqueue_dma source(%dma_start3A_31 : memref<160x128xi32, #tpu.memory_space<hbm>>) target(%arg5 : memref<160x128xi32, #tpu.memory_space<vmem>>) target_semaphore(%run_scoped3A : memref<!tpu.dma_semaphore, #tpu.memory_space<semaphore_mem>>)
      %dma_wait3A = arith.constant 0 : i32
      %dma_wait3A_32 = arith.constant 0 : i32
      %dma_wait3A_33 = tpu.memref_slice %arg3[%add3A, %dma_wait3A, %dma_wait3A_32] : memref<32x160x128xi32, #tpu.memory_space<hbm>> -> memref<1x160x128xi32, #tpu.memory_space<hbm>>
      %dma_wait3A_34 = tpu.memref_squeeze %dma_wait3A_33 : memref<1x160x128xi32, #tpu.memory_space<hbm>> -> memref<160x128xi32, #tpu.memory_space<hbm>>
      %dma_wait3A_35 = arith.constant 0 : i32
      %dma_wait3A_36 = arith.constant 0 : i32
      %dma_wait3A_37 = tpu.memref_slice %arg3[%add3A, %dma_wait3A_35, %dma_wait3A_36] : memref<32x160x128xi32, #tpu.memory_space<hbm>> -> memref<1x160x128xi32, #tpu.memory_space<hbm>>
      %dma_wait3A_38 = tpu.memref_squeeze %dma_wait3A_37 : memref<1x160x128xi32, #tpu.memory_space<hbm>> -> memref<160x128xi32, #tpu.memory_space<hbm>>
      tpu.wait_dma2 semaphore(%run_scoped3A : memref<!tpu.dma_semaphore, #tpu.memory_space<semaphore_mem>>) src(%dma_wait3A_38 : memref<160x128xi32, #tpu.memory_space<hbm>>) dst(%arg5 : memref<160x128xi32, #tpu.memory_space<vmem>>)
      tpu.yield
    }) : () -> ()
    %dma_start3A = arith.constant 0 : i32
    %dma_start3A_5 = arith.constant 0 : i32
    %dma_start3A_6 = arith.constant 0 : i32
    %dma_start3A_7 = arith.constant 0 : i32
    %dma_start3A_8 = arith.constant 0 : i32
    %dma_start3A_9 = tpu.memref_slice %arg6[%dma_start3A_5, %dma_start3A_7, %dma_start3A_8] : memref<2x128x32xf32, #tpu.memory_space<vmem>> -> memref<1x128x32xf32, #tpu.memory_space<vmem>>
    %dma_start3A_10 = tpu.memref_squeeze %dma_start3A_9 : memref<1x128x32xf32, #tpu.memory_space<vmem>> -> memref<128x32xf32, #tpu.memory_space<vmem>>
    %dma_start3A_11 = arith.constant 0 : i32
    %dma_start3A_12 = tpu.memref_slice %arg5[%dma_start3A, %dma_start3A_11] : memref<160x128xi32, #tpu.memory_space<vmem>> -> memref<1x128xi32, #tpu.memory_space<vmem>>
    %dma_start3A_13 = tpu.memref_squeeze %dma_start3A_12 : memref<1x128xi32, #tpu.memory_space<vmem>> -> memref<128xi32, #tpu.memory_space<vmem>>
    %dma_start3A_14 = arith.constant 0 : i32
    %dma_start3A_15 = arith.constant 0 : i32
    %dma_start3A_16 = tpu.memref_slice %arg2[%dma_start3A_14, %dma_start3A_15] : memref<10000x32xf32, #tpu.memory_space<hbm>> -> memref<10000x32xf32, #tpu.memory_space<hbm>>
    %dma_start3A_17 = tpu.memref_slice %arg7[%dma_start3A_6] : memref<2x!tpu.dma_semaphore, #tpu.memory_space<semaphore_mem>> -> memref<1x!tpu.dma_semaphore, #tpu.memory_space<semaphore_mem>>
    %dma_start3A_18 = tpu.memref_squeeze %dma_start3A_17 : memref<1x!tpu.dma_semaphore, #tpu.memory_space<semaphore_mem>> -> memref<!tpu.dma_semaphore, #tpu.memory_space<semaphore_mem>>
    tpu.enqueue_indirect_dma source(%dma_start3A_16 : memref<10000x32xf32, #tpu.memory_space<hbm>>) target(%dma_start3A_10 : memref<128x32xf32, #tpu.memory_space<vmem>>) offsets(%dma_start3A_13 : memref<128xi32, #tpu.memory_space<vmem>>) semaphore(%dma_start3A_18 : memref<!tpu.dma_semaphore, #tpu.memory_space<semaphore_mem>>)
    %scan3A = arith.constant 0 : i32
    %scan3A_19 = arith.constant 0 : i32
    %scan3A_20 = arith.constant 160 : i32
    %scan3A_21 = arith.addi %scan3A_19, %scan3A_20 : i32
    %scan3A_22 = arith.constant 1 : i32
    scf.for %scan3A_24 = %scan3A_19 to %scan3A_21 step %scan3A_22  : i32 {
      %rem3A = arith.constant 2 : i32
      %rem3A_25 = arith.remsi %scan3A_24, %rem3A : i32
      %add3A_26 = arith.constant 1 : i32
      %add3A_27 = arith.addi %scan3A_24, %add3A_26 : i32
      %rem3A_28 = arith.constant 2 : i32
      %rem3A_29 = arith.remsi %add3A_27, %rem3A_28 : i32
      %add3A_30 = arith.constant 1 : i32
      %add3A_31 = arith.addi %scan3A_24, %add3A_30 : i32
      %lt3A = arith.constant 160 : i32
      %lt3A_32 = arith.cmpi slt, %add3A_31, %lt3A : i32
      %convert_element_type3A = arith.extui %lt3A_32 : i1 to i32
      %cond3A = arith.constant 0 : i32
      %cond3A_33 = arith.cmpi ne, %convert_element_type3A, %cond3A : i32
      scf.if %cond3A_33 {
        %add3A_48 = arith.constant 1 : i32
        %add3A_49 = arith.addi %scan3A_24, %add3A_48 : i32
        %dma_start3A_50 = arith.constant 0 : i32
        %dma_start3A_51 = arith.constant 0 : i32
        %dma_start3A_52 = tpu.memref_slice %arg6[%rem3A_29, %dma_start3A_50, %dma_start3A_51] : memref<2x128x32xf32, #tpu.memory_space<vmem>> -> memref<1x128x32xf32, #tpu.memory_space<vmem>>
        %dma_start3A_53 = tpu.memref_squeeze %dma_start3A_52 : memref<1x128x32xf32, #tpu.memory_space<vmem>> -> memref<128x32xf32, #tpu.memory_space<vmem>>
        %dma_start3A_54 = arith.constant 0 : i32
        %dma_start3A_55 = tpu.memref_slice %arg5[%add3A_49, %dma_start3A_54] : memref<160x128xi32, #tpu.memory_space<vmem>> -> memref<1x128xi32, #tpu.memory_space<vmem>>
        %dma_start3A_56 = tpu.memref_squeeze %dma_start3A_55 : memref<1x128xi32, #tpu.memory_space<vmem>> -> memref<128xi32, #tpu.memory_space<vmem>>
        %dma_start3A_57 = arith.constant 0 : i32
        %dma_start3A_58 = arith.constant 0 : i32
        %dma_start3A_59 = tpu.memref_slice %arg2[%dma_start3A_57, %dma_start3A_58] : memref<10000x32xf32, #tpu.memory_space<hbm>> -> memref<10000x32xf32, #tpu.memory_space<hbm>>
        %dma_start3A_60 = tpu.memref_slice %arg7[%rem3A_29] : memref<2x!tpu.dma_semaphore, #tpu.memory_space<semaphore_mem>> -> memref<1x!tpu.dma_semaphore, #tpu.memory_space<semaphore_mem>>
        %dma_start3A_61 = tpu.memref_squeeze %dma_start3A_60 : memref<1x!tpu.dma_semaphore, #tpu.memory_space<semaphore_mem>> -> memref<!tpu.dma_semaphore, #tpu.memory_space<semaphore_mem>>
        tpu.enqueue_indirect_dma source(%dma_start3A_59 : memref<10000x32xf32, #tpu.memory_space<hbm>>) target(%dma_start3A_53 : memref<128x32xf32, #tpu.memory_space<vmem>>) offsets(%dma_start3A_56 : memref<128xi32, #tpu.memory_space<vmem>>) semaphore(%dma_start3A_61 : memref<!tpu.dma_semaphore, #tpu.memory_space<semaphore_mem>>)
      } else {
      }
      %dma_wait3A = arith.constant 0 : i32
      %dma_wait3A_34 = arith.constant 0 : i32
      %dma_wait3A_35 = tpu.memref_slice %arg6[%rem3A_25, %dma_wait3A, %dma_wait3A_34] : memref<2x128x32xf32, #tpu.memory_space<vmem>> -> memref<1x128x32xf32, #tpu.memory_space<vmem>>
      %dma_wait3A_36 = tpu.memref_squeeze %dma_wait3A_35 : memref<1x128x32xf32, #tpu.memory_space<vmem>> -> memref<128x32xf32, #tpu.memory_space<vmem>>
      %dma_wait3A_37 = arith.constant 0 : i32
      %dma_wait3A_38 = tpu.memref_slice %arg5[%scan3A_24, %dma_wait3A_37] : memref<160x128xi32, #tpu.memory_space<vmem>> -> memref<1x128xi32, #tpu.memory_space<vmem>>
      %dma_wait3A_39 = tpu.memref_squeeze %dma_wait3A_38 : memref<1x128xi32, #tpu.memory_space<vmem>> -> memref<128xi32, #tpu.memory_space<vmem>>
      %dma_wait3A_40 = arith.constant 0 : i32
      %dma_wait3A_41 = arith.constant 0 : i32
      %dma_wait3A_42 = tpu.memref_slice %arg2[%dma_wait3A_40, %dma_wait3A_41] : memref<10000x32xf32, #tpu.memory_space<hbm>> -> memref<10000x32xf32, #tpu.memory_space<hbm>>
      %dma_wait3A_43 = tpu.memref_slice %arg7[%rem3A_25] : memref<2x!tpu.dma_semaphore, #tpu.memory_space<semaphore_mem>> -> memref<1x!tpu.dma_semaphore, #tpu.memory_space<semaphore_mem>>
      %dma_wait3A_44 = tpu.memref_squeeze %dma_wait3A_43 : memref<1x!tpu.dma_semaphore, #tpu.memory_space<semaphore_mem>> -> memref<!tpu.dma_semaphore, #tpu.memory_space<semaphore_mem>>
      tpu.wait_indirect_dma semaphore(%dma_wait3A_44 : memref<!tpu.dma_semaphore, #tpu.memory_space<semaphore_mem>>) src(%dma_wait3A_42 : memref<10000x32xf32, #tpu.memory_space<hbm>>) dst(%dma_wait3A_36 : memref<128x32xf32, #tpu.memory_space<vmem>>)
      %mul3A_45 = arith.constant 128 : i32
      %mul3A_46 = arith.muli %scan3A_24, %mul3A_45 : i32
      %add3A_47 = arith.addi %mul3A_4, %mul3A_46 : i32
      "tpu.region"() ({
        %run_scoped3A = tpu.sem_alloc : memref<!tpu.dma_semaphore, #tpu.memory_space<semaphore_mem>>
        %dma_start3A_48 = arith.constant 0 : i32
        %dma_start3A_49 = arith.constant 0 : i32
        %dma_start3A_50 = tpu.memref_slice %arg6[%rem3A_25, %dma_start3A_48, %dma_start3A_49] : memref<2x128x32xf32, #tpu.memory_space<vmem>> -> memref<1x128x32xf32, #tpu.memory_space<vmem>>
        %dma_start3A_51 = tpu.memref_squeeze %dma_start3A_50 : memref<1x128x32xf32, #tpu.memory_space<vmem>> -> memref<128x32xf32, #tpu.memory_space<vmem>>
        %dma_start3A_52 = arith.constant 0 : i32
        %dma_start3A_53 = tpu.memref_slice %arg4[%add3A_47, %dma_start3A_52] : memref<655360x32xf32, #tpu.memory_space<hbm>> -> memref<128x32xf32, #tpu.memory_space<hbm>>
        %dma_start3A_54 = arith.constant 0 : i32
        %dma_start3A_55 = tpu.memref_slice %arg4[%add3A_47, %dma_start3A_54] : memref<655360x32xf32, #tpu.memory_space<hbm>> -> memref<128x32xf32, #tpu.memory_space<hbm>>
        %dma_start3A_56 = arith.constant 0 : i32
        %dma_start3A_57 = arith.constant 0 : i32
        %dma_start3A_58 = tpu.memref_slice %arg6[%rem3A_25, %dma_start3A_56, %dma_start3A_57] : memref<2x128x32xf32, #tpu.memory_space<vmem>> -> memref<1x128x32xf32, #tpu.memory_space<vmem>>
        %dma_start3A_59 = tpu.memref_squeeze %dma_start3A_58 : memref<1x128x32xf32, #tpu.memory_space<vmem>> -> memref<128x32xf32, #tpu.memory_space<vmem>>
        tpu.enqueue_dma source(%dma_start3A_59 : memref<128x32xf32, #tpu.memory_space<vmem>>) target(%dma_start3A_55 : memref<128x32xf32, #tpu.memory_space<hbm>>) target_semaphore(%run_scoped3A : memref<!tpu.dma_semaphore, #tpu.memory_space<semaphore_mem>>)
        %dma_wait3A_60 = arith.constant 0 : i32
        %dma_wait3A_61 = arith.constant 0 : i32
        %dma_wait3A_62 = tpu.memref_slice %arg6[%rem3A_25, %dma_wait3A_60, %dma_wait3A_61] : memref<2x128x32xf32, #tpu.memory_space<vmem>> -> memref<1x128x32xf32, #tpu.memory_space<vmem>>
        %dma_wait3A_63 = tpu.memref_squeeze %dma_wait3A_62 : memref<1x128x32xf32, #tpu.memory_space<vmem>> -> memref<128x32xf32, #tpu.memory_space<vmem>>
        %dma_wait3A_64 = arith.constant 0 : i32
        %dma_wait3A_65 = tpu.memref_slice %arg4[%add3A_47, %dma_wait3A_64] : memref<655360x32xf32, #tpu.memory_space<hbm>> -> memref<128x32xf32, #tpu.memory_space<hbm>>
        %dma_wait3A_66 = arith.constant 0 : i32
        %dma_wait3A_67 = tpu.memref_slice %arg4[%add3A_47, %dma_wait3A_66] : memref<655360x32xf32, #tpu.memory_space<hbm>> -> memref<128x32xf32, #tpu.memory_space<hbm>>
        %dma_wait3A_68 = arith.constant 0 : i32
        %dma_wait3A_69 = arith.constant 0 : i32
        %dma_wait3A_70 = tpu.memref_slice %arg6[%rem3A_25, %dma_wait3A_68, %dma_wait3A_69] : memref<2x128x32xf32, #tpu.memory_space<vmem>> -> memref<1x128x32xf32, #tpu.memory_space<vmem>>
        %dma_wait3A_71 = tpu.memref_squeeze %dma_wait3A_70 : memref<1x128x32xf32, #tpu.memory_space<vmem>> -> memref<128x32xf32, #tpu.memory_space<vmem>>
        tpu.wait_dma2 semaphore(%run_scoped3A : memref<!tpu.dma_semaphore, #tpu.memory_space<semaphore_mem>>) src(%dma_wait3A_71 : memref<128x32xf32, #tpu.memory_space<vmem>>) dst(%dma_wait3A_67 : memref<128x32xf32, #tpu.memory_space<hbm>>)
        tpu.yield
      }) : () -> ()
    }
    %scan3A_23 = arith.constant 160 : i32
    return
  }
}

#map = affine_map<(d0, d1) -> (0, 0)>
#map1 = affine_map<(d0, d1) -> (0, 0, 0)>
module attributes {stable_mosaic.version = 14 : i64} {
  func.func @body(%arg0: i32, %arg1: i32, %arg2: memref<10000x64xf32, #tpu.memory_space<hbm>>, %arg3: memref<32x125x80xi32, #tpu.memory_space<hbm>>, %arg4: memref<32x125x80xi32, #tpu.memory_space<hbm>>, %arg5: memref<10000x64xf32, #tpu.memory_space<hbm>>, %arg6: memref<10000x16xf32, #tpu.memory_space<hbm>>, %arg7: memref<80x16xf32, #tpu.memory_space<hbm>>, %arg8: memref<2x10000x64xf32, #tpu.memory_space<hbm>>, %arg9: memref<2x10000x16xf32, #tpu.memory_space<hbm>>, %arg10: memref<125x80xi32, #tpu.memory_space<vmem>>, %arg11: memref<125x80xi32, #tpu.memory_space<vmem>>, %arg12: memref<2x80x64xf32, #tpu.memory_space<vmem>>, %arg13: memref<80x16xf32, #tpu.memory_space<vmem>>, %arg14: memref<2x!tpu.dma_semaphore, #tpu.memory_space<semaphore_mem>>, %arg15: memref<2x!tpu.dma_semaphore, #tpu.memory_space<semaphore_mem>>, %arg16: memref<10016x64xf32, #tpu.memory_space<vmem_shared>>, %arg17: memref<10016x16xf32, #tpu.memory_space<vmem_shared>>) attributes {dimension_semantics = [#tpu.dimension_semantics<core_parallel>, #tpu.dimension_semantics<subcore_parallel>], iteration_bounds = array<i64: 2, 16>, scalar_prefetch = 0 : i64, scratch_operands = 8 : i64, tpu.core_type = #tpu.core_type<sc_vector_subcore>, window_params = [{transform_indices = #map}, {transform_indices = #map1}, {transform_indices = #map1}, {transform_indices = #map}, {transform_indices = #map}, {transform_indices = #map}, {transform_indices = #map1}, {transform_indices = #map1}]} {
    %mul3A = arith.constant 2 : i32
    %mul3A_0 = arith.muli %arg1, %mul3A : i32
    %add3A = arith.addi %mul3A_0, %arg0 : i32
    %mul3A_1 = arith.constant 624 : i32
    %mul3A_2 = arith.muli %arg1, %mul3A_1 : i32
    "tpu.region"() ({
      %run_scoped3A = tpu.sem_alloc : memref<!tpu.dma_semaphore, #tpu.memory_space<semaphore_mem>>
      %dma_start3A_37 = arith.constant 0 : i32
      %dma_start3A_38 = tpu.memref_slice %arg16[%mul3A_2, %dma_start3A_37] : memref<10016x64xf32, #tpu.memory_space<vmem_shared>> -> memref<640x64xf32, #tpu.memory_space<vmem_shared>>
      %dma_start3A_39 = arith.constant 0 : i32
      %dma_start3A_40 = tpu.memref_slice %arg5[%mul3A_2, %dma_start3A_39] : memref<10000x64xf32, #tpu.memory_space<hbm>> -> memref<640x64xf32, #tpu.memory_space<hbm>>
      tpu.enqueue_dma source(%dma_start3A_40 : memref<640x64xf32, #tpu.memory_space<hbm>>) target(%dma_start3A_38 : memref<640x64xf32, #tpu.memory_space<vmem_shared>>) target_semaphore(%run_scoped3A : memref<!tpu.dma_semaphore, #tpu.memory_space<semaphore_mem>>)
      %dma_wait3A_41 = arith.constant 0 : i32
      %dma_wait3A_42 = tpu.memref_slice %arg16[%mul3A_2, %dma_wait3A_41] : memref<10016x64xf32, #tpu.memory_space<vmem_shared>> -> memref<640x64xf32, #tpu.memory_space<vmem_shared>>
      %dma_wait3A_43 = arith.constant 0 : i32
      %dma_wait3A_44 = tpu.memref_slice %arg5[%mul3A_2, %dma_wait3A_43] : memref<10000x64xf32, #tpu.memory_space<hbm>> -> memref<640x64xf32, #tpu.memory_space<hbm>>
      tpu.wait_dma2 semaphore(%run_scoped3A : memref<!tpu.dma_semaphore, #tpu.memory_space<semaphore_mem>>) src(%dma_wait3A_44 : memref<640x64xf32, #tpu.memory_space<hbm>>) dst(%dma_wait3A_42 : memref<640x64xf32, #tpu.memory_space<vmem_shared>>)
      tpu.yield
    }) : () -> ()
    "tpu.region"() ({
      %run_scoped3A = tpu.sem_alloc : memref<!tpu.dma_semaphore, #tpu.memory_space<semaphore_mem>>
      %dma_start3A_37 = arith.constant 0 : i32
      %dma_start3A_38 = tpu.memref_slice %arg17[%mul3A_2, %dma_start3A_37] : memref<10016x16xf32, #tpu.memory_space<vmem_shared>> -> memref<640x16xf32, #tpu.memory_space<vmem_shared>>
      %dma_start3A_39 = arith.constant 0 : i32
      %dma_start3A_40 = tpu.memref_slice %arg6[%mul3A_2, %dma_start3A_39] : memref<10000x16xf32, #tpu.memory_space<hbm>> -> memref<640x16xf32, #tpu.memory_space<hbm>>
      tpu.enqueue_dma source(%dma_start3A_40 : memref<640x16xf32, #tpu.memory_space<hbm>>) target(%dma_start3A_38 : memref<640x16xf32, #tpu.memory_space<vmem_shared>>) target_semaphore(%run_scoped3A : memref<!tpu.dma_semaphore, #tpu.memory_space<semaphore_mem>>)
      %dma_wait3A_41 = arith.constant 0 : i32
      %dma_wait3A_42 = tpu.memref_slice %arg17[%mul3A_2, %dma_wait3A_41] : memref<10016x16xf32, #tpu.memory_space<vmem_shared>> -> memref<640x16xf32, #tpu.memory_space<vmem_shared>>
      %dma_wait3A_43 = arith.constant 0 : i32
      %dma_wait3A_44 = tpu.memref_slice %arg6[%mul3A_2, %dma_wait3A_43] : memref<10000x16xf32, #tpu.memory_space<hbm>> -> memref<640x16xf32, #tpu.memory_space<hbm>>
      tpu.wait_dma2 semaphore(%run_scoped3A : memref<!tpu.dma_semaphore, #tpu.memory_space<semaphore_mem>>) src(%dma_wait3A_44 : memref<640x16xf32, #tpu.memory_space<hbm>>) dst(%dma_wait3A_42 : memref<640x16xf32, #tpu.memory_space<vmem_shared>>)
      tpu.yield
    }) : () -> ()
    "tpu.region"() ({
      %run_scoped3A = tpu.sem_alloc : memref<!tpu.dma_semaphore, #tpu.memory_space<semaphore_mem>>
      tpu.enqueue_dma source(%arg7 : memref<80x16xf32, #tpu.memory_space<hbm>>) target(%arg13 : memref<80x16xf32, #tpu.memory_space<vmem>>) target_semaphore(%run_scoped3A : memref<!tpu.dma_semaphore, #tpu.memory_space<semaphore_mem>>)
      tpu.wait_dma2 semaphore(%run_scoped3A : memref<!tpu.dma_semaphore, #tpu.memory_space<semaphore_mem>>) src(%arg7 : memref<80x16xf32, #tpu.memory_space<hbm>>) dst(%arg13 : memref<80x16xf32, #tpu.memory_space<vmem>>)
      tpu.yield
    }) : () -> ()
    "tpu.region"() ({
      %run_scoped3A = tpu.sem_alloc : memref<!tpu.dma_semaphore, #tpu.memory_space<semaphore_mem>>
      %dma_start3A_37 = arith.constant 0 : i32
      %dma_start3A_38 = arith.constant 0 : i32
      %dma_start3A_39 = tpu.memref_slice %arg3[%add3A, %dma_start3A_37, %dma_start3A_38] : memref<32x125x80xi32, #tpu.memory_space<hbm>> -> memref<1x125x80xi32, #tpu.memory_space<hbm>>
      %dma_start3A_40 = tpu.memref_squeeze %dma_start3A_39 : memref<1x125x80xi32, #tpu.memory_space<hbm>> -> memref<125x80xi32, #tpu.memory_space<hbm>>
      %dma_start3A_41 = arith.constant 0 : i32
      %dma_start3A_42 = arith.constant 0 : i32
      %dma_start3A_43 = tpu.memref_slice %arg3[%add3A, %dma_start3A_41, %dma_start3A_42] : memref<32x125x80xi32, #tpu.memory_space<hbm>> -> memref<1x125x80xi32, #tpu.memory_space<hbm>>
      %dma_start3A_44 = tpu.memref_squeeze %dma_start3A_43 : memref<1x125x80xi32, #tpu.memory_space<hbm>> -> memref<125x80xi32, #tpu.memory_space<hbm>>
      tpu.enqueue_dma source(%dma_start3A_44 : memref<125x80xi32, #tpu.memory_space<hbm>>) target(%arg10 : memref<125x80xi32, #tpu.memory_space<vmem>>) target_semaphore(%run_scoped3A : memref<!tpu.dma_semaphore, #tpu.memory_space<semaphore_mem>>)
      %dma_wait3A_45 = arith.constant 0 : i32
      %dma_wait3A_46 = arith.constant 0 : i32
      %dma_wait3A_47 = tpu.memref_slice %arg3[%add3A, %dma_wait3A_45, %dma_wait3A_46] : memref<32x125x80xi32, #tpu.memory_space<hbm>> -> memref<1x125x80xi32, #tpu.memory_space<hbm>>
      %dma_wait3A_48 = tpu.memref_squeeze %dma_wait3A_47 : memref<1x125x80xi32, #tpu.memory_space<hbm>> -> memref<125x80xi32, #tpu.memory_space<hbm>>
      %dma_wait3A_49 = arith.constant 0 : i32
      %dma_wait3A_50 = arith.constant 0 : i32
      %dma_wait3A_51 = tpu.memref_slice %arg3[%add3A, %dma_wait3A_49, %dma_wait3A_50] : memref<32x125x80xi32, #tpu.memory_space<hbm>> -> memref<1x125x80xi32, #tpu.memory_space<hbm>>
      %dma_wait3A_52 = tpu.memref_squeeze %dma_wait3A_51 : memref<1x125x80xi32, #tpu.memory_space<hbm>> -> memref<125x80xi32, #tpu.memory_space<hbm>>
      tpu.wait_dma2 semaphore(%run_scoped3A : memref<!tpu.dma_semaphore, #tpu.memory_space<semaphore_mem>>) src(%dma_wait3A_52 : memref<125x80xi32, #tpu.memory_space<hbm>>) dst(%arg10 : memref<125x80xi32, #tpu.memory_space<vmem>>)
      tpu.yield
    }) : () -> ()
    "tpu.region"() ({
      %run_scoped3A = tpu.sem_alloc : memref<!tpu.dma_semaphore, #tpu.memory_space<semaphore_mem>>
      %dma_start3A_37 = arith.constant 0 : i32
      %dma_start3A_38 = arith.constant 0 : i32
      %dma_start3A_39 = tpu.memref_slice %arg4[%add3A, %dma_start3A_37, %dma_start3A_38] : memref<32x125x80xi32, #tpu.memory_space<hbm>> -> memref<1x125x80xi32, #tpu.memory_space<hbm>>
      %dma_start3A_40 = tpu.memref_squeeze %dma_start3A_39 : memref<1x125x80xi32, #tpu.memory_space<hbm>> -> memref<125x80xi32, #tpu.memory_space<hbm>>
      %dma_start3A_41 = arith.constant 0 : i32
      %dma_start3A_42 = arith.constant 0 : i32
      %dma_start3A_43 = tpu.memref_slice %arg4[%add3A, %dma_start3A_41, %dma_start3A_42] : memref<32x125x80xi32, #tpu.memory_space<hbm>> -> memref<1x125x80xi32, #tpu.memory_space<hbm>>
      %dma_start3A_44 = tpu.memref_squeeze %dma_start3A_43 : memref<1x125x80xi32, #tpu.memory_space<hbm>> -> memref<125x80xi32, #tpu.memory_space<hbm>>
      tpu.enqueue_dma source(%dma_start3A_44 : memref<125x80xi32, #tpu.memory_space<hbm>>) target(%arg11 : memref<125x80xi32, #tpu.memory_space<vmem>>) target_semaphore(%run_scoped3A : memref<!tpu.dma_semaphore, #tpu.memory_space<semaphore_mem>>)
      %dma_wait3A_45 = arith.constant 0 : i32
      %dma_wait3A_46 = arith.constant 0 : i32
      %dma_wait3A_47 = tpu.memref_slice %arg4[%add3A, %dma_wait3A_45, %dma_wait3A_46] : memref<32x125x80xi32, #tpu.memory_space<hbm>> -> memref<1x125x80xi32, #tpu.memory_space<hbm>>
      %dma_wait3A_48 = tpu.memref_squeeze %dma_wait3A_47 : memref<1x125x80xi32, #tpu.memory_space<hbm>> -> memref<125x80xi32, #tpu.memory_space<hbm>>
      %dma_wait3A_49 = arith.constant 0 : i32
      %dma_wait3A_50 = arith.constant 0 : i32
      %dma_wait3A_51 = tpu.memref_slice %arg4[%add3A, %dma_wait3A_49, %dma_wait3A_50] : memref<32x125x80xi32, #tpu.memory_space<hbm>> -> memref<1x125x80xi32, #tpu.memory_space<hbm>>
      %dma_wait3A_52 = tpu.memref_squeeze %dma_wait3A_51 : memref<1x125x80xi32, #tpu.memory_space<hbm>> -> memref<125x80xi32, #tpu.memory_space<hbm>>
      tpu.wait_dma2 semaphore(%run_scoped3A : memref<!tpu.dma_semaphore, #tpu.memory_space<semaphore_mem>>) src(%dma_wait3A_52 : memref<125x80xi32, #tpu.memory_space<hbm>>) dst(%arg11 : memref<125x80xi32, #tpu.memory_space<vmem>>)
      tpu.yield
    }) : () -> ()
    %dma_start3A = arith.constant 0 : i32
    %dma_start3A_3 = arith.constant 0 : i32
    %dma_start3A_4 = arith.constant 0 : i32
    %dma_start3A_5 = arith.constant 0 : i32
    %dma_start3A_6 = arith.constant 0 : i32
    %dma_start3A_7 = tpu.memref_slice %arg12[%dma_start3A_3, %dma_start3A_5, %dma_start3A_6] : memref<2x80x64xf32, #tpu.memory_space<vmem>> -> memref<1x80x64xf32, #tpu.memory_space<vmem>>
    %dma_start3A_8 = tpu.memref_squeeze %dma_start3A_7 : memref<1x80x64xf32, #tpu.memory_space<vmem>> -> memref<80x64xf32, #tpu.memory_space<vmem>>
    %dma_start3A_9 = arith.constant 0 : i32
    %dma_start3A_10 = tpu.memref_slice %arg10[%dma_start3A, %dma_start3A_9] : memref<125x80xi32, #tpu.memory_space<vmem>> -> memref<1x80xi32, #tpu.memory_space<vmem>>
    %dma_start3A_11 = tpu.memref_squeeze %dma_start3A_10 : memref<1x80xi32, #tpu.memory_space<vmem>> -> memref<80xi32, #tpu.memory_space<vmem>>
    %dma_start3A_12 = arith.constant 0 : i32
    %dma_start3A_13 = arith.constant 0 : i32
    %dma_start3A_14 = tpu.memref_slice %arg2[%dma_start3A_12, %dma_start3A_13] : memref<10000x64xf32, #tpu.memory_space<hbm>> -> memref<10000x64xf32, #tpu.memory_space<hbm>>
    %dma_start3A_15 = tpu.memref_slice %arg14[%dma_start3A_4] : memref<2x!tpu.dma_semaphore, #tpu.memory_space<semaphore_mem>> -> memref<1x!tpu.dma_semaphore, #tpu.memory_space<semaphore_mem>>
    %dma_start3A_16 = tpu.memref_squeeze %dma_start3A_15 : memref<1x!tpu.dma_semaphore, #tpu.memory_space<semaphore_mem>> -> memref<!tpu.dma_semaphore, #tpu.memory_space<semaphore_mem>>
    tpu.enqueue_indirect_dma source(%dma_start3A_14 : memref<10000x64xf32, #tpu.memory_space<hbm>>) target(%dma_start3A_8 : memref<80x64xf32, #tpu.memory_space<vmem>>) offsets(%dma_start3A_11 : memref<80xi32, #tpu.memory_space<vmem>>) semaphore(%dma_start3A_16 : memref<!tpu.dma_semaphore, #tpu.memory_space<semaphore_mem>>)
    %barrier3A = arith.constant 0 : index
    tpu.barrier barrier_id(%barrier3A)
    %scan3A = arith.constant 0 : i32
    %scan3A_17 = arith.constant 0 : i32
    %scan3A_18 = arith.constant 125 : i32
    %scan3A_19 = arith.addi %scan3A_17, %scan3A_18 : i32
    %scan3A_20 = arith.constant 1 : i32
    scf.for %scan3A_37 = %scan3A_17 to %scan3A_19 step %scan3A_20  : i32 {
      %rem3A = arith.constant 2 : i32
      %rem3A_38 = arith.remsi %scan3A_37, %rem3A : i32
      %add3A_39 = arith.constant 1 : i32
      %add3A_40 = arith.addi %scan3A_37, %add3A_39 : i32
      %rem3A_41 = arith.constant 2 : i32
      %rem3A_42 = arith.remsi %add3A_40, %rem3A_41 : i32
      %ge3A = arith.constant 1 : i32
      %ge3A_43 = arith.cmpi sge, %scan3A_37, %ge3A : i32
      %convert_element_type3A = arith.extui %ge3A_43 : i1 to i32
      %cond3A = arith.constant 0 : i32
      %cond3A_44 = arith.cmpi ne, %convert_element_type3A, %cond3A : i32
      scf.if %cond3A_44 {
        %dma_wait3A_75 = arith.constant 0 : i32
        %dma_wait3A_76 = arith.constant 0 : i32
        %dma_wait3A_77 = arith.constant 0 : i32
        %dma_wait3A_78 = tpu.memref_slice %arg12[%rem3A_42, %dma_wait3A_76, %dma_wait3A_77] : memref<2x80x64xf32, #tpu.memory_space<vmem>> -> memref<1x80x64xf32, #tpu.memory_space<vmem>>
        %dma_wait3A_79 = tpu.memref_squeeze %dma_wait3A_78 : memref<1x80x64xf32, #tpu.memory_space<vmem>> -> memref<80x64xf32, #tpu.memory_space<vmem>>
        %dma_wait3A_80 = arith.constant 0 : i32
        %dma_wait3A_81 = tpu.memref_slice %arg11[%dma_wait3A_75, %dma_wait3A_80] : memref<125x80xi32, #tpu.memory_space<vmem>> -> memref<1x80xi32, #tpu.memory_space<vmem>>
        %dma_wait3A_82 = tpu.memref_squeeze %dma_wait3A_81 : memref<1x80xi32, #tpu.memory_space<vmem>> -> memref<80xi32, #tpu.memory_space<vmem>>
        %dma_wait3A_83 = arith.constant 0 : i32
        %dma_wait3A_84 = arith.constant 0 : i32
        %dma_wait3A_85 = tpu.memref_slice %arg16[%dma_wait3A_83, %dma_wait3A_84] : memref<10016x64xf32, #tpu.memory_space<vmem_shared>> -> memref<10016x64xf32, #tpu.memory_space<vmem_shared>>
        %dma_wait3A_86 = tpu.memref_slice %arg15[%rem3A_42] : memref<2x!tpu.dma_semaphore, #tpu.memory_space<semaphore_mem>> -> memref<1x!tpu.dma_semaphore, #tpu.memory_space<semaphore_mem>>
        %dma_wait3A_87 = tpu.memref_squeeze %dma_wait3A_86 : memref<1x!tpu.dma_semaphore, #tpu.memory_space<semaphore_mem>> -> memref<!tpu.dma_semaphore, #tpu.memory_space<semaphore_mem>>
        tpu.wait_indirect_dma semaphore(%dma_wait3A_87 : memref<!tpu.dma_semaphore, #tpu.memory_space<semaphore_mem>>) src(%dma_wait3A_79 : memref<80x64xf32, #tpu.memory_space<vmem>>) dst(%dma_wait3A_85 : memref<10016x64xf32, #tpu.memory_space<vmem_shared>>)
      } else {
      }
      %add3A_45 = arith.constant 1 : i32
      %add3A_46 = arith.addi %scan3A_37, %add3A_45 : i32
      %lt3A = arith.constant 125 : i32
      %lt3A_47 = arith.cmpi slt, %add3A_46, %lt3A : i32
      %convert_element_type3A_48 = arith.extui %lt3A_47 : i1 to i32
      %cond3A_49 = arith.constant 0 : i32
      %cond3A_50 = arith.cmpi ne, %convert_element_type3A_48, %cond3A_49 : i32
      scf.if %cond3A_50 {
        %add3A_75 = arith.constant 1 : i32
        %add3A_76 = arith.addi %scan3A_37, %add3A_75 : i32
        %dma_start3A_77 = arith.constant 0 : i32
        %dma_start3A_78 = arith.constant 0 : i32
        %dma_start3A_79 = tpu.memref_slice %arg12[%rem3A_42, %dma_start3A_77, %dma_start3A_78] : memref<2x80x64xf32, #tpu.memory_space<vmem>> -> memref<1x80x64xf32, #tpu.memory_space<vmem>>
        %dma_start3A_80 = tpu.memref_squeeze %dma_start3A_79 : memref<1x80x64xf32, #tpu.memory_space<vmem>> -> memref<80x64xf32, #tpu.memory_space<vmem>>
        %dma_start3A_81 = arith.constant 0 : i32
        %dma_start3A_82 = tpu.memref_slice %arg10[%add3A_76, %dma_start3A_81] : memref<125x80xi32, #tpu.memory_space<vmem>> -> memref<1x80xi32, #tpu.memory_space<vmem>>
        %dma_start3A_83 = tpu.memref_squeeze %dma_start3A_82 : memref<1x80xi32, #tpu.memory_space<vmem>> -> memref<80xi32, #tpu.memory_space<vmem>>
        %dma_start3A_84 = arith.constant 0 : i32
        %dma_start3A_85 = arith.constant 0 : i32
        %dma_start3A_86 = tpu.memref_slice %arg2[%dma_start3A_84, %dma_start3A_85] : memref<10000x64xf32, #tpu.memory_space<hbm>> -> memref<10000x64xf32, #tpu.memory_space<hbm>>
        %dma_start3A_87 = tpu.memref_slice %arg14[%rem3A_42] : memref<2x!tpu.dma_semaphore, #tpu.memory_space<semaphore_mem>> -> memref<1x!tpu.dma_semaphore, #tpu.memory_space<semaphore_mem>>
        %dma_start3A_88 = tpu.memref_squeeze %dma_start3A_87 : memref<1x!tpu.dma_semaphore, #tpu.memory_space<semaphore_mem>> -> memref<!tpu.dma_semaphore, #tpu.memory_space<semaphore_mem>>
        tpu.enqueue_indirect_dma source(%dma_start3A_86 : memref<10000x64xf32, #tpu.memory_space<hbm>>) target(%dma_start3A_80 : memref<80x64xf32, #tpu.memory_space<vmem>>) offsets(%dma_start3A_83 : memref<80xi32, #tpu.memory_space<vmem>>) semaphore(%dma_start3A_88 : memref<!tpu.dma_semaphore, #tpu.memory_space<semaphore_mem>>)
      } else {
      }
      %dma_wait3A_51 = arith.constant 0 : i32
      %dma_wait3A_52 = arith.constant 0 : i32
      %dma_wait3A_53 = tpu.memref_slice %arg12[%rem3A_38, %dma_wait3A_51, %dma_wait3A_52] : memref<2x80x64xf32, #tpu.memory_space<vmem>> -> memref<1x80x64xf32, #tpu.memory_space<vmem>>
      %dma_wait3A_54 = tpu.memref_squeeze %dma_wait3A_53 : memref<1x80x64xf32, #tpu.memory_space<vmem>> -> memref<80x64xf32, #tpu.memory_space<vmem>>
      %dma_wait3A_55 = arith.constant 0 : i32
      %dma_wait3A_56 = tpu.memref_slice %arg10[%scan3A_37, %dma_wait3A_55] : memref<125x80xi32, #tpu.memory_space<vmem>> -> memref<1x80xi32, #tpu.memory_space<vmem>>
      %dma_wait3A_57 = tpu.memref_squeeze %dma_wait3A_56 : memref<1x80xi32, #tpu.memory_space<vmem>> -> memref<80xi32, #tpu.memory_space<vmem>>
      %dma_wait3A_58 = arith.constant 0 : i32
      %dma_wait3A_59 = arith.constant 0 : i32
      %dma_wait3A_60 = tpu.memref_slice %arg2[%dma_wait3A_58, %dma_wait3A_59] : memref<10000x64xf32, #tpu.memory_space<hbm>> -> memref<10000x64xf32, #tpu.memory_space<hbm>>
      %dma_wait3A_61 = tpu.memref_slice %arg14[%rem3A_38] : memref<2x!tpu.dma_semaphore, #tpu.memory_space<semaphore_mem>> -> memref<1x!tpu.dma_semaphore, #tpu.memory_space<semaphore_mem>>
      %dma_wait3A_62 = tpu.memref_squeeze %dma_wait3A_61 : memref<1x!tpu.dma_semaphore, #tpu.memory_space<semaphore_mem>> -> memref<!tpu.dma_semaphore, #tpu.memory_space<semaphore_mem>>
      tpu.wait_indirect_dma semaphore(%dma_wait3A_62 : memref<!tpu.dma_semaphore, #tpu.memory_space<semaphore_mem>>) src(%dma_wait3A_60 : memref<10000x64xf32, #tpu.memory_space<hbm>>) dst(%dma_wait3A_54 : memref<80x64xf32, #tpu.memory_space<vmem>>)
      %dma_start3A_63 = arith.constant 0 : i32
      %dma_start3A_64 = arith.constant 0 : i32
      %dma_start3A_65 = tpu.memref_slice %arg12[%rem3A_38, %dma_start3A_63, %dma_start3A_64] : memref<2x80x64xf32, #tpu.memory_space<vmem>> -> memref<1x80x64xf32, #tpu.memory_space<vmem>>
      %dma_start3A_66 = tpu.memref_squeeze %dma_start3A_65 : memref<1x80x64xf32, #tpu.memory_space<vmem>> -> memref<80x64xf32, #tpu.memory_space<vmem>>
      %dma_start3A_67 = arith.constant 0 : i32
      %dma_start3A_68 = tpu.memref_slice %arg11[%scan3A_37, %dma_start3A_67] : memref<125x80xi32, #tpu.memory_space<vmem>> -> memref<1x80xi32, #tpu.memory_space<vmem>>
      %dma_start3A_69 = tpu.memref_squeeze %dma_start3A_68 : memref<1x80xi32, #tpu.memory_space<vmem>> -> memref<80xi32, #tpu.memory_space<vmem>>
      %dma_start3A_70 = arith.constant 0 : i32
      %dma_start3A_71 = arith.constant 0 : i32
      %dma_start3A_72 = tpu.memref_slice %arg16[%dma_start3A_70, %dma_start3A_71] : memref<10016x64xf32, #tpu.memory_space<vmem_shared>> -> memref<10016x64xf32, #tpu.memory_space<vmem_shared>>
      %dma_start3A_73 = tpu.memref_slice %arg15[%rem3A_38] : memref<2x!tpu.dma_semaphore, #tpu.memory_space<semaphore_mem>> -> memref<1x!tpu.dma_semaphore, #tpu.memory_space<semaphore_mem>>
      %dma_start3A_74 = tpu.memref_squeeze %dma_start3A_73 : memref<1x!tpu.dma_semaphore, #tpu.memory_space<semaphore_mem>> -> memref<!tpu.dma_semaphore, #tpu.memory_space<semaphore_mem>>
      tpu.enqueue_indirect_dma source(%dma_start3A_66 : memref<80x64xf32, #tpu.memory_space<vmem>>) target(%dma_start3A_72 : memref<10016x64xf32, #tpu.memory_space<vmem_shared>>) offsets(%dma_start3A_69 : memref<80xi32, #tpu.memory_space<vmem>>) semaphore(%dma_start3A_74 : memref<!tpu.dma_semaphore, #tpu.memory_space<semaphore_mem>>) {add = true}
      "tpu.region"() ({
        %run_scoped3A = tpu.sem_alloc : memref<!tpu.dma_semaphore, #tpu.memory_space<semaphore_mem>>
        %dma_start3A_75 = arith.constant 0 : i32
        %dma_start3A_76 = tpu.memref_slice %arg11[%scan3A_37, %dma_start3A_75] : memref<125x80xi32, #tpu.memory_space<vmem>> -> memref<1x80xi32, #tpu.memory_space<vmem>>
        %dma_start3A_77 = tpu.memref_squeeze %dma_start3A_76 : memref<1x80xi32, #tpu.memory_space<vmem>> -> memref<80xi32, #tpu.memory_space<vmem>>
        %dma_start3A_78 = arith.constant 0 : i32
        %dma_start3A_79 = arith.constant 0 : i32
        %dma_start3A_80 = tpu.memref_slice %arg17[%dma_start3A_78, %dma_start3A_79] : memref<10016x16xf32, #tpu.memory_space<vmem_shared>> -> memref<10016x16xf32, #tpu.memory_space<vmem_shared>>
        tpu.enqueue_indirect_dma source(%arg13 : memref<80x16xf32, #tpu.memory_space<vmem>>) target(%dma_start3A_80 : memref<10016x16xf32, #tpu.memory_space<vmem_shared>>) offsets(%dma_start3A_77 : memref<80xi32, #tpu.memory_space<vmem>>) semaphore(%run_scoped3A : memref<!tpu.dma_semaphore, #tpu.memory_space<semaphore_mem>>) {add = true}
        %dma_wait3A_81 = arith.constant 0 : i32
        %dma_wait3A_82 = tpu.memref_slice %arg11[%scan3A_37, %dma_wait3A_81] : memref<125x80xi32, #tpu.memory_space<vmem>> -> memref<1x80xi32, #tpu.memory_space<vmem>>
        %dma_wait3A_83 = tpu.memref_squeeze %dma_wait3A_82 : memref<1x80xi32, #tpu.memory_space<vmem>> -> memref<80xi32, #tpu.memory_space<vmem>>
        %dma_wait3A_84 = arith.constant 0 : i32
        %dma_wait3A_85 = arith.constant 0 : i32
        %dma_wait3A_86 = tpu.memref_slice %arg17[%dma_wait3A_84, %dma_wait3A_85] : memref<10016x16xf32, #tpu.memory_space<vmem_shared>> -> memref<10016x16xf32, #tpu.memory_space<vmem_shared>>
        tpu.wait_indirect_dma semaphore(%run_scoped3A : memref<!tpu.dma_semaphore, #tpu.memory_space<semaphore_mem>>) src(%arg13 : memref<80x16xf32, #tpu.memory_space<vmem>>) dst(%dma_wait3A_86 : memref<10016x16xf32, #tpu.memory_space<vmem_shared>>)
        tpu.yield
      }) : () -> ()
    }
    %scan3A_21 = arith.constant 125 : i32
    %dma_wait3A = arith.constant 0 : i32
    %dma_wait3A_22 = arith.constant 0 : i32
    %dma_wait3A_23 = arith.constant 0 : i32
    %dma_wait3A_24 = arith.constant 0 : i32
    %dma_wait3A_25 = arith.constant 0 : i32
    %dma_wait3A_26 = tpu.memref_slice %arg12[%dma_wait3A, %dma_wait3A_24, %dma_wait3A_25] : memref<2x80x64xf32, #tpu.memory_space<vmem>> -> memref<1x80x64xf32, #tpu.memory_space<vmem>>
    %dma_wait3A_27 = tpu.memref_squeeze %dma_wait3A_26 : memref<1x80x64xf32, #tpu.memory_space<vmem>> -> memref<80x64xf32, #tpu.memory_space<vmem>>
    %dma_wait3A_28 = arith.constant 0 : i32
    %dma_wait3A_29 = tpu.memref_slice %arg11[%dma_wait3A_22, %dma_wait3A_28] : memref<125x80xi32, #tpu.memory_space<vmem>> -> memref<1x80xi32, #tpu.memory_space<vmem>>
    %dma_wait3A_30 = tpu.memref_squeeze %dma_wait3A_29 : memref<1x80xi32, #tpu.memory_space<vmem>> -> memref<80xi32, #tpu.memory_space<vmem>>
    %dma_wait3A_31 = arith.constant 0 : i32
    %dma_wait3A_32 = arith.constant 0 : i32
    %dma_wait3A_33 = tpu.memref_slice %arg16[%dma_wait3A_31, %dma_wait3A_32] : memref<10016x64xf32, #tpu.memory_space<vmem_shared>> -> memref<10016x64xf32, #tpu.memory_space<vmem_shared>>
    %dma_wait3A_34 = tpu.memref_slice %arg15[%dma_wait3A_23] : memref<2x!tpu.dma_semaphore, #tpu.memory_space<semaphore_mem>> -> memref<1x!tpu.dma_semaphore, #tpu.memory_space<semaphore_mem>>
    %dma_wait3A_35 = tpu.memref_squeeze %dma_wait3A_34 : memref<1x!tpu.dma_semaphore, #tpu.memory_space<semaphore_mem>> -> memref<!tpu.dma_semaphore, #tpu.memory_space<semaphore_mem>>
    tpu.wait_indirect_dma semaphore(%dma_wait3A_35 : memref<!tpu.dma_semaphore, #tpu.memory_space<semaphore_mem>>) src(%dma_wait3A_27 : memref<80x64xf32, #tpu.memory_space<vmem>>) dst(%dma_wait3A_33 : memref<10016x64xf32, #tpu.memory_space<vmem_shared>>)
    %barrier3A_36 = arith.constant 0 : index
    tpu.barrier barrier_id(%barrier3A_36)
    "tpu.region"() ({
      %run_scoped3A = tpu.sem_alloc : memref<!tpu.dma_semaphore, #tpu.memory_space<semaphore_mem>>
      %dma_start3A_37 = arith.constant 0 : i32
      %dma_start3A_38 = arith.constant 0 : i32
      %dma_start3A_39 = tpu.memref_slice %arg8[%arg0, %dma_start3A_37, %dma_start3A_38] : memref<2x10000x64xf32, #tpu.memory_space<hbm>> -> memref<1x10000x64xf32, #tpu.memory_space<hbm>>
      %dma_start3A_40 = tpu.memref_squeeze %dma_start3A_39 : memref<1x10000x64xf32, #tpu.memory_space<hbm>> -> memref<10000x64xf32, #tpu.memory_space<hbm>>
      %dma_start3A_41 = arith.constant 0 : i32
      %dma_start3A_42 = tpu.memref_slice %dma_start3A_40[%mul3A_2, %dma_start3A_41] : memref<10000x64xf32, #tpu.memory_space<hbm>> -> memref<640x64xf32, #tpu.memory_space<hbm>>
      %dma_start3A_43 = arith.constant 0 : i32
      %dma_start3A_44 = tpu.memref_slice %arg16[%mul3A_2, %dma_start3A_43] : memref<10016x64xf32, #tpu.memory_space<vmem_shared>> -> memref<640x64xf32, #tpu.memory_space<vmem_shared>>
      tpu.enqueue_dma source(%dma_start3A_44 : memref<640x64xf32, #tpu.memory_space<vmem_shared>>) target(%dma_start3A_42 : memref<640x64xf32, #tpu.memory_space<hbm>>) target_semaphore(%run_scoped3A : memref<!tpu.dma_semaphore, #tpu.memory_space<semaphore_mem>>)
      %dma_wait3A_45 = arith.constant 0 : i32
      %dma_wait3A_46 = arith.constant 0 : i32
      %dma_wait3A_47 = tpu.memref_slice %arg8[%arg0, %dma_wait3A_45, %dma_wait3A_46] : memref<2x10000x64xf32, #tpu.memory_space<hbm>> -> memref<1x10000x64xf32, #tpu.memory_space<hbm>>
      %dma_wait3A_48 = tpu.memref_squeeze %dma_wait3A_47 : memref<1x10000x64xf32, #tpu.memory_space<hbm>> -> memref<10000x64xf32, #tpu.memory_space<hbm>>
      %dma_wait3A_49 = arith.constant 0 : i32
      %dma_wait3A_50 = tpu.memref_slice %dma_wait3A_48[%mul3A_2, %dma_wait3A_49] : memref<10000x64xf32, #tpu.memory_space<hbm>> -> memref<640x64xf32, #tpu.memory_space<hbm>>
      %dma_wait3A_51 = arith.constant 0 : i32
      %dma_wait3A_52 = tpu.memref_slice %arg16[%mul3A_2, %dma_wait3A_51] : memref<10016x64xf32, #tpu.memory_space<vmem_shared>> -> memref<640x64xf32, #tpu.memory_space<vmem_shared>>
      tpu.wait_dma2 semaphore(%run_scoped3A : memref<!tpu.dma_semaphore, #tpu.memory_space<semaphore_mem>>) src(%dma_wait3A_52 : memref<640x64xf32, #tpu.memory_space<vmem_shared>>) dst(%dma_wait3A_50 : memref<640x64xf32, #tpu.memory_space<hbm>>)
      tpu.yield
    }) : () -> ()
    "tpu.region"() ({
      %run_scoped3A = tpu.sem_alloc : memref<!tpu.dma_semaphore, #tpu.memory_space<semaphore_mem>>
      %dma_start3A_37 = arith.constant 0 : i32
      %dma_start3A_38 = arith.constant 0 : i32
      %dma_start3A_39 = tpu.memref_slice %arg9[%arg0, %dma_start3A_37, %dma_start3A_38] : memref<2x10000x16xf32, #tpu.memory_space<hbm>> -> memref<1x10000x16xf32, #tpu.memory_space<hbm>>
      %dma_start3A_40 = tpu.memref_squeeze %dma_start3A_39 : memref<1x10000x16xf32, #tpu.memory_space<hbm>> -> memref<10000x16xf32, #tpu.memory_space<hbm>>
      %dma_start3A_41 = arith.constant 0 : i32
      %dma_start3A_42 = tpu.memref_slice %dma_start3A_40[%mul3A_2, %dma_start3A_41] : memref<10000x16xf32, #tpu.memory_space<hbm>> -> memref<640x16xf32, #tpu.memory_space<hbm>>
      %dma_start3A_43 = arith.constant 0 : i32
      %dma_start3A_44 = tpu.memref_slice %arg17[%mul3A_2, %dma_start3A_43] : memref<10016x16xf32, #tpu.memory_space<vmem_shared>> -> memref<640x16xf32, #tpu.memory_space<vmem_shared>>
      tpu.enqueue_dma source(%dma_start3A_44 : memref<640x16xf32, #tpu.memory_space<vmem_shared>>) target(%dma_start3A_42 : memref<640x16xf32, #tpu.memory_space<hbm>>) target_semaphore(%run_scoped3A : memref<!tpu.dma_semaphore, #tpu.memory_space<semaphore_mem>>)
      %dma_wait3A_45 = arith.constant 0 : i32
      %dma_wait3A_46 = arith.constant 0 : i32
      %dma_wait3A_47 = tpu.memref_slice %arg9[%arg0, %dma_wait3A_45, %dma_wait3A_46] : memref<2x10000x16xf32, #tpu.memory_space<hbm>> -> memref<1x10000x16xf32, #tpu.memory_space<hbm>>
      %dma_wait3A_48 = tpu.memref_squeeze %dma_wait3A_47 : memref<1x10000x16xf32, #tpu.memory_space<hbm>> -> memref<10000x16xf32, #tpu.memory_space<hbm>>
      %dma_wait3A_49 = arith.constant 0 : i32
      %dma_wait3A_50 = tpu.memref_slice %dma_wait3A_48[%mul3A_2, %dma_wait3A_49] : memref<10000x16xf32, #tpu.memory_space<hbm>> -> memref<640x16xf32, #tpu.memory_space<hbm>>
      %dma_wait3A_51 = arith.constant 0 : i32
      %dma_wait3A_52 = tpu.memref_slice %arg17[%mul3A_2, %dma_wait3A_51] : memref<10016x16xf32, #tpu.memory_space<vmem_shared>> -> memref<640x16xf32, #tpu.memory_space<vmem_shared>>
      tpu.wait_dma2 semaphore(%run_scoped3A : memref<!tpu.dma_semaphore, #tpu.memory_space<semaphore_mem>>) src(%dma_wait3A_52 : memref<640x16xf32, #tpu.memory_space<vmem_shared>>) dst(%dma_wait3A_50 : memref<640x16xf32, #tpu.memory_space<hbm>>)
      tpu.yield
    }) : () -> ()
    return
  }
}

#map = affine_map<(d0, d1) -> (0, 0)>
#map1 = affine_map<(d0, d1) -> (0, 0, 0)>
module attributes {stable_mosaic.version = 14 : i64} {
  func.func @body(%arg0: i32, %arg1: i32, %arg2: memref<10000x32xf32, #tpu.memory_space<hbm>>, %arg3: memref<32x125x80xi32, #tpu.memory_space<hbm>>, %arg4: memref<32x125x80xi32, #tpu.memory_space<hbm>>, %arg5: memref<10000x32xf32, #tpu.memory_space<hbm>>, %arg6: memref<10000x16xf32, #tpu.memory_space<hbm>>, %arg7: memref<80x16xf32, #tpu.memory_space<hbm>>, %arg8: memref<2x10000x32xf32, #tpu.memory_space<hbm>>, %arg9: memref<125x80xi32, #tpu.memory_space<vmem>>, %arg10: memref<125x80xi32, #tpu.memory_space<vmem>>, %arg11: memref<2x80x32xf32, #tpu.memory_space<vmem>>, %arg12: memref<80x16xf32, #tpu.memory_space<vmem>>, %arg13: memref<2x!tpu.dma_semaphore, #tpu.memory_space<semaphore_mem>>, %arg14: memref<2x!tpu.dma_semaphore, #tpu.memory_space<semaphore_mem>>, %arg15: memref<10016x32xf32, #tpu.memory_space<vmem_shared>>, %arg16: memref<10016x16xf32, #tpu.memory_space<vmem_shared>>) attributes {dimension_semantics = [#tpu.dimension_semantics<core_parallel>, #tpu.dimension_semantics<subcore_parallel>], iteration_bounds = array<i64: 2, 16>, scalar_prefetch = 0 : i64, scratch_operands = 8 : i64, tpu.core_type = #tpu.core_type<sc_vector_subcore>, window_params = [{transform_indices = #map}, {transform_indices = #map1}, {transform_indices = #map1}, {transform_indices = #map}, {transform_indices = #map}, {transform_indices = #map}, {transform_indices = #map1}]} {
    %mul3A = arith.constant 2 : i32
    %mul3A_0 = arith.muli %arg1, %mul3A : i32
    %add3A = arith.addi %mul3A_0, %arg0 : i32
    %mul3A_1 = arith.constant 624 : i32
    %mul3A_2 = arith.muli %arg1, %mul3A_1 : i32
    "tpu.region"() ({
      %run_scoped3A = tpu.sem_alloc : memref<!tpu.dma_semaphore, #tpu.memory_space<semaphore_mem>>
      %dma_start3A_37 = arith.constant 0 : i32
      %dma_start3A_38 = tpu.memref_slice %arg15[%mul3A_2, %dma_start3A_37] : memref<10016x32xf32, #tpu.memory_space<vmem_shared>> -> memref<640x32xf32, #tpu.memory_space<vmem_shared>>
      %dma_start3A_39 = arith.constant 0 : i32
      %dma_start3A_40 = tpu.memref_slice %arg5[%mul3A_2, %dma_start3A_39] : memref<10000x32xf32, #tpu.memory_space<hbm>> -> memref<640x32xf32, #tpu.memory_space<hbm>>
      tpu.enqueue_dma source(%dma_start3A_40 : memref<640x32xf32, #tpu.memory_space<hbm>>) target(%dma_start3A_38 : memref<640x32xf32, #tpu.memory_space<vmem_shared>>) target_semaphore(%run_scoped3A : memref<!tpu.dma_semaphore, #tpu.memory_space<semaphore_mem>>)
      %dma_wait3A_41 = arith.constant 0 : i32
      %dma_wait3A_42 = tpu.memref_slice %arg15[%mul3A_2, %dma_wait3A_41] : memref<10016x32xf32, #tpu.memory_space<vmem_shared>> -> memref<640x32xf32, #tpu.memory_space<vmem_shared>>
      %dma_wait3A_43 = arith.constant 0 : i32
      %dma_wait3A_44 = tpu.memref_slice %arg5[%mul3A_2, %dma_wait3A_43] : memref<10000x32xf32, #tpu.memory_space<hbm>> -> memref<640x32xf32, #tpu.memory_space<hbm>>
      tpu.wait_dma2 semaphore(%run_scoped3A : memref<!tpu.dma_semaphore, #tpu.memory_space<semaphore_mem>>) src(%dma_wait3A_44 : memref<640x32xf32, #tpu.memory_space<hbm>>) dst(%dma_wait3A_42 : memref<640x32xf32, #tpu.memory_space<vmem_shared>>)
      tpu.yield
    }) : () -> ()
    "tpu.region"() ({
      %run_scoped3A = tpu.sem_alloc : memref<!tpu.dma_semaphore, #tpu.memory_space<semaphore_mem>>
      %dma_start3A_37 = arith.constant 0 : i32
      %dma_start3A_38 = arith.constant 0 : i32
      %dma_start3A_39 = tpu.memref_slice %arg3[%add3A, %dma_start3A_37, %dma_start3A_38] : memref<32x125x80xi32, #tpu.memory_space<hbm>> -> memref<1x125x80xi32, #tpu.memory_space<hbm>>
      %dma_start3A_40 = tpu.memref_squeeze %dma_start3A_39 : memref<1x125x80xi32, #tpu.memory_space<hbm>> -> memref<125x80xi32, #tpu.memory_space<hbm>>
      %dma_start3A_41 = arith.constant 0 : i32
      %dma_start3A_42 = arith.constant 0 : i32
      %dma_start3A_43 = tpu.memref_slice %arg3[%add3A, %dma_start3A_41, %dma_start3A_42] : memref<32x125x80xi32, #tpu.memory_space<hbm>> -> memref<1x125x80xi32, #tpu.memory_space<hbm>>
      %dma_start3A_44 = tpu.memref_squeeze %dma_start3A_43 : memref<1x125x80xi32, #tpu.memory_space<hbm>> -> memref<125x80xi32, #tpu.memory_space<hbm>>
      tpu.enqueue_dma source(%dma_start3A_44 : memref<125x80xi32, #tpu.memory_space<hbm>>) target(%arg9 : memref<125x80xi32, #tpu.memory_space<vmem>>) target_semaphore(%run_scoped3A : memref<!tpu.dma_semaphore, #tpu.memory_space<semaphore_mem>>)
      %dma_wait3A_45 = arith.constant 0 : i32
      %dma_wait3A_46 = arith.constant 0 : i32
      %dma_wait3A_47 = tpu.memref_slice %arg3[%add3A, %dma_wait3A_45, %dma_wait3A_46] : memref<32x125x80xi32, #tpu.memory_space<hbm>> -> memref<1x125x80xi32, #tpu.memory_space<hbm>>
      %dma_wait3A_48 = tpu.memref_squeeze %dma_wait3A_47 : memref<1x125x80xi32, #tpu.memory_space<hbm>> -> memref<125x80xi32, #tpu.memory_space<hbm>>
      %dma_wait3A_49 = arith.constant 0 : i32
      %dma_wait3A_50 = arith.constant 0 : i32
      %dma_wait3A_51 = tpu.memref_slice %arg3[%add3A, %dma_wait3A_49, %dma_wait3A_50] : memref<32x125x80xi32, #tpu.memory_space<hbm>> -> memref<1x125x80xi32, #tpu.memory_space<hbm>>
      %dma_wait3A_52 = tpu.memref_squeeze %dma_wait3A_51 : memref<1x125x80xi32, #tpu.memory_space<hbm>> -> memref<125x80xi32, #tpu.memory_space<hbm>>
      tpu.wait_dma2 semaphore(%run_scoped3A : memref<!tpu.dma_semaphore, #tpu.memory_space<semaphore_mem>>) src(%dma_wait3A_52 : memref<125x80xi32, #tpu.memory_space<hbm>>) dst(%arg9 : memref<125x80xi32, #tpu.memory_space<vmem>>)
      tpu.yield
    }) : () -> ()
    "tpu.region"() ({
      %run_scoped3A = tpu.sem_alloc : memref<!tpu.dma_semaphore, #tpu.memory_space<semaphore_mem>>
      %dma_start3A_37 = arith.constant 0 : i32
      %dma_start3A_38 = arith.constant 0 : i32
      %dma_start3A_39 = tpu.memref_slice %arg4[%add3A, %dma_start3A_37, %dma_start3A_38] : memref<32x125x80xi32, #tpu.memory_space<hbm>> -> memref<1x125x80xi32, #tpu.memory_space<hbm>>
      %dma_start3A_40 = tpu.memref_squeeze %dma_start3A_39 : memref<1x125x80xi32, #tpu.memory_space<hbm>> -> memref<125x80xi32, #tpu.memory_space<hbm>>
      %dma_start3A_41 = arith.constant 0 : i32
      %dma_start3A_42 = arith.constant 0 : i32
      %dma_start3A_43 = tpu.memref_slice %arg4[%add3A, %dma_start3A_41, %dma_start3A_42] : memref<32x125x80xi32, #tpu.memory_space<hbm>> -> memref<1x125x80xi32, #tpu.memory_space<hbm>>
      %dma_start3A_44 = tpu.memref_squeeze %dma_start3A_43 : memref<1x125x80xi32, #tpu.memory_space<hbm>> -> memref<125x80xi32, #tpu.memory_space<hbm>>
      tpu.enqueue_dma source(%dma_start3A_44 : memref<125x80xi32, #tpu.memory_space<hbm>>) target(%arg10 : memref<125x80xi32, #tpu.memory_space<vmem>>) target_semaphore(%run_scoped3A : memref<!tpu.dma_semaphore, #tpu.memory_space<semaphore_mem>>)
      %dma_wait3A_45 = arith.constant 0 : i32
      %dma_wait3A_46 = arith.constant 0 : i32
      %dma_wait3A_47 = tpu.memref_slice %arg4[%add3A, %dma_wait3A_45, %dma_wait3A_46] : memref<32x125x80xi32, #tpu.memory_space<hbm>> -> memref<1x125x80xi32, #tpu.memory_space<hbm>>
      %dma_wait3A_48 = tpu.memref_squeeze %dma_wait3A_47 : memref<1x125x80xi32, #tpu.memory_space<hbm>> -> memref<125x80xi32, #tpu.memory_space<hbm>>
      %dma_wait3A_49 = arith.constant 0 : i32
      %dma_wait3A_50 = arith.constant 0 : i32
      %dma_wait3A_51 = tpu.memref_slice %arg4[%add3A, %dma_wait3A_49, %dma_wait3A_50] : memref<32x125x80xi32, #tpu.memory_space<hbm>> -> memref<1x125x80xi32, #tpu.memory_space<hbm>>
      %dma_wait3A_52 = tpu.memref_squeeze %dma_wait3A_51 : memref<1x125x80xi32, #tpu.memory_space<hbm>> -> memref<125x80xi32, #tpu.memory_space<hbm>>
      tpu.wait_dma2 semaphore(%run_scoped3A : memref<!tpu.dma_semaphore, #tpu.memory_space<semaphore_mem>>) src(%dma_wait3A_52 : memref<125x80xi32, #tpu.memory_space<hbm>>) dst(%arg10 : memref<125x80xi32, #tpu.memory_space<vmem>>)
      tpu.yield
    }) : () -> ()
    %dma_start3A = arith.constant 0 : i32
    %dma_start3A_3 = arith.constant 0 : i32
    %dma_start3A_4 = arith.constant 0 : i32
    %dma_start3A_5 = arith.constant 0 : i32
    %dma_start3A_6 = arith.constant 0 : i32
    %dma_start3A_7 = tpu.memref_slice %arg11[%dma_start3A_3, %dma_start3A_5, %dma_start3A_6] : memref<2x80x32xf32, #tpu.memory_space<vmem>> -> memref<1x80x32xf32, #tpu.memory_space<vmem>>
    %dma_start3A_8 = tpu.memref_squeeze %dma_start3A_7 : memref<1x80x32xf32, #tpu.memory_space<vmem>> -> memref<80x32xf32, #tpu.memory_space<vmem>>
    %dma_start3A_9 = arith.constant 0 : i32
    %dma_start3A_10 = tpu.memref_slice %arg9[%dma_start3A, %dma_start3A_9] : memref<125x80xi32, #tpu.memory_space<vmem>> -> memref<1x80xi32, #tpu.memory_space<vmem>>
    %dma_start3A_11 = tpu.memref_squeeze %dma_start3A_10 : memref<1x80xi32, #tpu.memory_space<vmem>> -> memref<80xi32, #tpu.memory_space<vmem>>
    %dma_start3A_12 = arith.constant 0 : i32
    %dma_start3A_13 = arith.constant 0 : i32
    %dma_start3A_14 = tpu.memref_slice %arg2[%dma_start3A_12, %dma_start3A_13] : memref<10000x32xf32, #tpu.memory_space<hbm>> -> memref<10000x32xf32, #tpu.memory_space<hbm>>
    %dma_start3A_15 = tpu.memref_slice %arg13[%dma_start3A_4] : memref<2x!tpu.dma_semaphore, #tpu.memory_space<semaphore_mem>> -> memref<1x!tpu.dma_semaphore, #tpu.memory_space<semaphore_mem>>
    %dma_start3A_16 = tpu.memref_squeeze %dma_start3A_15 : memref<1x!tpu.dma_semaphore, #tpu.memory_space<semaphore_mem>> -> memref<!tpu.dma_semaphore, #tpu.memory_space<semaphore_mem>>
    tpu.enqueue_indirect_dma source(%dma_start3A_14 : memref<10000x32xf32, #tpu.memory_space<hbm>>) target(%dma_start3A_8 : memref<80x32xf32, #tpu.memory_space<vmem>>) offsets(%dma_start3A_11 : memref<80xi32, #tpu.memory_space<vmem>>) semaphore(%dma_start3A_16 : memref<!tpu.dma_semaphore, #tpu.memory_space<semaphore_mem>>)
    %barrier3A = arith.constant 0 : index
    tpu.barrier barrier_id(%barrier3A)
    %scan3A = arith.constant 0 : i32
    %scan3A_17 = arith.constant 0 : i32
    %scan3A_18 = arith.constant 125 : i32
    %scan3A_19 = arith.addi %scan3A_17, %scan3A_18 : i32
    %scan3A_20 = arith.constant 1 : i32
    scf.for %scan3A_37 = %scan3A_17 to %scan3A_19 step %scan3A_20  : i32 {
      %rem3A = arith.constant 2 : i32
      %rem3A_38 = arith.remsi %scan3A_37, %rem3A : i32
      %add3A_39 = arith.constant 1 : i32
      %add3A_40 = arith.addi %scan3A_37, %add3A_39 : i32
      %rem3A_41 = arith.constant 2 : i32
      %rem3A_42 = arith.remsi %add3A_40, %rem3A_41 : i32
      %ge3A = arith.constant 1 : i32
      %ge3A_43 = arith.cmpi sge, %scan3A_37, %ge3A : i32
      %convert_element_type3A = arith.extui %ge3A_43 : i1 to i32
      %cond3A = arith.constant 0 : i32
      %cond3A_44 = arith.cmpi ne, %convert_element_type3A, %cond3A : i32
      scf.if %cond3A_44 {
        %dma_wait3A_75 = arith.constant 0 : i32
        %dma_wait3A_76 = arith.constant 0 : i32
        %dma_wait3A_77 = arith.constant 0 : i32
        %dma_wait3A_78 = tpu.memref_slice %arg11[%rem3A_42, %dma_wait3A_76, %dma_wait3A_77] : memref<2x80x32xf32, #tpu.memory_space<vmem>> -> memref<1x80x32xf32, #tpu.memory_space<vmem>>
        %dma_wait3A_79 = tpu.memref_squeeze %dma_wait3A_78 : memref<1x80x32xf32, #tpu.memory_space<vmem>> -> memref<80x32xf32, #tpu.memory_space<vmem>>
        %dma_wait3A_80 = arith.constant 0 : i32
        %dma_wait3A_81 = tpu.memref_slice %arg10[%dma_wait3A_75, %dma_wait3A_80] : memref<125x80xi32, #tpu.memory_space<vmem>> -> memref<1x80xi32, #tpu.memory_space<vmem>>
        %dma_wait3A_82 = tpu.memref_squeeze %dma_wait3A_81 : memref<1x80xi32, #tpu.memory_space<vmem>> -> memref<80xi32, #tpu.memory_space<vmem>>
        %dma_wait3A_83 = arith.constant 0 : i32
        %dma_wait3A_84 = arith.constant 0 : i32
        %dma_wait3A_85 = tpu.memref_slice %arg15[%dma_wait3A_83, %dma_wait3A_84] : memref<10016x32xf32, #tpu.memory_space<vmem_shared>> -> memref<10016x32xf32, #tpu.memory_space<vmem_shared>>
        %dma_wait3A_86 = tpu.memref_slice %arg14[%rem3A_42] : memref<2x!tpu.dma_semaphore, #tpu.memory_space<semaphore_mem>> -> memref<1x!tpu.dma_semaphore, #tpu.memory_space<semaphore_mem>>
        %dma_wait3A_87 = tpu.memref_squeeze %dma_wait3A_86 : memref<1x!tpu.dma_semaphore, #tpu.memory_space<semaphore_mem>> -> memref<!tpu.dma_semaphore, #tpu.memory_space<semaphore_mem>>
        tpu.wait_indirect_dma semaphore(%dma_wait3A_87 : memref<!tpu.dma_semaphore, #tpu.memory_space<semaphore_mem>>) src(%dma_wait3A_79 : memref<80x32xf32, #tpu.memory_space<vmem>>) dst(%dma_wait3A_85 : memref<10016x32xf32, #tpu.memory_space<vmem_shared>>)
      } else {
      }
      %add3A_45 = arith.constant 1 : i32
      %add3A_46 = arith.addi %scan3A_37, %add3A_45 : i32
      %lt3A = arith.constant 125 : i32
      %lt3A_47 = arith.cmpi slt, %add3A_46, %lt3A : i32
      %convert_element_type3A_48 = arith.extui %lt3A_47 : i1 to i32
      %cond3A_49 = arith.constant 0 : i32
      %cond3A_50 = arith.cmpi ne, %convert_element_type3A_48, %cond3A_49 : i32
      scf.if %cond3A_50 {
        %add3A_75 = arith.constant 1 : i32
        %add3A_76 = arith.addi %scan3A_37, %add3A_75 : i32
        %dma_start3A_77 = arith.constant 0 : i32
        %dma_start3A_78 = arith.constant 0 : i32
        %dma_start3A_79 = tpu.memref_slice %arg11[%rem3A_42, %dma_start3A_77, %dma_start3A_78] : memref<2x80x32xf32, #tpu.memory_space<vmem>> -> memref<1x80x32xf32, #tpu.memory_space<vmem>>
        %dma_start3A_80 = tpu.memref_squeeze %dma_start3A_79 : memref<1x80x32xf32, #tpu.memory_space<vmem>> -> memref<80x32xf32, #tpu.memory_space<vmem>>
        %dma_start3A_81 = arith.constant 0 : i32
        %dma_start3A_82 = tpu.memref_slice %arg9[%add3A_76, %dma_start3A_81] : memref<125x80xi32, #tpu.memory_space<vmem>> -> memref<1x80xi32, #tpu.memory_space<vmem>>
        %dma_start3A_83 = tpu.memref_squeeze %dma_start3A_82 : memref<1x80xi32, #tpu.memory_space<vmem>> -> memref<80xi32, #tpu.memory_space<vmem>>
        %dma_start3A_84 = arith.constant 0 : i32
        %dma_start3A_85 = arith.constant 0 : i32
        %dma_start3A_86 = tpu.memref_slice %arg2[%dma_start3A_84, %dma_start3A_85] : memref<10000x32xf32, #tpu.memory_space<hbm>> -> memref<10000x32xf32, #tpu.memory_space<hbm>>
        %dma_start3A_87 = tpu.memref_slice %arg13[%rem3A_42] : memref<2x!tpu.dma_semaphore, #tpu.memory_space<semaphore_mem>> -> memref<1x!tpu.dma_semaphore, #tpu.memory_space<semaphore_mem>>
        %dma_start3A_88 = tpu.memref_squeeze %dma_start3A_87 : memref<1x!tpu.dma_semaphore, #tpu.memory_space<semaphore_mem>> -> memref<!tpu.dma_semaphore, #tpu.memory_space<semaphore_mem>>
        tpu.enqueue_indirect_dma source(%dma_start3A_86 : memref<10000x32xf32, #tpu.memory_space<hbm>>) target(%dma_start3A_80 : memref<80x32xf32, #tpu.memory_space<vmem>>) offsets(%dma_start3A_83 : memref<80xi32, #tpu.memory_space<vmem>>) semaphore(%dma_start3A_88 : memref<!tpu.dma_semaphore, #tpu.memory_space<semaphore_mem>>)
      } else {
      }
      %dma_wait3A_51 = arith.constant 0 : i32
      %dma_wait3A_52 = arith.constant 0 : i32
      %dma_wait3A_53 = tpu.memref_slice %arg11[%rem3A_38, %dma_wait3A_51, %dma_wait3A_52] : memref<2x80x32xf32, #tpu.memory_space<vmem>> -> memref<1x80x32xf32, #tpu.memory_space<vmem>>
      %dma_wait3A_54 = tpu.memref_squeeze %dma_wait3A_53 : memref<1x80x32xf32, #tpu.memory_space<vmem>> -> memref<80x32xf32, #tpu.memory_space<vmem>>
      %dma_wait3A_55 = arith.constant 0 : i32
      %dma_wait3A_56 = tpu.memref_slice %arg9[%scan3A_37, %dma_wait3A_55] : memref<125x80xi32, #tpu.memory_space<vmem>> -> memref<1x80xi32, #tpu.memory_space<vmem>>
      %dma_wait3A_57 = tpu.memref_squeeze %dma_wait3A_56 : memref<1x80xi32, #tpu.memory_space<vmem>> -> memref<80xi32, #tpu.memory_space<vmem>>
      %dma_wait3A_58 = arith.constant 0 : i32
      %dma_wait3A_59 = arith.constant 0 : i32
      %dma_wait3A_60 = tpu.memref_slice %arg2[%dma_wait3A_58, %dma_wait3A_59] : memref<10000x32xf32, #tpu.memory_space<hbm>> -> memref<10000x32xf32, #tpu.memory_space<hbm>>
      %dma_wait3A_61 = tpu.memref_slice %arg13[%rem3A_38] : memref<2x!tpu.dma_semaphore, #tpu.memory_space<semaphore_mem>> -> memref<1x!tpu.dma_semaphore, #tpu.memory_space<semaphore_mem>>
      %dma_wait3A_62 = tpu.memref_squeeze %dma_wait3A_61 : memref<1x!tpu.dma_semaphore, #tpu.memory_space<semaphore_mem>> -> memref<!tpu.dma_semaphore, #tpu.memory_space<semaphore_mem>>
      tpu.wait_indirect_dma semaphore(%dma_wait3A_62 : memref<!tpu.dma_semaphore, #tpu.memory_space<semaphore_mem>>) src(%dma_wait3A_60 : memref<10000x32xf32, #tpu.memory_space<hbm>>) dst(%dma_wait3A_54 : memref<80x32xf32, #tpu.memory_space<vmem>>)
      %dma_start3A_63 = arith.constant 0 : i32
      %dma_start3A_64 = arith.constant 0 : i32
      %dma_start3A_65 = tpu.memref_slice %arg11[%rem3A_38, %dma_start3A_63, %dma_start3A_64] : memref<2x80x32xf32, #tpu.memory_space<vmem>> -> memref<1x80x32xf32, #tpu.memory_space<vmem>>
      %dma_start3A_66 = tpu.memref_squeeze %dma_start3A_65 : memref<1x80x32xf32, #tpu.memory_space<vmem>> -> memref<80x32xf32, #tpu.memory_space<vmem>>
      %dma_start3A_67 = arith.constant 0 : i32
      %dma_start3A_68 = tpu.memref_slice %arg10[%scan3A_37, %dma_start3A_67] : memref<125x80xi32, #tpu.memory_space<vmem>> -> memref<1x80xi32, #tpu.memory_space<vmem>>
      %dma_start3A_69 = tpu.memref_squeeze %dma_start3A_68 : memref<1x80xi32, #tpu.memory_space<vmem>> -> memref<80xi32, #tpu.memory_space<vmem>>
      %dma_start3A_70 = arith.constant 0 : i32
      %dma_start3A_71 = arith.constant 0 : i32
      %dma_start3A_72 = tpu.memref_slice %arg15[%dma_start3A_70, %dma_start3A_71] : memref<10016x32xf32, #tpu.memory_space<vmem_shared>> -> memref<10016x32xf32, #tpu.memory_space<vmem_shared>>
      %dma_start3A_73 = tpu.memref_slice %arg14[%rem3A_38] : memref<2x!tpu.dma_semaphore, #tpu.memory_space<semaphore_mem>> -> memref<1x!tpu.dma_semaphore, #tpu.memory_space<semaphore_mem>>
      %dma_start3A_74 = tpu.memref_squeeze %dma_start3A_73 : memref<1x!tpu.dma_semaphore, #tpu.memory_space<semaphore_mem>> -> memref<!tpu.dma_semaphore, #tpu.memory_space<semaphore_mem>>
      tpu.enqueue_indirect_dma source(%dma_start3A_66 : memref<80x32xf32, #tpu.memory_space<vmem>>) target(%dma_start3A_72 : memref<10016x32xf32, #tpu.memory_space<vmem_shared>>) offsets(%dma_start3A_69 : memref<80xi32, #tpu.memory_space<vmem>>) semaphore(%dma_start3A_74 : memref<!tpu.dma_semaphore, #tpu.memory_space<semaphore_mem>>) {add = true}
    }
    %scan3A_21 = arith.constant 125 : i32
    %dma_wait3A = arith.constant 0 : i32
    %dma_wait3A_22 = arith.constant 0 : i32
    %dma_wait3A_23 = arith.constant 0 : i32
    %dma_wait3A_24 = arith.constant 0 : i32
    %dma_wait3A_25 = arith.constant 0 : i32
    %dma_wait3A_26 = tpu.memref_slice %arg11[%dma_wait3A, %dma_wait3A_24, %dma_wait3A_25] : memref<2x80x32xf32, #tpu.memory_space<vmem>> -> memref<1x80x32xf32, #tpu.memory_space<vmem>>
    %dma_wait3A_27 = tpu.memref_squeeze %dma_wait3A_26 : memref<1x80x32xf32, #tpu.memory_space<vmem>> -> memref<80x32xf32, #tpu.memory_space<vmem>>
    %dma_wait3A_28 = arith.constant 0 : i32
    %dma_wait3A_29 = tpu.memref_slice %arg10[%dma_wait3A_22, %dma_wait3A_28] : memref<125x80xi32, #tpu.memory_space<vmem>> -> memref<1x80xi32, #tpu.memory_space<vmem>>
    %dma_wait3A_30 = tpu.memref_squeeze %dma_wait3A_29 : memref<1x80xi32, #tpu.memory_space<vmem>> -> memref<80xi32, #tpu.memory_space<vmem>>
    %dma_wait3A_31 = arith.constant 0 : i32
    %dma_wait3A_32 = arith.constant 0 : i32
    %dma_wait3A_33 = tpu.memref_slice %arg15[%dma_wait3A_31, %dma_wait3A_32] : memref<10016x32xf32, #tpu.memory_space<vmem_shared>> -> memref<10016x32xf32, #tpu.memory_space<vmem_shared>>
    %dma_wait3A_34 = tpu.memref_slice %arg14[%dma_wait3A_23] : memref<2x!tpu.dma_semaphore, #tpu.memory_space<semaphore_mem>> -> memref<1x!tpu.dma_semaphore, #tpu.memory_space<semaphore_mem>>
    %dma_wait3A_35 = tpu.memref_squeeze %dma_wait3A_34 : memref<1x!tpu.dma_semaphore, #tpu.memory_space<semaphore_mem>> -> memref<!tpu.dma_semaphore, #tpu.memory_space<semaphore_mem>>
    tpu.wait_indirect_dma semaphore(%dma_wait3A_35 : memref<!tpu.dma_semaphore, #tpu.memory_space<semaphore_mem>>) src(%dma_wait3A_27 : memref<80x32xf32, #tpu.memory_space<vmem>>) dst(%dma_wait3A_33 : memref<10016x32xf32, #tpu.memory_space<vmem_shared>>)
    %barrier3A_36 = arith.constant 0 : index
    tpu.barrier barrier_id(%barrier3A_36)
    "tpu.region"() ({
      %run_scoped3A = tpu.sem_alloc : memref<!tpu.dma_semaphore, #tpu.memory_space<semaphore_mem>>
      %dma_start3A_37 = arith.constant 0 : i32
      %dma_start3A_38 = arith.constant 0 : i32
      %dma_start3A_39 = tpu.memref_slice %arg8[%arg0, %dma_start3A_37, %dma_start3A_38] : memref<2x10000x32xf32, #tpu.memory_space<hbm>> -> memref<1x10000x32xf32, #tpu.memory_space<hbm>>
      %dma_start3A_40 = tpu.memref_squeeze %dma_start3A_39 : memref<1x10000x32xf32, #tpu.memory_space<hbm>> -> memref<10000x32xf32, #tpu.memory_space<hbm>>
      %dma_start3A_41 = arith.constant 0 : i32
      %dma_start3A_42 = tpu.memref_slice %dma_start3A_40[%mul3A_2, %dma_start3A_41] : memref<10000x32xf32, #tpu.memory_space<hbm>> -> memref<640x32xf32, #tpu.memory_space<hbm>>
      %dma_start3A_43 = arith.constant 0 : i32
      %dma_start3A_44 = tpu.memref_slice %arg15[%mul3A_2, %dma_start3A_43] : memref<10016x32xf32, #tpu.memory_space<vmem_shared>> -> memref<640x32xf32, #tpu.memory_space<vmem_shared>>
      tpu.enqueue_dma source(%dma_start3A_44 : memref<640x32xf32, #tpu.memory_space<vmem_shared>>) target(%dma_start3A_42 : memref<640x32xf32, #tpu.memory_space<hbm>>) target_semaphore(%run_scoped3A : memref<!tpu.dma_semaphore, #tpu.memory_space<semaphore_mem>>)
      %dma_wait3A_45 = arith.constant 0 : i32
      %dma_wait3A_46 = arith.constant 0 : i32
      %dma_wait3A_47 = tpu.memref_slice %arg8[%arg0, %dma_wait3A_45, %dma_wait3A_46] : memref<2x10000x32xf32, #tpu.memory_space<hbm>> -> memref<1x10000x32xf32, #tpu.memory_space<hbm>>
      %dma_wait3A_48 = tpu.memref_squeeze %dma_wait3A_47 : memref<1x10000x32xf32, #tpu.memory_space<hbm>> -> memref<10000x32xf32, #tpu.memory_space<hbm>>
      %dma_wait3A_49 = arith.constant 0 : i32
      %dma_wait3A_50 = tpu.memref_slice %dma_wait3A_48[%mul3A_2, %dma_wait3A_49] : memref<10000x32xf32, #tpu.memory_space<hbm>> -> memref<640x32xf32, #tpu.memory_space<hbm>>
      %dma_wait3A_51 = arith.constant 0 : i32
      %dma_wait3A_52 = tpu.memref_slice %arg15[%mul3A_2, %dma_wait3A_51] : memref<10016x32xf32, #tpu.memory_space<vmem_shared>> -> memref<640x32xf32, #tpu.memory_space<vmem_shared>>
      tpu.wait_dma2 semaphore(%run_scoped3A : memref<!tpu.dma_semaphore, #tpu.memory_space<semaphore_mem>>) src(%dma_wait3A_52 : memref<640x32xf32, #tpu.memory_space<vmem_shared>>) dst(%dma_wait3A_50 : memref<640x32xf32, #tpu.memory_space<hbm>>)
      tpu.yield
    }) : () -> ()
    return
  }
}

module attributes {stable_mosaic.version = 14 : i64} {
  func.func @body(%arg0: i32, %arg1: memref<2000x128xf32, #tpu.memory_space<vmem>>, %arg2: memref<128x64xf32, #tpu.memory_space<vmem>>, %arg3: memref<128x64xf32, #tpu.memory_space<vmem>>, %arg4: memref<2000x64xf32, #tpu.memory_space<vmem>>, %arg5: memref<2000x64xf32, #tpu.memory_space<vmem>>) attributes {dimension_semantics = [#tpu.dimension_semantics<arbitrary>], iteration_bounds = array<i64: 5>, scalar_prefetch = 0 : i64, scratch_operands = 0 : i64, tpu.core_type = #tpu.core_type<tc>, window_params = [{transform_indices = @transform_0, window_bounds = array<i64: 2000, 128>}, {pipeline_mode = #tpu.pipeline_mode<synchronous>, transform_indices = @transform_1, window_bounds = array<i64: 128, 64>}, {pipeline_mode = #tpu.pipeline_mode<synchronous>, transform_indices = @transform_2, window_bounds = array<i64: 128, 64>}, {transform_indices = @transform_3, window_bounds = array<i64: 2000, 64>}, {transform_indices = @transform_4, window_bounds = array<i64: 2000, 64>}]} {
    %get3A = arith.constant 0 : index
    %get3A_0 = arith.constant 0 : index
    %get3A_1 = vector.load %arg1[%get3A, %get3A_0] : memref<2000x128xf32, #tpu.memory_space<vmem>>, vector<2000x128xf32>
    %get3A_2 = arith.constant 0 : index
    %get3A_3 = arith.constant 0 : index
    %get3A_4 = vector.load %arg2[%get3A_2, %get3A_3] : memref<128x64xf32, #tpu.memory_space<vmem>>, vector<128x64xf32>
    %dot_general3A = arith.constant dense<0.000000e+00> : vector<2000x64xf32>
    %dot_general3A_5 = tpu.matmul %get3A_1, %get3A_4, %dot_general3A {dimension_numbers = #tpu.dot_dimension_numbers<[1], [0], [0], [1], [0, 0, 1, 1], [], []>, transpose_lhs_hint = false} : vector<2000x128xf32>, vector<128x64xf32>, vector<2000x64xf32> -> vector<2000x64xf32>
    %swap3A = arith.constant 0 : index
    %swap3A_6 = arith.constant 0 : index
    %swap3A_7 = vector.load %arg4[%swap3A, %swap3A_6] : memref<2000x64xf32, #tpu.memory_space<vmem>>, vector<2000x64xf32>
    tpu.vector_store %arg4[%swap3A, %swap3A_6], %dot_general3A_5 {strides = array<i32>} : memref<2000x64xf32, #tpu.memory_space<vmem>>, vector<2000x64xf32>,
    %get3A_8 = arith.constant 0 : index
    %get3A_9 = arith.constant 0 : index
    %get3A_10 = vector.load %arg3[%get3A_8, %get3A_9] : memref<128x64xf32, #tpu.memory_space<vmem>>, vector<128x64xf32>
    %dot_general3A_11 = arith.constant dense<0.000000e+00> : vector<2000x64xf32>
    %dot_general3A_12 = tpu.matmul %get3A_1, %get3A_10, %dot_general3A_11 {dimension_numbers = #tpu.dot_dimension_numbers<[1], [0], [0], [1], [0, 0, 1, 1], [], []>, transpose_lhs_hint = false} : vector<2000x128xf32>, vector<128x64xf32>, vector<2000x64xf32> -> vector<2000x64xf32>
    %swap3A_13 = arith.constant 0 : index
    %swap3A_14 = arith.constant 0 : index
    %swap3A_15 = vector.load %arg5[%swap3A_13, %swap3A_14] : memref<2000x64xf32, #tpu.memory_space<vmem>>, vector<2000x64xf32>
    tpu.vector_store %arg5[%swap3A_13, %swap3A_14], %dot_general3A_12 {strides = array<i32>} : memref<2000x64xf32, #tpu.memory_space<vmem>>, vector<2000x64xf32>,
    return
  }
  func.func @transform_0(%arg0: i32) -> (i32, i32) {
    %c0_i32 = arith.constant 0 : i32
    %c0_i32_0 = arith.constant 0 : i32
    return %arg0, %c0_i32 : i32, i32
  }
  func.func @transform_1(%arg0: i32) -> (i32, i32) {
    %c0_i32 = arith.constant 0 : i32
    %c0_i32_0 = arith.constant 0 : i32
    %c0_i32_1 = arith.constant 0 : i32
    return %c0_i32, %c0_i32_0 : i32, i32
  }
  func.func @transform_2(%arg0: i32) -> (i32, i32) {
    %c0_i32 = arith.constant 0 : i32
    %c0_i32_0 = arith.constant 0 : i32
    %c0_i32_1 = arith.constant 0 : i32
    return %c0_i32, %c0_i32_0 : i32, i32
  }
  func.func @transform_3(%arg0: i32) -> (i32, i32) {
    %c0_i32 = arith.constant 0 : i32
    %c0_i32_0 = arith.constant 0 : i32
    return %arg0, %c0_i32 : i32, i32
  }
  func.func @transform_4(%arg0: i32) -> (i32, i32) {
    %c0_i32 = arith.constant 0 : i32
    %c0_i32_0 = arith.constant 0 : i32
    return %arg0, %c0_i32 : i32, i32
  }
}

module attributes {stable_mosaic.version = 14 : i64} {
  func.func @body(%arg0: i32, %arg1: memref<2000x64xf32, #tpu.memory_space<vmem>>, %arg2: memref<2000x64xf32, #tpu.memory_space<vmem>>, %arg3: memref<2000x16xf32, #tpu.memory_space<vmem>>, %arg4: memref<2000x16xf32, #tpu.memory_space<vmem>>, %arg5: memref<1x64xf32, #tpu.memory_space<vmem>>, %arg6: memref<2000x64xf32, #tpu.memory_space<vmem>>, %arg7: memref<64x32xf32, #tpu.memory_space<vmem>>, %arg8: memref<64x32xf32, #tpu.memory_space<vmem>>, %arg9: memref<2000x32xf32, #tpu.memory_space<vmem>>, %arg10: memref<2000x32xf32, #tpu.memory_space<vmem>>, %arg11: memref<2000x1xf32, #tpu.memory_space<vmem>>) attributes {dimension_semantics = [#tpu.dimension_semantics<arbitrary>], iteration_bounds = array<i64: 5>, scalar_prefetch = 0 : i64, scratch_operands = 0 : i64, tpu.core_type = #tpu.core_type<tc>, window_params = [{transform_indices = @transform_0, window_bounds = array<i64: 2000, 64>}, {transform_indices = @transform_1, window_bounds = array<i64: 2000, 64>}, {transform_indices = @transform_2, window_bounds = array<i64: 2000, 16>}, {transform_indices = @transform_3, window_bounds = array<i64: 2000, 16>}, {pipeline_mode = #tpu.pipeline_mode<synchronous>, transform_indices = @transform_4, window_bounds = array<i64: 1, 64>}, {transform_indices = @transform_5, window_bounds = array<i64: 2000, 64>}, {pipeline_mode = #tpu.pipeline_mode<synchronous>, transform_indices = @transform_6, window_bounds = array<i64: 64, 32>}, {pipeline_mode = #tpu.pipeline_mode<synchronous>, transform_indices = @transform_7, window_bounds = array<i64: 64, 32>}, {transform_indices = @transform_8, window_bounds = array<i64: 2000, 32>}, {transform_indices = @transform_9, window_bounds = array<i64: 2000, 32>}, {transform_indices = @transform_10, window_bounds = array<i64: 2000, 1>}]} {
    %get3A = arith.constant 0 : index
    %get3A_0 = arith.constant 0 : index
    %get3A_1 = vector.load %arg3[%get3A, %get3A_0] : memref<2000x16xf32, #tpu.memory_space<vmem>>, vector<2000x16xf32>
    %slice3A = vector.extract_strided_slice %get3A_1 {offsets = [0, 0], sizes = [2000, 1], strides = [1, 1]} : vector<2000x16xf32> to vector<2000x1xf32>
    %get3A_2 = arith.constant 0 : index
    %get3A_3 = arith.constant 0 : index
    %get3A_4 = vector.load %arg4[%get3A_2, %get3A_3] : memref<2000x16xf32, #tpu.memory_space<vmem>>, vector<2000x16xf32>
    %slice3A_5 = vector.extract_strided_slice %get3A_4 {offsets = [0, 0], sizes = [2000, 1], strides = [1, 1]} : vector<2000x16xf32> to vector<2000x1xf32>
    %add3A = arith.addf %slice3A, %slice3A_5 : vector<2000x1xf32>
    %max3A = arith.constant 1.000000e+00 : f32
    %max3A_6 = vector.broadcast %max3A : f32 to vector<2000x1xf32>
    %max3A_7 = arith.maximumf %add3A, %max3A_6 : vector<2000x1xf32>
    %get3A_8 = arith.constant 0 : index
    %get3A_9 = arith.constant 0 : index
    %get3A_10 = vector.load %arg1[%get3A_8, %get3A_9] : memref<2000x64xf32, #tpu.memory_space<vmem>>, vector<2000x64xf32>
    %get3A_11 = arith.constant 0 : index
    %get3A_12 = arith.constant 0 : index
    %get3A_13 = vector.load %arg2[%get3A_11, %get3A_12] : memref<2000x64xf32, #tpu.memory_space<vmem>>, vector<2000x64xf32>
    %add3A_14 = arith.addf %get3A_10, %get3A_13 : vector<2000x64xf32>
    %div3A = vector.broadcast %max3A_7 : vector<2000x1xf32> to vector<2000x64xf32>
    %div3A_15 = arith.divf %add3A_14, %div3A : vector<2000x64xf32>
    %get3A_16 = arith.constant 0 : index
    %get3A_17 = arith.constant 0 : index
    %get3A_18 = vector.load %arg5[%get3A_16, %get3A_17] : memref<1x64xf32, #tpu.memory_space<vmem>>, vector<1x64xf32>
    %add3A_19 = vector.broadcast %get3A_18 : vector<1x64xf32> to vector<2000x64xf32>
    %add3A_20 = arith.addf %div3A_15, %add3A_19 : vector<2000x64xf32>
    %get3A_21 = arith.constant 0 : index
    %get3A_22 = arith.constant 0 : index
    %get3A_23 = vector.load %arg6[%get3A_21, %get3A_22] : memref<2000x64xf32, #tpu.memory_space<vmem>>, vector<2000x64xf32>
    %add3A_24 = arith.addf %add3A_20, %get3A_23 : vector<2000x64xf32>
    %max3A_25 = arith.constant 0.000000e+00 : f32
    %max3A_26 = vector.broadcast %max3A_25 : f32 to vector<2000x64xf32>
    %max3A_27 = arith.maximumf %add3A_24, %max3A_26 : vector<2000x64xf32>
    %get3A_28 = arith.constant 0 : index
    %get3A_29 = arith.constant 0 : index
    %get3A_30 = vector.load %arg7[%get3A_28, %get3A_29] : memref<64x32xf32, #tpu.memory_space<vmem>>, vector<64x32xf32>
    %dot_general3A = arith.constant dense<0.000000e+00> : vector<2000x32xf32>
    %dot_general3A_31 = tpu.matmul %max3A_27, %get3A_30, %dot_general3A {dimension_numbers = #tpu.dot_dimension_numbers<[1], [0], [0], [1], [0, 0, 1, 1], [], []>, transpose_lhs_hint = false} : vector<2000x64xf32>, vector<64x32xf32>, vector<2000x32xf32> -> vector<2000x32xf32>
    %swap3A = arith.constant 0 : index
    %swap3A_32 = arith.constant 0 : index
    %swap3A_33 = vector.load %arg9[%swap3A, %swap3A_32] : memref<2000x32xf32, #tpu.memory_space<vmem>>, vector<2000x32xf32>
    tpu.vector_store %arg9[%swap3A, %swap3A_32], %dot_general3A_31 {strides = array<i32>} : memref<2000x32xf32, #tpu.memory_space<vmem>>, vector<2000x32xf32>,
    %get3A_34 = arith.constant 0 : index
    %get3A_35 = arith.constant 0 : index
    %get3A_36 = vector.load %arg8[%get3A_34, %get3A_35] : memref<64x32xf32, #tpu.memory_space<vmem>>, vector<64x32xf32>
    %dot_general3A_37 = arith.constant dense<0.000000e+00> : vector<2000x32xf32>
    %dot_general3A_38 = tpu.matmul %max3A_27, %get3A_36, %dot_general3A_37 {dimension_numbers = #tpu.dot_dimension_numbers<[1], [0], [0], [1], [0, 0, 1, 1], [], []>, transpose_lhs_hint = false} : vector<2000x64xf32>, vector<64x32xf32>, vector<2000x32xf32> -> vector<2000x32xf32>
    %swap3A_39 = arith.constant 0 : index
    %swap3A_40 = arith.constant 0 : index
    %swap3A_41 = vector.load %arg10[%swap3A_39, %swap3A_40] : memref<2000x32xf32, #tpu.memory_space<vmem>>, vector<2000x32xf32>
    tpu.vector_store %arg10[%swap3A_39, %swap3A_40], %dot_general3A_38 {strides = array<i32>} : memref<2000x32xf32, #tpu.memory_space<vmem>>, vector<2000x32xf32>,
    %swap3A_42 = arith.constant 0 : index
    %swap3A_43 = arith.constant 0 : index
    %swap3A_44 = vector.load %arg11[%swap3A_42, %swap3A_43] : memref<2000x1xf32, #tpu.memory_space<vmem>>, vector<2000x1xf32>
    tpu.vector_store %arg11[%swap3A_42, %swap3A_43], %max3A_7 {strides = array<i32>} : memref<2000x1xf32, #tpu.memory_space<vmem>>, vector<2000x1xf32>,
    return
  }
  func.func @transform_0(%arg0: i32) -> (i32, i32) {
    %c0_i32 = arith.constant 0 : i32
    %c0_i32_0 = arith.constant 0 : i32
    return %arg0, %c0_i32 : i32, i32
  }
  func.func @transform_1(%arg0: i32) -> (i32, i32) {
    %c0_i32 = arith.constant 0 : i32
    %c0_i32_0 = arith.constant 0 : i32
    return %arg0, %c0_i32 : i32, i32
  }
  func.func @transform_2(%arg0: i32) -> (i32, i32) {
    %c0_i32 = arith.constant 0 : i32
    %c0_i32_0 = arith.constant 0 : i32
    return %arg0, %c0_i32 : i32, i32
  }
  func.func @transform_3(%arg0: i32) -> (i32, i32) {
    %c0_i32 = arith.constant 0 : i32
    %c0_i32_0 = arith.constant 0 : i32
    return %arg0, %c0_i32 : i32, i32
  }
  func.func @transform_4(%arg0: i32) -> (i32, i32) {
    %c0_i32 = arith.constant 0 : i32
    %c0_i32_0 = arith.constant 0 : i32
    %c0_i32_1 = arith.constant 0 : i32
    return %c0_i32, %c0_i32_0 : i32, i32
  }
  func.func @transform_5(%arg0: i32) -> (i32, i32) {
    %c0_i32 = arith.constant 0 : i32
    %c0_i32_0 = arith.constant 0 : i32
    return %arg0, %c0_i32 : i32, i32
  }
  func.func @transform_6(%arg0: i32) -> (i32, i32) {
    %c0_i32 = arith.constant 0 : i32
    %c0_i32_0 = arith.constant 0 : i32
    %c0_i32_1 = arith.constant 0 : i32
    return %c0_i32, %c0_i32_0 : i32, i32
  }
  func.func @transform_7(%arg0: i32) -> (i32, i32) {
    %c0_i32 = arith.constant 0 : i32
    %c0_i32_0 = arith.constant 0 : i32
    %c0_i32_1 = arith.constant 0 : i32
    return %c0_i32, %c0_i32_0 : i32, i32
  }
  func.func @transform_8(%arg0: i32) -> (i32, i32) {
    %c0_i32 = arith.constant 0 : i32
    %c0_i32_0 = arith.constant 0 : i32
    return %arg0, %c0_i32 : i32, i32
  }
  func.func @transform_9(%arg0: i32) -> (i32, i32) {
    %c0_i32 = arith.constant 0 : i32
    %c0_i32_0 = arith.constant 0 : i32
    return %arg0, %c0_i32 : i32, i32
  }
  func.func @transform_10(%arg0: i32) -> (i32, i32) {
    %c0_i32 = arith.constant 0 : i32
    %c0_i32_0 = arith.constant 0 : i32
    return %arg0, %c0_i32 : i32, i32
  }
}

module attributes {stable_mosaic.version = 14 : i64} {
  func.func @body(%arg0: i32, %arg1: memref<2000x32xf32, #tpu.memory_space<vmem>>, %arg2: memref<2000x32xf32, #tpu.memory_space<vmem>>, %arg3: memref<2000x1xf32, #tpu.memory_space<vmem>>, %arg4: memref<1x32xf32, #tpu.memory_space<vmem>>, %arg5: memref<2000x32xf32, #tpu.memory_space<vmem>>, %arg6: memref<2000x32xf32, #tpu.memory_space<vmem>>) attributes {dimension_semantics = [#tpu.dimension_semantics<arbitrary>], iteration_bounds = array<i64: 5>, scalar_prefetch = 0 : i64, scratch_operands = 0 : i64, tpu.core_type = #tpu.core_type<tc>, window_params = [{transform_indices = @transform_0, window_bounds = array<i64: 2000, 32>}, {transform_indices = @transform_1, window_bounds = array<i64: 2000, 32>}, {transform_indices = @transform_2, window_bounds = array<i64: 2000, 1>}, {pipeline_mode = #tpu.pipeline_mode<synchronous>, transform_indices = @transform_3, window_bounds = array<i64: 1, 32>}, {transform_indices = @transform_4, window_bounds = array<i64: 2000, 32>}, {transform_indices = @transform_5, window_bounds = array<i64: 2000, 32>}]} {
    %get3A = arith.constant 0 : index
    %get3A_0 = arith.constant 0 : index
    %get3A_1 = vector.load %arg1[%get3A, %get3A_0] : memref<2000x32xf32, #tpu.memory_space<vmem>>, vector<2000x32xf32>
    %get3A_2 = arith.constant 0 : index
    %get3A_3 = arith.constant 0 : index
    %get3A_4 = vector.load %arg2[%get3A_2, %get3A_3] : memref<2000x32xf32, #tpu.memory_space<vmem>>, vector<2000x32xf32>
    %add3A = arith.addf %get3A_1, %get3A_4 : vector<2000x32xf32>
    %get3A_5 = arith.constant 0 : index
    %get3A_6 = arith.constant 0 : index
    %get3A_7 = vector.load %arg3[%get3A_5, %get3A_6] : memref<2000x1xf32, #tpu.memory_space<vmem>>, vector<2000x1xf32>
    %div3A = vector.broadcast %get3A_7 : vector<2000x1xf32> to vector<2000x32xf32>
    %div3A_8 = arith.divf %add3A, %div3A : vector<2000x32xf32>
    %get3A_9 = arith.constant 0 : index
    %get3A_10 = arith.constant 0 : index
    %get3A_11 = vector.load %arg4[%get3A_9, %get3A_10] : memref<1x32xf32, #tpu.memory_space<vmem>>, vector<1x32xf32>
    %add3A_12 = vector.broadcast %get3A_11 : vector<1x32xf32> to vector<2000x32xf32>
    %add3A_13 = arith.addf %div3A_8, %add3A_12 : vector<2000x32xf32>
    %get3A_14 = arith.constant 0 : index
    %get3A_15 = arith.constant 0 : index
    %get3A_16 = vector.load %arg5[%get3A_14, %get3A_15] : memref<2000x32xf32, #tpu.memory_space<vmem>>, vector<2000x32xf32>
    %add3A_17 = arith.addf %add3A_13, %get3A_16 : vector<2000x32xf32>
    %swap3A = arith.constant 0 : index
    %swap3A_18 = arith.constant 0 : index
    %swap3A_19 = vector.load %arg6[%swap3A, %swap3A_18] : memref<2000x32xf32, #tpu.memory_space<vmem>>, vector<2000x32xf32>
    tpu.vector_store %arg6[%swap3A, %swap3A_18], %add3A_17 {strides = array<i32>} : memref<2000x32xf32, #tpu.memory_space<vmem>>, vector<2000x32xf32>,
    return
  }
  func.func @transform_0(%arg0: i32) -> (i32, i32) {
    %c0_i32 = arith.constant 0 : i32
    %c0_i32_0 = arith.constant 0 : i32
    return %arg0, %c0_i32 : i32, i32
  }
  func.func @transform_1(%arg0: i32) -> (i32, i32) {
    %c0_i32 = arith.constant 0 : i32
    %c0_i32_0 = arith.constant 0 : i32
    return %arg0, %c0_i32 : i32, i32
  }
  func.func @transform_2(%arg0: i32) -> (i32, i32) {
    %c0_i32 = arith.constant 0 : i32
    %c0_i32_0 = arith.constant 0 : i32
    return %arg0, %c0_i32 : i32, i32
  }
  func.func @transform_3(%arg0: i32) -> (i32, i32) {
    %c0_i32 = arith.constant 0 : i32
    %c0_i32_0 = arith.constant 0 : i32
    %c0_i32_1 = arith.constant 0 : i32
    return %c0_i32, %c0_i32_0 : i32, i32
  }
  func.func @transform_4(%arg0: i32) -> (i32, i32) {
    %c0_i32 = arith.constant 0 : i32
    %c0_i32_0 = arith.constant 0 : i32
    return %arg0, %c0_i32 : i32, i32
  }
  func.func @transform_5(%arg0: i32) -> (i32, i32) {
    %c0_i32 = arith.constant 0 : i32
    %c0_i32_0 = arith.constant 0 : i32
    return %arg0, %c0_i32 : i32, i32
  }
}

module attributes {stable_mosaic.version = 14 : i64} {
  func.func @body(%arg0: i32, %arg1: memref<8192x128xf32, #tpu.memory_space<vmem>>, %arg2: memref<8x1024xf32, #tpu.memory_space<vmem>>, %arg3: memref<8x1024xf32, #tpu.memory_space<vmem>>, %arg4: memref<1x32xf32, #tpu.memory_space<vmem>>, %arg5: memref<1x32xf32, #tpu.memory_space<vmem>>, %arg6: memref<32x16xf32, #tpu.memory_space<vmem>>, %arg7: memref<1x16xf32, #tpu.memory_space<vmem>>, %arg8: memref<64x64xf32, #tpu.memory_space<vmem>>, %arg9: memref<16x64xf32, #tpu.memory_space<vmem>>, %arg10: memref<1x64xf32, #tpu.memory_space<vmem>>, %arg11: memref<64x32xf32, #tpu.memory_space<vmem>>, %arg12: memref<1x32xf32, #tpu.memory_space<vmem>>, %arg13: memref<32x1xf32, #tpu.memory_space<vmem>>, %arg14: memref<1x1xf32, #tpu.memory_space<vmem>>, %arg15: memref<8x1024xf32, #tpu.memory_space<vmem>>, %arg16: memref<8x1024xf32, #tpu.memory_space<vmem>>) attributes {dimension_semantics = [#tpu.dimension_semantics<arbitrary>], iteration_bounds = array<i64: 20>, scalar_prefetch = 0 : i64, scratch_operands = 0 : i64, tpu.core_type = #tpu.core_type<tc>, window_params = [{transform_indices = @transform_0, window_bounds = array<i64: 8192, 128>}, {transform_indices = @transform_1, window_bounds = array<i64: 8, 1024>}, {transform_indices = @transform_2, window_bounds = array<i64: 8, 1024>}, {pipeline_mode = #tpu.pipeline_mode<synchronous>, transform_indices = @transform_3, window_bounds = array<i64: 1, 32>}, {pipeline_mode = #tpu.pipeline_mode<synchronous>, transform_indices = @transform_4, window_bounds = array<i64: 1, 32>}, {pipeline_mode = #tpu.pipeline_mode<synchronous>, transform_indices = @transform_5, window_bounds = array<i64: 32, 16>}, {pipeline_mode = #tpu.pipeline_mode<synchronous>, transform_indices = @transform_6, window_bounds = array<i64: 1, 16>}, {pipeline_mode = #tpu.pipeline_mode<synchronous>, transform_indices = @transform_7, window_bounds = array<i64: 64, 64>}, {pipeline_mode = #tpu.pipeline_mode<synchronous>, transform_indices = @transform_8, window_bounds = array<i64: 16, 64>}, {pipeline_mode = #tpu.pipeline_mode<synchronous>, transform_indices = @transform_9, window_bounds = array<i64: 1, 64>}, {pipeline_mode = #tpu.pipeline_mode<synchronous>, transform_indices = @transform_10, window_bounds = array<i64: 64, 32>}, {pipeline_mode = #tpu.pipeline_mode<synchronous>, transform_indices = @transform_11, window_bounds = array<i64: 1, 32>}, {pipeline_mode = #tpu.pipeline_mode<synchronous>, transform_indices = @transform_12, window_bounds = array<i64: 32, 1>}, {pipeline_mode = #tpu.pipeline_mode<synchronous>, transform_indices = @transform_13, window_bounds = array<i64: 1, 1>}, {transform_indices = @transform_14, window_bounds = array<i64: 8, 1024>}, {transform_indices = @transform_15, window_bounds = array<i64: 8, 1024>}]} {
    %get3A = arith.constant 0 : index
    %get3A_0 = arith.constant 0 : index
    %get3A_1 = vector.load %arg6[%get3A, %get3A_0] : memref<32x16xf32, #tpu.memory_space<vmem>>, vector<32x16xf32>
    %get3A_2 = arith.constant 0 : index
    %get3A_3 = arith.constant 0 : index
    %get3A_4 = vector.load %arg9[%get3A_2, %get3A_3] : memref<16x64xf32, #tpu.memory_space<vmem>>, vector<16x64xf32>
    %dot_general3A = arith.constant dense<0.000000e+00> : vector<32x64xf32>
    %dot_general3A_5 = tpu.matmul %get3A_1, %get3A_4, %dot_general3A {dimension_numbers = #tpu.dot_dimension_numbers<[1], [0], [0], [1], [0, 0, 1, 1], [], []>, transpose_lhs_hint = false} : vector<32x16xf32>, vector<16x64xf32>, vector<32x64xf32> -> vector<32x64xf32>
    %get3A_6 = arith.constant 0 : index
    %get3A_7 = arith.constant 0 : index
    %get3A_8 = vector.load %arg7[%get3A_6, %get3A_7] : memref<1x16xf32, #tpu.memory_space<vmem>>, vector<1x16xf32>
    %get3A_9 = arith.constant 0 : index
    %get3A_10 = arith.constant 0 : index
    %get3A_11 = vector.load %arg9[%get3A_9, %get3A_10] : memref<16x64xf32, #tpu.memory_space<vmem>>, vector<16x64xf32>
    %dot_general3A_12 = arith.constant dense<0.000000e+00> : vector<1x64xf32>
    %dot_general3A_13 = tpu.matmul %get3A_8, %get3A_11, %dot_general3A_12 {dimension_numbers = #tpu.dot_dimension_numbers<[1], [0], [0], [1], [0, 0, 1, 1], [], []>, transpose_lhs_hint = false} : vector<1x16xf32>, vector<16x64xf32>, vector<1x64xf32> -> vector<1x64xf32>
    %get3A_14 = arith.constant 0 : index
    %get3A_15 = arith.constant 0 : index
    %get3A_16 = vector.load %arg2[%get3A_14, %get3A_15] : memref<8x1024xf32, #tpu.memory_space<vmem>>, vector<8x1024xf32>
    %transpose3A = tpu.transpose %get3A_16, [1, 0] : vector<8x1024xf32> -> vector<1024x8xf32>
    %get3A_17 = arith.constant 0 : index
    %get3A_18 = arith.constant 0 : index
    %get3A_19 = vector.load %arg3[%get3A_17, %get3A_18] : memref<8x1024xf32, #tpu.memory_space<vmem>>, vector<8x1024xf32>
    %transpose3A_20 = tpu.transpose %get3A_19, [1, 0] : vector<8x1024xf32> -> vector<1024x8xf32>
    %get3A_21 = arith.constant 0 : index
    %get3A_22 = arith.constant 0 : index
    %get3A_23 = vector.load %arg1[%get3A_21, %get3A_22] : memref<8192x128xf32, #tpu.memory_space<vmem>>, vector<1024x128xf32>
    %slice3A = vector.extract_strided_slice %get3A_23 {offsets = [0, 0], sizes = [1024, 64], strides = [1, 1]} : vector<1024x128xf32> to vector<1024x64xf32>
    %slice3A_24 = vector.extract_strided_slice %transpose3A {offsets = [0, 0], sizes = [1024, 1], strides = [1, 1]} : vector<1024x8xf32> to vector<1024x1xf32>
    %get3A_25 = arith.constant 0 : index
    %get3A_26 = arith.constant 0 : index
    %get3A_27 = vector.load %arg4[%get3A_25, %get3A_26] : memref<1x32xf32, #tpu.memory_space<vmem>>, vector<1x32xf32>
    %mul3A = vector.broadcast %slice3A_24 : vector<1024x1xf32> to vector<1024x32xf32>
    %mul3A_28 = vector.broadcast %get3A_27 : vector<1x32xf32> to vector<1024x32xf32>
    %mul3A_29 = arith.mulf %mul3A, %mul3A_28 : vector<1024x32xf32>
    %get3A_30 = arith.constant 0 : index
    %get3A_31 = arith.constant 0 : index
    %get3A_32 = vector.load %arg5[%get3A_30, %get3A_31] : memref<1x32xf32, #tpu.memory_space<vmem>>, vector<1x32xf32>
    %add3A = vector.broadcast %get3A_32 : vector<1x32xf32> to vector<1024x32xf32>
    %add3A_33 = arith.addf %mul3A_29, %add3A : vector<1024x32xf32>
    %max3A = arith.constant 0.000000e+00 : f32
    %max3A_34 = vector.broadcast %max3A : f32 to vector<1024x32xf32>
    %max3A_35 = arith.maximumf %add3A_33, %max3A_34 : vector<1024x32xf32>
    %dot_general3A_36 = arith.constant dense<0.000000e+00> : vector<1024x64xf32>
    %dot_general3A_37 = tpu.matmul %max3A_35, %dot_general3A_5, %dot_general3A_36 {dimension_numbers = #tpu.dot_dimension_numbers<[1], [0], [0], [1], [0, 0, 1, 1], [], []>, transpose_lhs_hint = false} : vector<1024x32xf32>, vector<32x64xf32>, vector<1024x64xf32> -> vector<1024x64xf32>
    %add3A_38 = vector.broadcast %dot_general3A_13 : vector<1x64xf32> to vector<1024x64xf32>
    %add3A_39 = arith.addf %dot_general3A_37, %add3A_38 : vector<1024x64xf32>
    %get3A_40 = arith.constant 0 : index
    %get3A_41 = arith.constant 0 : index
    %get3A_42 = vector.load %arg8[%get3A_40, %get3A_41] : memref<64x64xf32, #tpu.memory_space<vmem>>, vector<64x64xf32>
    %dot_general3A_43 = arith.constant dense<0.000000e+00> : vector<1024x64xf32>
    %dot_general3A_44 = tpu.matmul %slice3A, %get3A_42, %dot_general3A_43 {dimension_numbers = #tpu.dot_dimension_numbers<[1], [0], [0], [1], [0, 0, 1, 1], [], []>, transpose_lhs_hint = false} : vector<1024x64xf32>, vector<64x64xf32>, vector<1024x64xf32> -> vector<1024x64xf32>
    %add3A_45 = arith.addf %dot_general3A_44, %add3A_39 : vector<1024x64xf32>
    %get3A_46 = arith.constant 0 : index
    %get3A_47 = arith.constant 0 : index
    %get3A_48 = vector.load %arg10[%get3A_46, %get3A_47] : memref<1x64xf32, #tpu.memory_space<vmem>>, vector<1x64xf32>
    %add3A_49 = vector.broadcast %get3A_48 : vector<1x64xf32> to vector<1024x64xf32>
    %add3A_50 = arith.addf %add3A_45, %add3A_49 : vector<1024x64xf32>
    %max3A_51 = arith.constant 0.000000e+00 : f32
    %max3A_52 = vector.broadcast %max3A_51 : f32 to vector<1024x64xf32>
    %max3A_53 = arith.maximumf %add3A_50, %max3A_52 : vector<1024x64xf32>
    %get3A_54 = arith.constant 0 : index
    %get3A_55 = arith.constant 0 : index
    %get3A_56 = vector.load %arg11[%get3A_54, %get3A_55] : memref<64x32xf32, #tpu.memory_space<vmem>>, vector<64x32xf32>
    %dot_general3A_57 = arith.constant dense<0.000000e+00> : vector<1024x32xf32>
    %dot_general3A_58 = tpu.matmul %max3A_53, %get3A_56, %dot_general3A_57 {dimension_numbers = #tpu.dot_dimension_numbers<[1], [0], [0], [1], [0, 0, 1, 1], [], []>, transpose_lhs_hint = false} : vector<1024x64xf32>, vector<64x32xf32>, vector<1024x32xf32> -> vector<1024x32xf32>
    %get3A_59 = arith.constant 0 : index
    %get3A_60 = arith.constant 0 : index
    %get3A_61 = vector.load %arg12[%get3A_59, %get3A_60] : memref<1x32xf32, #tpu.memory_space<vmem>>, vector<1x32xf32>
    %add3A_62 = vector.broadcast %get3A_61 : vector<1x32xf32> to vector<1024x32xf32>
    %add3A_63 = arith.addf %dot_general3A_58, %add3A_62 : vector<1024x32xf32>
    %max3A_64 = arith.constant 0.000000e+00 : f32
    %max3A_65 = vector.broadcast %max3A_64 : f32 to vector<1024x32xf32>
    %max3A_66 = arith.maximumf %add3A_63, %max3A_65 : vector<1024x32xf32>
    %get3A_67 = arith.constant 0 : index
    %get3A_68 = arith.constant 0 : index
    %get3A_69 = vector.load %arg13[%get3A_67, %get3A_68] : memref<32x1xf32, #tpu.memory_space<vmem>>, vector<32x1xf32>
    %dot_general3A_70 = arith.constant dense<0.000000e+00> : vector<1024x1xf32>
    %dot_general3A_71 = tpu.matmul %max3A_66, %get3A_69, %dot_general3A_70 {dimension_numbers = #tpu.dot_dimension_numbers<[1], [0], [0], [1], [0, 0, 1, 1], [], []>, transpose_lhs_hint = false} : vector<1024x32xf32>, vector<32x1xf32>, vector<1024x1xf32> -> vector<1024x1xf32>
    %get3A_72 = arith.constant 0 : index
    %get3A_73 = arith.constant 0 : index
    %get3A_74 = vector.load %arg14[%get3A_72, %get3A_73] : memref<1x1xf32, #tpu.memory_space<vmem>>, vector<1x1xf32>
    %add3A_75 = vector.broadcast %get3A_74 : vector<1x1xf32> to vector<1024x1xf32>
    %add3A_76 = arith.addf %dot_general3A_71, %add3A_75 : vector<1024x1xf32>
    %slice3A_77 = vector.extract_strided_slice %get3A_23 {offsets = [0, 64], sizes = [1024, 64], strides = [1, 1]} : vector<1024x128xf32> to vector<1024x64xf32>
    %slice3A_78 = vector.extract_strided_slice %transpose3A_20 {offsets = [0, 0], sizes = [1024, 1], strides = [1, 1]} : vector<1024x8xf32> to vector<1024x1xf32>
    %get3A_79 = arith.constant 0 : index
    %get3A_80 = arith.constant 0 : index
    %get3A_81 = vector.load %arg4[%get3A_79, %get3A_80] : memref<1x32xf32, #tpu.memory_space<vmem>>, vector<1x32xf32>
    %mul3A_82 = vector.broadcast %slice3A_78 : vector<1024x1xf32> to vector<1024x32xf32>
    %mul3A_83 = vector.broadcast %get3A_81 : vector<1x32xf32> to vector<1024x32xf32>
    %mul3A_84 = arith.mulf %mul3A_82, %mul3A_83 : vector<1024x32xf32>
    %get3A_85 = arith.constant 0 : index
    %get3A_86 = arith.constant 0 : index
    %get3A_87 = vector.load %arg5[%get3A_85, %get3A_86] : memref<1x32xf32, #tpu.memory_space<vmem>>, vector<1x32xf32>
    %add3A_88 = vector.broadcast %get3A_87 : vector<1x32xf32> to vector<1024x32xf32>
    %add3A_89 = arith.addf %mul3A_84, %add3A_88 : vector<1024x32xf32>
    %max3A_90 = arith.constant 0.000000e+00 : f32
    %max3A_91 = vector.broadcast %max3A_90 : f32 to vector<1024x32xf32>
    %max3A_92 = arith.maximumf %add3A_89, %max3A_91 : vector<1024x32xf32>
    %dot_general3A_93 = arith.constant dense<0.000000e+00> : vector<1024x64xf32>
    %dot_general3A_94 = tpu.matmul %max3A_92, %dot_general3A_5, %dot_general3A_93 {dimension_numbers = #tpu.dot_dimension_numbers<[1], [0], [0], [1], [0, 0, 1, 1], [], []>, transpose_lhs_hint = false} : vector<1024x32xf32>, vector<32x64xf32>, vector<1024x64xf32> -> vector<1024x64xf32>
    %add3A_95 = vector.broadcast %dot_general3A_13 : vector<1x64xf32> to vector<1024x64xf32>
    %add3A_96 = arith.addf %dot_general3A_94, %add3A_95 : vector<1024x64xf32>
    %get3A_97 = arith.constant 0 : index
    %get3A_98 = arith.constant 0 : index
    %get3A_99 = vector.load %arg8[%get3A_97, %get3A_98] : memref<64x64xf32, #tpu.memory_space<vmem>>, vector<64x64xf32>
    %dot_general3A_100 = arith.constant dense<0.000000e+00> : vector<1024x64xf32>
    %dot_general3A_101 = tpu.matmul %slice3A_77, %get3A_99, %dot_general3A_100 {dimension_numbers = #tpu.dot_dimension_numbers<[1], [0], [0], [1], [0, 0, 1, 1], [], []>, transpose_lhs_hint = false} : vector<1024x64xf32>, vector<64x64xf32>, vector<1024x64xf32> -> vector<1024x64xf32>
    %add3A_102 = arith.addf %dot_general3A_101, %add3A_96 : vector<1024x64xf32>
    %get3A_103 = arith.constant 0 : index
    %get3A_104 = arith.constant 0 : index
    %get3A_105 = vector.load %arg10[%get3A_103, %get3A_104] : memref<1x64xf32, #tpu.memory_space<vmem>>, vector<1x64xf32>
    %add3A_106 = vector.broadcast %get3A_105 : vector<1x64xf32> to vector<1024x64xf32>
    %add3A_107 = arith.addf %add3A_102, %add3A_106 : vector<1024x64xf32>
    %max3A_108 = arith.constant 0.000000e+00 : f32
    %max3A_109 = vector.broadcast %max3A_108 : f32 to vector<1024x64xf32>
    %max3A_110 = arith.maximumf %add3A_107, %max3A_109 : vector<1024x64xf32>
    %get3A_111 = arith.constant 0 : index
    %get3A_112 = arith.constant 0 : index
    %get3A_113 = vector.load %arg11[%get3A_111, %get3A_112] : memref<64x32xf32, #tpu.memory_space<vmem>>, vector<64x32xf32>
    %dot_general3A_114 = arith.constant dense<0.000000e+00> : vector<1024x32xf32>
    %dot_general3A_115 = tpu.matmul %max3A_110, %get3A_113, %dot_general3A_114 {dimension_numbers = #tpu.dot_dimension_numbers<[1], [0], [0], [1], [0, 0, 1, 1], [], []>, transpose_lhs_hint = false} : vector<1024x64xf32>, vector<64x32xf32>, vector<1024x32xf32> -> vector<1024x32xf32>
    %get3A_116 = arith.constant 0 : index
    %get3A_117 = arith.constant 0 : index
    %get3A_118 = vector.load %arg12[%get3A_116, %get3A_117] : memref<1x32xf32, #tpu.memory_space<vmem>>, vector<1x32xf32>
    %add3A_119 = vector.broadcast %get3A_118 : vector<1x32xf32> to vector<1024x32xf32>
    %add3A_120 = arith.addf %dot_general3A_115, %add3A_119 : vector<1024x32xf32>
    %max3A_121 = arith.constant 0.000000e+00 : f32
    %max3A_122 = vector.broadcast %max3A_121 : f32 to vector<1024x32xf32>
    %max3A_123 = arith.maximumf %add3A_120, %max3A_122 : vector<1024x32xf32>
    %get3A_124 = arith.constant 0 : index
    %get3A_125 = arith.constant 0 : index
    %get3A_126 = vector.load %arg13[%get3A_124, %get3A_125] : memref<32x1xf32, #tpu.memory_space<vmem>>, vector<32x1xf32>
    %dot_general3A_127 = arith.constant dense<0.000000e+00> : vector<1024x1xf32>
    %dot_general3A_128 = tpu.matmul %max3A_123, %get3A_126, %dot_general3A_127 {dimension_numbers = #tpu.dot_dimension_numbers<[1], [0], [0], [1], [0, 0, 1, 1], [], []>, transpose_lhs_hint = false} : vector<1024x32xf32>, vector<32x1xf32>, vector<1024x1xf32> -> vector<1024x1xf32>
    %get3A_129 = arith.constant 0 : index
    %get3A_130 = arith.constant 0 : index
    %get3A_131 = vector.load %arg14[%get3A_129, %get3A_130] : memref<1x1xf32, #tpu.memory_space<vmem>>, vector<1x1xf32>
    %add3A_132 = vector.broadcast %get3A_131 : vector<1x1xf32> to vector<1024x1xf32>
    %add3A_133 = arith.addf %dot_general3A_128, %add3A_132 : vector<1024x1xf32>
    %get3A_134 = arith.constant 1024 : index
    %get3A_135 = arith.constant 0 : index
    %get3A_136 = vector.load %arg1[%get3A_134, %get3A_135] : memref<8192x128xf32, #tpu.memory_space<vmem>>, vector<1024x128xf32>
    %slice3A_137 = vector.extract_strided_slice %get3A_136 {offsets = [0, 0], sizes = [1024, 64], strides = [1, 1]} : vector<1024x128xf32> to vector<1024x64xf32>
    %slice3A_138 = vector.extract_strided_slice %transpose3A {offsets = [0, 1], sizes = [1024, 1], strides = [1, 1]} : vector<1024x8xf32> to vector<1024x1xf32>
    %get3A_139 = arith.constant 0 : index
    %get3A_140 = arith.constant 0 : index
    %get3A_141 = vector.load %arg4[%get3A_139, %get3A_140] : memref<1x32xf32, #tpu.memory_space<vmem>>, vector<1x32xf32>
    %mul3A_142 = vector.broadcast %slice3A_138 : vector<1024x1xf32> to vector<1024x32xf32>
    %mul3A_143 = vector.broadcast %get3A_141 : vector<1x32xf32> to vector<1024x32xf32>
    %mul3A_144 = arith.mulf %mul3A_142, %mul3A_143 : vector<1024x32xf32>
    %get3A_145 = arith.constant 0 : index
    %get3A_146 = arith.constant 0 : index
    %get3A_147 = vector.load %arg5[%get3A_145, %get3A_146] : memref<1x32xf32, #tpu.memory_space<vmem>>, vector<1x32xf32>
    %add3A_148 = vector.broadcast %get3A_147 : vector<1x32xf32> to vector<1024x32xf32>
    %add3A_149 = arith.addf %mul3A_144, %add3A_148 : vector<1024x32xf32>
    %max3A_150 = arith.constant 0.000000e+00 : f32
    %max3A_151 = vector.broadcast %max3A_150 : f32 to vector<1024x32xf32>
    %max3A_152 = arith.maximumf %add3A_149, %max3A_151 : vector<1024x32xf32>
    %dot_general3A_153 = arith.constant dense<0.000000e+00> : vector<1024x64xf32>
    %dot_general3A_154 = tpu.matmul %max3A_152, %dot_general3A_5, %dot_general3A_153 {dimension_numbers = #tpu.dot_dimension_numbers<[1], [0], [0], [1], [0, 0, 1, 1], [], []>, transpose_lhs_hint = false} : vector<1024x32xf32>, vector<32x64xf32>, vector<1024x64xf32> -> vector<1024x64xf32>
    %add3A_155 = vector.broadcast %dot_general3A_13 : vector<1x64xf32> to vector<1024x64xf32>
    %add3A_156 = arith.addf %dot_general3A_154, %add3A_155 : vector<1024x64xf32>
    %get3A_157 = arith.constant 0 : index
    %get3A_158 = arith.constant 0 : index
    %get3A_159 = vector.load %arg8[%get3A_157, %get3A_158] : memref<64x64xf32, #tpu.memory_space<vmem>>, vector<64x64xf32>
    %dot_general3A_160 = arith.constant dense<0.000000e+00> : vector<1024x64xf32>
    %dot_general3A_161 = tpu.matmul %slice3A_137, %get3A_159, %dot_general3A_160 {dimension_numbers = #tpu.dot_dimension_numbers<[1], [0], [0], [1], [0, 0, 1, 1], [], []>, transpose_lhs_hint = false} : vector<1024x64xf32>, vector<64x64xf32>, vector<1024x64xf32> -> vector<1024x64xf32>
    %add3A_162 = arith.addf %dot_general3A_161, %add3A_156 : vector<1024x64xf32>
    %get3A_163 = arith.constant 0 : index
    %get3A_164 = arith.constant 0 : index
    %get3A_165 = vector.load %arg10[%get3A_163, %get3A_164] : memref<1x64xf32, #tpu.memory_space<vmem>>, vector<1x64xf32>
    %add3A_166 = vector.broadcast %get3A_165 : vector<1x64xf32> to vector<1024x64xf32>
    %add3A_167 = arith.addf %add3A_162, %add3A_166 : vector<1024x64xf32>
    %max3A_168 = arith.constant 0.000000e+00 : f32
    %max3A_169 = vector.broadcast %max3A_168 : f32 to vector<1024x64xf32>
    %max3A_170 = arith.maximumf %add3A_167, %max3A_169 : vector<1024x64xf32>
    %get3A_171 = arith.constant 0 : index
    %get3A_172 = arith.constant 0 : index
    %get3A_173 = vector.load %arg11[%get3A_171, %get3A_172] : memref<64x32xf32, #tpu.memory_space<vmem>>, vector<64x32xf32>
    %dot_general3A_174 = arith.constant dense<0.000000e+00> : vector<1024x32xf32>
    %dot_general3A_175 = tpu.matmul %max3A_170, %get3A_173, %dot_general3A_174 {dimension_numbers = #tpu.dot_dimension_numbers<[1], [0], [0], [1], [0, 0, 1, 1], [], []>, transpose_lhs_hint = false} : vector<1024x64xf32>, vector<64x32xf32>, vector<1024x32xf32> -> vector<1024x32xf32>
    %get3A_176 = arith.constant 0 : index
    %get3A_177 = arith.constant 0 : index
    %get3A_178 = vector.load %arg12[%get3A_176, %get3A_177] : memref<1x32xf32, #tpu.memory_space<vmem>>, vector<1x32xf32>
    %add3A_179 = vector.broadcast %get3A_178 : vector<1x32xf32> to vector<1024x32xf32>
    %add3A_180 = arith.addf %dot_general3A_175, %add3A_179 : vector<1024x32xf32>
    %max3A_181 = arith.constant 0.000000e+00 : f32
    %max3A_182 = vector.broadcast %max3A_181 : f32 to vector<1024x32xf32>
    %max3A_183 = arith.maximumf %add3A_180, %max3A_182 : vector<1024x32xf32>
    %get3A_184 = arith.constant 0 : index
    %get3A_185 = arith.constant 0 : index
    %get3A_186 = vector.load %arg13[%get3A_184, %get3A_185] : memref<32x1xf32, #tpu.memory_space<vmem>>, vector<32x1xf32>
    %dot_general3A_187 = arith.constant dense<0.000000e+00> : vector<1024x1xf32>
    %dot_general3A_188 = tpu.matmul %max3A_183, %get3A_186, %dot_general3A_187 {dimension_numbers = #tpu.dot_dimension_numbers<[1], [0], [0], [1], [0, 0, 1, 1], [], []>, transpose_lhs_hint = false} : vector<1024x32xf32>, vector<32x1xf32>, vector<1024x1xf32> -> vector<1024x1xf32>
    %get3A_189 = arith.constant 0 : index
    %get3A_190 = arith.constant 0 : index
    %get3A_191 = vector.load %arg14[%get3A_189, %get3A_190] : memref<1x1xf32, #tpu.memory_space<vmem>>, vector<1x1xf32>
    %add3A_192 = vector.broadcast %get3A_191 : vector<1x1xf32> to vector<1024x1xf32>
    %add3A_193 = arith.addf %dot_general3A_188, %add3A_192 : vector<1024x1xf32>
    %slice3A_194 = vector.extract_strided_slice %get3A_136 {offsets = [0, 64], sizes = [1024, 64], strides = [1, 1]} : vector<1024x128xf32> to vector<1024x64xf32>
    %slice3A_195 = vector.extract_strided_slice %transpose3A_20 {offsets = [0, 1], sizes = [1024, 1], strides = [1, 1]} : vector<1024x8xf32> to vector<1024x1xf32>
    %get3A_196 = arith.constant 0 : index
    %get3A_197 = arith.constant 0 : index
    %get3A_198 = vector.load %arg4[%get3A_196, %get3A_197] : memref<1x32xf32, #tpu.memory_space<vmem>>, vector<1x32xf32>
    %mul3A_199 = vector.broadcast %slice3A_195 : vector<1024x1xf32> to vector<1024x32xf32>
    %mul3A_200 = vector.broadcast %get3A_198 : vector<1x32xf32> to vector<1024x32xf32>
    %mul3A_201 = arith.mulf %mul3A_199, %mul3A_200 : vector<1024x32xf32>
    %get3A_202 = arith.constant 0 : index
    %get3A_203 = arith.constant 0 : index
    %get3A_204 = vector.load %arg5[%get3A_202, %get3A_203] : memref<1x32xf32, #tpu.memory_space<vmem>>, vector<1x32xf32>
    %add3A_205 = vector.broadcast %get3A_204 : vector<1x32xf32> to vector<1024x32xf32>
    %add3A_206 = arith.addf %mul3A_201, %add3A_205 : vector<1024x32xf32>
    %max3A_207 = arith.constant 0.000000e+00 : f32
    %max3A_208 = vector.broadcast %max3A_207 : f32 to vector<1024x32xf32>
    %max3A_209 = arith.maximumf %add3A_206, %max3A_208 : vector<1024x32xf32>
    %dot_general3A_210 = arith.constant dense<0.000000e+00> : vector<1024x64xf32>
    %dot_general3A_211 = tpu.matmul %max3A_209, %dot_general3A_5, %dot_general3A_210 {dimension_numbers = #tpu.dot_dimension_numbers<[1], [0], [0], [1], [0, 0, 1, 1], [], []>, transpose_lhs_hint = false} : vector<1024x32xf32>, vector<32x64xf32>, vector<1024x64xf32> -> vector<1024x64xf32>
    %add3A_212 = vector.broadcast %dot_general3A_13 : vector<1x64xf32> to vector<1024x64xf32>
    %add3A_213 = arith.addf %dot_general3A_211, %add3A_212 : vector<1024x64xf32>
    %get3A_214 = arith.constant 0 : index
    %get3A_215 = arith.constant 0 : index
    %get3A_216 = vector.load %arg8[%get3A_214, %get3A_215] : memref<64x64xf32, #tpu.memory_space<vmem>>, vector<64x64xf32>
    %dot_general3A_217 = arith.constant dense<0.000000e+00> : vector<1024x64xf32>
    %dot_general3A_218 = tpu.matmul %slice3A_194, %get3A_216, %dot_general3A_217 {dimension_numbers = #tpu.dot_dimension_numbers<[1], [0], [0], [1], [0, 0, 1, 1], [], []>, transpose_lhs_hint = false} : vector<1024x64xf32>, vector<64x64xf32>, vector<1024x64xf32> -> vector<1024x64xf32>
    %add3A_219 = arith.addf %dot_general3A_218, %add3A_213 : vector<1024x64xf32>
    %get3A_220 = arith.constant 0 : index
    %get3A_221 = arith.constant 0 : index
    %get3A_222 = vector.load %arg10[%get3A_220, %get3A_221] : memref<1x64xf32, #tpu.memory_space<vmem>>, vector<1x64xf32>
    %add3A_223 = vector.broadcast %get3A_222 : vector<1x64xf32> to vector<1024x64xf32>
    %add3A_224 = arith.addf %add3A_219, %add3A_223 : vector<1024x64xf32>
    %max3A_225 = arith.constant 0.000000e+00 : f32
    %max3A_226 = vector.broadcast %max3A_225 : f32 to vector<1024x64xf32>
    %max3A_227 = arith.maximumf %add3A_224, %max3A_226 : vector<1024x64xf32>
    %get3A_228 = arith.constant 0 : index
    %get3A_229 = arith.constant 0 : index
    %get3A_230 = vector.load %arg11[%get3A_228, %get3A_229] : memref<64x32xf32, #tpu.memory_space<vmem>>, vector<64x32xf32>
    %dot_general3A_231 = arith.constant dense<0.000000e+00> : vector<1024x32xf32>
    %dot_general3A_232 = tpu.matmul %max3A_227, %get3A_230, %dot_general3A_231 {dimension_numbers = #tpu.dot_dimension_numbers<[1], [0], [0], [1], [0, 0, 1, 1], [], []>, transpose_lhs_hint = false} : vector<1024x64xf32>, vector<64x32xf32>, vector<1024x32xf32> -> vector<1024x32xf32>
    %get3A_233 = arith.constant 0 : index
    %get3A_234 = arith.constant 0 : index
    %get3A_235 = vector.load %arg12[%get3A_233, %get3A_234] : memref<1x32xf32, #tpu.memory_space<vmem>>, vector<1x32xf32>
    %add3A_236 = vector.broadcast %get3A_235 : vector<1x32xf32> to vector<1024x32xf32>
    %add3A_237 = arith.addf %dot_general3A_232, %add3A_236 : vector<1024x32xf32>
    %max3A_238 = arith.constant 0.000000e+00 : f32
    %max3A_239 = vector.broadcast %max3A_238 : f32 to vector<1024x32xf32>
    %max3A_240 = arith.maximumf %add3A_237, %max3A_239 : vector<1024x32xf32>
    %get3A_241 = arith.constant 0 : index
    %get3A_242 = arith.constant 0 : index
    %get3A_243 = vector.load %arg13[%get3A_241, %get3A_242] : memref<32x1xf32, #tpu.memory_space<vmem>>, vector<32x1xf32>
    %dot_general3A_244 = arith.constant dense<0.000000e+00> : vector<1024x1xf32>
    %dot_general3A_245 = tpu.matmul %max3A_240, %get3A_243, %dot_general3A_244 {dimension_numbers = #tpu.dot_dimension_numbers<[1], [0], [0], [1], [0, 0, 1, 1], [], []>, transpose_lhs_hint = false} : vector<1024x32xf32>, vector<32x1xf32>, vector<1024x1xf32> -> vector<1024x1xf32>
    %get3A_246 = arith.constant 0 : index
    %get3A_247 = arith.constant 0 : index
    %get3A_248 = vector.load %arg14[%get3A_246, %get3A_247] : memref<1x1xf32, #tpu.memory_space<vmem>>, vector<1x1xf32>
    %add3A_249 = vector.broadcast %get3A_248 : vector<1x1xf32> to vector<1024x1xf32>
    %add3A_250 = arith.addf %dot_general3A_245, %add3A_249 : vector<1024x1xf32>
    %get3A_251 = arith.constant 2048 : index
    %get3A_252 = arith.constant 0 : index
    %get3A_253 = vector.load %arg1[%get3A_251, %get3A_252] : memref<8192x128xf32, #tpu.memory_space<vmem>>, vector<1024x128xf32>
    %slice3A_254 = vector.extract_strided_slice %get3A_253 {offsets = [0, 0], sizes = [1024, 64], strides = [1, 1]} : vector<1024x128xf32> to vector<1024x64xf32>
    %slice3A_255 = vector.extract_strided_slice %transpose3A {offsets = [0, 2], sizes = [1024, 1], strides = [1, 1]} : vector<1024x8xf32> to vector<1024x1xf32>
    %get3A_256 = arith.constant 0 : index
    %get3A_257 = arith.constant 0 : index
    %get3A_258 = vector.load %arg4[%get3A_256, %get3A_257] : memref<1x32xf32, #tpu.memory_space<vmem>>, vector<1x32xf32>
    %mul3A_259 = vector.broadcast %slice3A_255 : vector<1024x1xf32> to vector<1024x32xf32>
    %mul3A_260 = vector.broadcast %get3A_258 : vector<1x32xf32> to vector<1024x32xf32>
    %mul3A_261 = arith.mulf %mul3A_259, %mul3A_260 : vector<1024x32xf32>
    %get3A_262 = arith.constant 0 : index
    %get3A_263 = arith.constant 0 : index
    %get3A_264 = vector.load %arg5[%get3A_262, %get3A_263] : memref<1x32xf32, #tpu.memory_space<vmem>>, vector<1x32xf32>
    %add3A_265 = vector.broadcast %get3A_264 : vector<1x32xf32> to vector<1024x32xf32>
    %add3A_266 = arith.addf %mul3A_261, %add3A_265 : vector<1024x32xf32>
    %max3A_267 = arith.constant 0.000000e+00 : f32
    %max3A_268 = vector.broadcast %max3A_267 : f32 to vector<1024x32xf32>
    %max3A_269 = arith.maximumf %add3A_266, %max3A_268 : vector<1024x32xf32>
    %dot_general3A_270 = arith.constant dense<0.000000e+00> : vector<1024x64xf32>
    %dot_general3A_271 = tpu.matmul %max3A_269, %dot_general3A_5, %dot_general3A_270 {dimension_numbers = #tpu.dot_dimension_numbers<[1], [0], [0], [1], [0, 0, 1, 1], [], []>, transpose_lhs_hint = false} : vector<1024x32xf32>, vector<32x64xf32>, vector<1024x64xf32> -> vector<1024x64xf32>
    %add3A_272 = vector.broadcast %dot_general3A_13 : vector<1x64xf32> to vector<1024x64xf32>
    %add3A_273 = arith.addf %dot_general3A_271, %add3A_272 : vector<1024x64xf32>
    %get3A_274 = arith.constant 0 : index
    %get3A_275 = arith.constant 0 : index
    %get3A_276 = vector.load %arg8[%get3A_274, %get3A_275] : memref<64x64xf32, #tpu.memory_space<vmem>>, vector<64x64xf32>
    %dot_general3A_277 = arith.constant dense<0.000000e+00> : vector<1024x64xf32>
    %dot_general3A_278 = tpu.matmul %slice3A_254, %get3A_276, %dot_general3A_277 {dimension_numbers = #tpu.dot_dimension_numbers<[1], [0], [0], [1], [0, 0, 1, 1], [], []>, transpose_lhs_hint = false} : vector<1024x64xf32>, vector<64x64xf32>, vector<1024x64xf32> -> vector<1024x64xf32>
    %add3A_279 = arith.addf %dot_general3A_278, %add3A_273 : vector<1024x64xf32>
    %get3A_280 = arith.constant 0 : index
    %get3A_281 = arith.constant 0 : index
    %get3A_282 = vector.load %arg10[%get3A_280, %get3A_281] : memref<1x64xf32, #tpu.memory_space<vmem>>, vector<1x64xf32>
    %add3A_283 = vector.broadcast %get3A_282 : vector<1x64xf32> to vector<1024x64xf32>
    %add3A_284 = arith.addf %add3A_279, %add3A_283 : vector<1024x64xf32>
    %max3A_285 = arith.constant 0.000000e+00 : f32
    %max3A_286 = vector.broadcast %max3A_285 : f32 to vector<1024x64xf32>
    %max3A_287 = arith.maximumf %add3A_284, %max3A_286 : vector<1024x64xf32>
    %get3A_288 = arith.constant 0 : index
    %get3A_289 = arith.constant 0 : index
    %get3A_290 = vector.load %arg11[%get3A_288, %get3A_289] : memref<64x32xf32, #tpu.memory_space<vmem>>, vector<64x32xf32>
    %dot_general3A_291 = arith.constant dense<0.000000e+00> : vector<1024x32xf32>
    %dot_general3A_292 = tpu.matmul %max3A_287, %get3A_290, %dot_general3A_291 {dimension_numbers = #tpu.dot_dimension_numbers<[1], [0], [0], [1], [0, 0, 1, 1], [], []>, transpose_lhs_hint = false} : vector<1024x64xf32>, vector<64x32xf32>, vector<1024x32xf32> -> vector<1024x32xf32>
    %get3A_293 = arith.constant 0 : index
    %get3A_294 = arith.constant 0 : index
    %get3A_295 = vector.load %arg12[%get3A_293, %get3A_294] : memref<1x32xf32, #tpu.memory_space<vmem>>, vector<1x32xf32>
    %add3A_296 = vector.broadcast %get3A_295 : vector<1x32xf32> to vector<1024x32xf32>
    %add3A_297 = arith.addf %dot_general3A_292, %add3A_296 : vector<1024x32xf32>
    %max3A_298 = arith.constant 0.000000e+00 : f32
    %max3A_299 = vector.broadcast %max3A_298 : f32 to vector<1024x32xf32>
    %max3A_300 = arith.maximumf %add3A_297, %max3A_299 : vector<1024x32xf32>
    %get3A_301 = arith.constant 0 : index
    %get3A_302 = arith.constant 0 : index
    %get3A_303 = vector.load %arg13[%get3A_301, %get3A_302] : memref<32x1xf32, #tpu.memory_space<vmem>>, vector<32x1xf32>
    %dot_general3A_304 = arith.constant dense<0.000000e+00> : vector<1024x1xf32>
    %dot_general3A_305 = tpu.matmul %max3A_300, %get3A_303, %dot_general3A_304 {dimension_numbers = #tpu.dot_dimension_numbers<[1], [0], [0], [1], [0, 0, 1, 1], [], []>, transpose_lhs_hint = false} : vector<1024x32xf32>, vector<32x1xf32>, vector<1024x1xf32> -> vector<1024x1xf32>
    %get3A_306 = arith.constant 0 : index
    %get3A_307 = arith.constant 0 : index
    %get3A_308 = vector.load %arg14[%get3A_306, %get3A_307] : memref<1x1xf32, #tpu.memory_space<vmem>>, vector<1x1xf32>
    %add3A_309 = vector.broadcast %get3A_308 : vector<1x1xf32> to vector<1024x1xf32>
    %add3A_310 = arith.addf %dot_general3A_305, %add3A_309 : vector<1024x1xf32>
    %slice3A_311 = vector.extract_strided_slice %get3A_253 {offsets = [0, 64], sizes = [1024, 64], strides = [1, 1]} : vector<1024x128xf32> to vector<1024x64xf32>
    %slice3A_312 = vector.extract_strided_slice %transpose3A_20 {offsets = [0, 2], sizes = [1024, 1], strides = [1, 1]} : vector<1024x8xf32> to vector<1024x1xf32>
    %get3A_313 = arith.constant 0 : index
    %get3A_314 = arith.constant 0 : index
    %get3A_315 = vector.load %arg4[%get3A_313, %get3A_314] : memref<1x32xf32, #tpu.memory_space<vmem>>, vector<1x32xf32>
    %mul3A_316 = vector.broadcast %slice3A_312 : vector<1024x1xf32> to vector<1024x32xf32>
    %mul3A_317 = vector.broadcast %get3A_315 : vector<1x32xf32> to vector<1024x32xf32>
    %mul3A_318 = arith.mulf %mul3A_316, %mul3A_317 : vector<1024x32xf32>
    %get3A_319 = arith.constant 0 : index
    %get3A_320 = arith.constant 0 : index
    %get3A_321 = vector.load %arg5[%get3A_319, %get3A_320] : memref<1x32xf32, #tpu.memory_space<vmem>>, vector<1x32xf32>
    %add3A_322 = vector.broadcast %get3A_321 : vector<1x32xf32> to vector<1024x32xf32>
    %add3A_323 = arith.addf %mul3A_318, %add3A_322 : vector<1024x32xf32>
    %max3A_324 = arith.constant 0.000000e+00 : f32
    %max3A_325 = vector.broadcast %max3A_324 : f32 to vector<1024x32xf32>
    %max3A_326 = arith.maximumf %add3A_323, %max3A_325 : vector<1024x32xf32>
    %dot_general3A_327 = arith.constant dense<0.000000e+00> : vector<1024x64xf32>
    %dot_general3A_328 = tpu.matmul %max3A_326, %dot_general3A_5, %dot_general3A_327 {dimension_numbers = #tpu.dot_dimension_numbers<[1], [0], [0], [1], [0, 0, 1, 1], [], []>, transpose_lhs_hint = false} : vector<1024x32xf32>, vector<32x64xf32>, vector<1024x64xf32> -> vector<1024x64xf32>
    %add3A_329 = vector.broadcast %dot_general3A_13 : vector<1x64xf32> to vector<1024x64xf32>
    %add3A_330 = arith.addf %dot_general3A_328, %add3A_329 : vector<1024x64xf32>
    %get3A_331 = arith.constant 0 : index
    %get3A_332 = arith.constant 0 : index
    %get3A_333 = vector.load %arg8[%get3A_331, %get3A_332] : memref<64x64xf32, #tpu.memory_space<vmem>>, vector<64x64xf32>
    %dot_general3A_334 = arith.constant dense<0.000000e+00> : vector<1024x64xf32>
    %dot_general3A_335 = tpu.matmul %slice3A_311, %get3A_333, %dot_general3A_334 {dimension_numbers = #tpu.dot_dimension_numbers<[1], [0], [0], [1], [0, 0, 1, 1], [], []>, transpose_lhs_hint = false} : vector<1024x64xf32>, vector<64x64xf32>, vector<1024x64xf32> -> vector<1024x64xf32>
    %add3A_336 = arith.addf %dot_general3A_335, %add3A_330 : vector<1024x64xf32>
    %get3A_337 = arith.constant 0 : index
    %get3A_338 = arith.constant 0 : index
    %get3A_339 = vector.load %arg10[%get3A_337, %get3A_338] : memref<1x64xf32, #tpu.memory_space<vmem>>, vector<1x64xf32>
    %add3A_340 = vector.broadcast %get3A_339 : vector<1x64xf32> to vector<1024x64xf32>
    %add3A_341 = arith.addf %add3A_336, %add3A_340 : vector<1024x64xf32>
    %max3A_342 = arith.constant 0.000000e+00 : f32
    %max3A_343 = vector.broadcast %max3A_342 : f32 to vector<1024x64xf32>
    %max3A_344 = arith.maximumf %add3A_341, %max3A_343 : vector<1024x64xf32>
    %get3A_345 = arith.constant 0 : index
    %get3A_346 = arith.constant 0 : index
    %get3A_347 = vector.load %arg11[%get3A_345, %get3A_346] : memref<64x32xf32, #tpu.memory_space<vmem>>, vector<64x32xf32>
    %dot_general3A_348 = arith.constant dense<0.000000e+00> : vector<1024x32xf32>
    %dot_general3A_349 = tpu.matmul %max3A_344, %get3A_347, %dot_general3A_348 {dimension_numbers = #tpu.dot_dimension_numbers<[1], [0], [0], [1], [0, 0, 1, 1], [], []>, transpose_lhs_hint = false} : vector<1024x64xf32>, vector<64x32xf32>, vector<1024x32xf32> -> vector<1024x32xf32>
    %get3A_350 = arith.constant 0 : index
    %get3A_351 = arith.constant 0 : index
    %get3A_352 = vector.load %arg12[%get3A_350, %get3A_351] : memref<1x32xf32, #tpu.memory_space<vmem>>, vector<1x32xf32>
    %add3A_353 = vector.broadcast %get3A_352 : vector<1x32xf32> to vector<1024x32xf32>
    %add3A_354 = arith.addf %dot_general3A_349, %add3A_353 : vector<1024x32xf32>
    %max3A_355 = arith.constant 0.000000e+00 : f32
    %max3A_356 = vector.broadcast %max3A_355 : f32 to vector<1024x32xf32>
    %max3A_357 = arith.maximumf %add3A_354, %max3A_356 : vector<1024x32xf32>
    %get3A_358 = arith.constant 0 : index
    %get3A_359 = arith.constant 0 : index
    %get3A_360 = vector.load %arg13[%get3A_358, %get3A_359] : memref<32x1xf32, #tpu.memory_space<vmem>>, vector<32x1xf32>
    %dot_general3A_361 = arith.constant dense<0.000000e+00> : vector<1024x1xf32>
    %dot_general3A_362 = tpu.matmul %max3A_357, %get3A_360, %dot_general3A_361 {dimension_numbers = #tpu.dot_dimension_numbers<[1], [0], [0], [1], [0, 0, 1, 1], [], []>, transpose_lhs_hint = false} : vector<1024x32xf32>, vector<32x1xf32>, vector<1024x1xf32> -> vector<1024x1xf32>
    %get3A_363 = arith.constant 0 : index
    %get3A_364 = arith.constant 0 : index
    %get3A_365 = vector.load %arg14[%get3A_363, %get3A_364] : memref<1x1xf32, #tpu.memory_space<vmem>>, vector<1x1xf32>
    %add3A_366 = vector.broadcast %get3A_365 : vector<1x1xf32> to vector<1024x1xf32>
    %add3A_367 = arith.addf %dot_general3A_362, %add3A_366 : vector<1024x1xf32>
    %get3A_368 = arith.constant 3072 : index
    %get3A_369 = arith.constant 0 : index
    %get3A_370 = vector.load %arg1[%get3A_368, %get3A_369] : memref<8192x128xf32, #tpu.memory_space<vmem>>, vector<1024x128xf32>
    %slice3A_371 = vector.extract_strided_slice %get3A_370 {offsets = [0, 0], sizes = [1024, 64], strides = [1, 1]} : vector<1024x128xf32> to vector<1024x64xf32>
    %slice3A_372 = vector.extract_strided_slice %transpose3A {offsets = [0, 3], sizes = [1024, 1], strides = [1, 1]} : vector<1024x8xf32> to vector<1024x1xf32>
    %get3A_373 = arith.constant 0 : index
    %get3A_374 = arith.constant 0 : index
    %get3A_375 = vector.load %arg4[%get3A_373, %get3A_374] : memref<1x32xf32, #tpu.memory_space<vmem>>, vector<1x32xf32>
    %mul3A_376 = vector.broadcast %slice3A_372 : vector<1024x1xf32> to vector<1024x32xf32>
    %mul3A_377 = vector.broadcast %get3A_375 : vector<1x32xf32> to vector<1024x32xf32>
    %mul3A_378 = arith.mulf %mul3A_376, %mul3A_377 : vector<1024x32xf32>
    %get3A_379 = arith.constant 0 : index
    %get3A_380 = arith.constant 0 : index
    %get3A_381 = vector.load %arg5[%get3A_379, %get3A_380] : memref<1x32xf32, #tpu.memory_space<vmem>>, vector<1x32xf32>
    %add3A_382 = vector.broadcast %get3A_381 : vector<1x32xf32> to vector<1024x32xf32>
    %add3A_383 = arith.addf %mul3A_378, %add3A_382 : vector<1024x32xf32>
    %max3A_384 = arith.constant 0.000000e+00 : f32
    %max3A_385 = vector.broadcast %max3A_384 : f32 to vector<1024x32xf32>
    %max3A_386 = arith.maximumf %add3A_383, %max3A_385 : vector<1024x32xf32>
    %dot_general3A_387 = arith.constant dense<0.000000e+00> : vector<1024x64xf32>
    %dot_general3A_388 = tpu.matmul %max3A_386, %dot_general3A_5, %dot_general3A_387 {dimension_numbers = #tpu.dot_dimension_numbers<[1], [0], [0], [1], [0, 0, 1, 1], [], []>, transpose_lhs_hint = false} : vector<1024x32xf32>, vector<32x64xf32>, vector<1024x64xf32> -> vector<1024x64xf32>
    %add3A_389 = vector.broadcast %dot_general3A_13 : vector<1x64xf32> to vector<1024x64xf32>
    %add3A_390 = arith.addf %dot_general3A_388, %add3A_389 : vector<1024x64xf32>
    %get3A_391 = arith.constant 0 : index
    %get3A_392 = arith.constant 0 : index
    %get3A_393 = vector.load %arg8[%get3A_391, %get3A_392] : memref<64x64xf32, #tpu.memory_space<vmem>>, vector<64x64xf32>
    %dot_general3A_394 = arith.constant dense<0.000000e+00> : vector<1024x64xf32>
    %dot_general3A_395 = tpu.matmul %slice3A_371, %get3A_393, %dot_general3A_394 {dimension_numbers = #tpu.dot_dimension_numbers<[1], [0], [0], [1], [0, 0, 1, 1], [], []>, transpose_lhs_hint = false} : vector<1024x64xf32>, vector<64x64xf32>, vector<1024x64xf32> -> vector<1024x64xf32>
    %add3A_396 = arith.addf %dot_general3A_395, %add3A_390 : vector<1024x64xf32>
    %get3A_397 = arith.constant 0 : index
    %get3A_398 = arith.constant 0 : index
    %get3A_399 = vector.load %arg10[%get3A_397, %get3A_398] : memref<1x64xf32, #tpu.memory_space<vmem>>, vector<1x64xf32>
    %add3A_400 = vector.broadcast %get3A_399 : vector<1x64xf32> to vector<1024x64xf32>
    %add3A_401 = arith.addf %add3A_396, %add3A_400 : vector<1024x64xf32>
    %max3A_402 = arith.constant 0.000000e+00 : f32
    %max3A_403 = vector.broadcast %max3A_402 : f32 to vector<1024x64xf32>
    %max3A_404 = arith.maximumf %add3A_401, %max3A_403 : vector<1024x64xf32>
    %get3A_405 = arith.constant 0 : index
    %get3A_406 = arith.constant 0 : index
    %get3A_407 = vector.load %arg11[%get3A_405, %get3A_406] : memref<64x32xf32, #tpu.memory_space<vmem>>, vector<64x32xf32>
    %dot_general3A_408 = arith.constant dense<0.000000e+00> : vector<1024x32xf32>
    %dot_general3A_409 = tpu.matmul %max3A_404, %get3A_407, %dot_general3A_408 {dimension_numbers = #tpu.dot_dimension_numbers<[1], [0], [0], [1], [0, 0, 1, 1], [], []>, transpose_lhs_hint = false} : vector<1024x64xf32>, vector<64x32xf32>, vector<1024x32xf32> -> vector<1024x32xf32>
    %get3A_410 = arith.constant 0 : index
    %get3A_411 = arith.constant 0 : index
    %get3A_412 = vector.load %arg12[%get3A_410, %get3A_411] : memref<1x32xf32, #tpu.memory_space<vmem>>, vector<1x32xf32>
    %add3A_413 = vector.broadcast %get3A_412 : vector<1x32xf32> to vector<1024x32xf32>
    %add3A_414 = arith.addf %dot_general3A_409, %add3A_413 : vector<1024x32xf32>
    %max3A_415 = arith.constant 0.000000e+00 : f32
    %max3A_416 = vector.broadcast %max3A_415 : f32 to vector<1024x32xf32>
    %max3A_417 = arith.maximumf %add3A_414, %max3A_416 : vector<1024x32xf32>
    %get3A_418 = arith.constant 0 : index
    %get3A_419 = arith.constant 0 : index
    %get3A_420 = vector.load %arg13[%get3A_418, %get3A_419] : memref<32x1xf32, #tpu.memory_space<vmem>>, vector<32x1xf32>
    %dot_general3A_421 = arith.constant dense<0.000000e+00> : vector<1024x1xf32>
    %dot_general3A_422 = tpu.matmul %max3A_417, %get3A_420, %dot_general3A_421 {dimension_numbers = #tpu.dot_dimension_numbers<[1], [0], [0], [1], [0, 0, 1, 1], [], []>, transpose_lhs_hint = false} : vector<1024x32xf32>, vector<32x1xf32>, vector<1024x1xf32> -> vector<1024x1xf32>
    %get3A_423 = arith.constant 0 : index
    %get3A_424 = arith.constant 0 : index
    %get3A_425 = vector.load %arg14[%get3A_423, %get3A_424] : memref<1x1xf32, #tpu.memory_space<vmem>>, vector<1x1xf32>
    %add3A_426 = vector.broadcast %get3A_425 : vector<1x1xf32> to vector<1024x1xf32>
    %add3A_427 = arith.addf %dot_general3A_422, %add3A_426 : vector<1024x1xf32>
    %slice3A_428 = vector.extract_strided_slice %get3A_370 {offsets = [0, 64], sizes = [1024, 64], strides = [1, 1]} : vector<1024x128xf32> to vector<1024x64xf32>
    %slice3A_429 = vector.extract_strided_slice %transpose3A_20 {offsets = [0, 3], sizes = [1024, 1], strides = [1, 1]} : vector<1024x8xf32> to vector<1024x1xf32>
    %get3A_430 = arith.constant 0 : index
    %get3A_431 = arith.constant 0 : index
    %get3A_432 = vector.load %arg4[%get3A_430, %get3A_431] : memref<1x32xf32, #tpu.memory_space<vmem>>, vector<1x32xf32>
    %mul3A_433 = vector.broadcast %slice3A_429 : vector<1024x1xf32> to vector<1024x32xf32>
    %mul3A_434 = vector.broadcast %get3A_432 : vector<1x32xf32> to vector<1024x32xf32>
    %mul3A_435 = arith.mulf %mul3A_433, %mul3A_434 : vector<1024x32xf32>
    %get3A_436 = arith.constant 0 : index
    %get3A_437 = arith.constant 0 : index
    %get3A_438 = vector.load %arg5[%get3A_436, %get3A_437] : memref<1x32xf32, #tpu.memory_space<vmem>>, vector<1x32xf32>
    %add3A_439 = vector.broadcast %get3A_438 : vector<1x32xf32> to vector<1024x32xf32>
    %add3A_440 = arith.addf %mul3A_435, %add3A_439 : vector<1024x32xf32>
    %max3A_441 = arith.constant 0.000000e+00 : f32
    %max3A_442 = vector.broadcast %max3A_441 : f32 to vector<1024x32xf32>
    %max3A_443 = arith.maximumf %add3A_440, %max3A_442 : vector<1024x32xf32>
    %dot_general3A_444 = arith.constant dense<0.000000e+00> : vector<1024x64xf32>
    %dot_general3A_445 = tpu.matmul %max3A_443, %dot_general3A_5, %dot_general3A_444 {dimension_numbers = #tpu.dot_dimension_numbers<[1], [0], [0], [1], [0, 0, 1, 1], [], []>, transpose_lhs_hint = false} : vector<1024x32xf32>, vector<32x64xf32>, vector<1024x64xf32> -> vector<1024x64xf32>
    %add3A_446 = vector.broadcast %dot_general3A_13 : vector<1x64xf32> to vector<1024x64xf32>
    %add3A_447 = arith.addf %dot_general3A_445, %add3A_446 : vector<1024x64xf32>
    %get3A_448 = arith.constant 0 : index
    %get3A_449 = arith.constant 0 : index
    %get3A_450 = vector.load %arg8[%get3A_448, %get3A_449] : memref<64x64xf32, #tpu.memory_space<vmem>>, vector<64x64xf32>
    %dot_general3A_451 = arith.constant dense<0.000000e+00> : vector<1024x64xf32>
    %dot_general3A_452 = tpu.matmul %slice3A_428, %get3A_450, %dot_general3A_451 {dimension_numbers = #tpu.dot_dimension_numbers<[1], [0], [0], [1], [0, 0, 1, 1], [], []>, transpose_lhs_hint = false} : vector<1024x64xf32>, vector<64x64xf32>, vector<1024x64xf32> -> vector<1024x64xf32>
    %add3A_453 = arith.addf %dot_general3A_452, %add3A_447 : vector<1024x64xf32>
    %get3A_454 = arith.constant 0 : index
    %get3A_455 = arith.constant 0 : index
    %get3A_456 = vector.load %arg10[%get3A_454, %get3A_455] : memref<1x64xf32, #tpu.memory_space<vmem>>, vector<1x64xf32>
    %add3A_457 = vector.broadcast %get3A_456 : vector<1x64xf32> to vector<1024x64xf32>
    %add3A_458 = arith.addf %add3A_453, %add3A_457 : vector<1024x64xf32>
    %max3A_459 = arith.constant 0.000000e+00 : f32
    %max3A_460 = vector.broadcast %max3A_459 : f32 to vector<1024x64xf32>
    %max3A_461 = arith.maximumf %add3A_458, %max3A_460 : vector<1024x64xf32>
    %get3A_462 = arith.constant 0 : index
    %get3A_463 = arith.constant 0 : index
    %get3A_464 = vector.load %arg11[%get3A_462, %get3A_463] : memref<64x32xf32, #tpu.memory_space<vmem>>, vector<64x32xf32>
    %dot_general3A_465 = arith.constant dense<0.000000e+00> : vector<1024x32xf32>
    %dot_general3A_466 = tpu.matmul %max3A_461, %get3A_464, %dot_general3A_465 {dimension_numbers = #tpu.dot_dimension_numbers<[1], [0], [0], [1], [0, 0, 1, 1], [], []>, transpose_lhs_hint = false} : vector<1024x64xf32>, vector<64x32xf32>, vector<1024x32xf32> -> vector<1024x32xf32>
    %get3A_467 = arith.constant 0 : index
    %get3A_468 = arith.constant 0 : index
    %get3A_469 = vector.load %arg12[%get3A_467, %get3A_468] : memref<1x32xf32, #tpu.memory_space<vmem>>, vector<1x32xf32>
    %add3A_470 = vector.broadcast %get3A_469 : vector<1x32xf32> to vector<1024x32xf32>
    %add3A_471 = arith.addf %dot_general3A_466, %add3A_470 : vector<1024x32xf32>
    %max3A_472 = arith.constant 0.000000e+00 : f32
    %max3A_473 = vector.broadcast %max3A_472 : f32 to vector<1024x32xf32>
    %max3A_474 = arith.maximumf %add3A_471, %max3A_473 : vector<1024x32xf32>
    %get3A_475 = arith.constant 0 : index
    %get3A_476 = arith.constant 0 : index
    %get3A_477 = vector.load %arg13[%get3A_475, %get3A_476] : memref<32x1xf32, #tpu.memory_space<vmem>>, vector<32x1xf32>
    %dot_general3A_478 = arith.constant dense<0.000000e+00> : vector<1024x1xf32>
    %dot_general3A_479 = tpu.matmul %max3A_474, %get3A_477, %dot_general3A_478 {dimension_numbers = #tpu.dot_dimension_numbers<[1], [0], [0], [1], [0, 0, 1, 1], [], []>, transpose_lhs_hint = false} : vector<1024x32xf32>, vector<32x1xf32>, vector<1024x1xf32> -> vector<1024x1xf32>
    %get3A_480 = arith.constant 0 : index
    %get3A_481 = arith.constant 0 : index
    %get3A_482 = vector.load %arg14[%get3A_480, %get3A_481] : memref<1x1xf32, #tpu.memory_space<vmem>>, vector<1x1xf32>
    %add3A_483 = vector.broadcast %get3A_482 : vector<1x1xf32> to vector<1024x1xf32>
    %add3A_484 = arith.addf %dot_general3A_479, %add3A_483 : vector<1024x1xf32>
    %get3A_485 = arith.constant 4096 : index
    %get3A_486 = arith.constant 0 : index
    %get3A_487 = vector.load %arg1[%get3A_485, %get3A_486] : memref<8192x128xf32, #tpu.memory_space<vmem>>, vector<1024x128xf32>
    %slice3A_488 = vector.extract_strided_slice %get3A_487 {offsets = [0, 0], sizes = [1024, 64], strides = [1, 1]} : vector<1024x128xf32> to vector<1024x64xf32>
    %slice3A_489 = vector.extract_strided_slice %transpose3A {offsets = [0, 4], sizes = [1024, 1], strides = [1, 1]} : vector<1024x8xf32> to vector<1024x1xf32>
    %get3A_490 = arith.constant 0 : index
    %get3A_491 = arith.constant 0 : index
    %get3A_492 = vector.load %arg4[%get3A_490, %get3A_491] : memref<1x32xf32, #tpu.memory_space<vmem>>, vector<1x32xf32>
    %mul3A_493 = vector.broadcast %slice3A_489 : vector<1024x1xf32> to vector<1024x32xf32>
    %mul3A_494 = vector.broadcast %get3A_492 : vector<1x32xf32> to vector<1024x32xf32>
    %mul3A_495 = arith.mulf %mul3A_493, %mul3A_494 : vector<1024x32xf32>
    %get3A_496 = arith.constant 0 : index
    %get3A_497 = arith.constant 0 : index
    %get3A_498 = vector.load %arg5[%get3A_496, %get3A_497] : memref<1x32xf32, #tpu.memory_space<vmem>>, vector<1x32xf32>
    %add3A_499 = vector.broadcast %get3A_498 : vector<1x32xf32> to vector<1024x32xf32>
    %add3A_500 = arith.addf %mul3A_495, %add3A_499 : vector<1024x32xf32>
    %max3A_501 = arith.constant 0.000000e+00 : f32
    %max3A_502 = vector.broadcast %max3A_501 : f32 to vector<1024x32xf32>
    %max3A_503 = arith.maximumf %add3A_500, %max3A_502 : vector<1024x32xf32>
    %dot_general3A_504 = arith.constant dense<0.000000e+00> : vector<1024x64xf32>
    %dot_general3A_505 = tpu.matmul %max3A_503, %dot_general3A_5, %dot_general3A_504 {dimension_numbers = #tpu.dot_dimension_numbers<[1], [0], [0], [1], [0, 0, 1, 1], [], []>, transpose_lhs_hint = false} : vector<1024x32xf32>, vector<32x64xf32>, vector<1024x64xf32> -> vector<1024x64xf32>
    %add3A_506 = vector.broadcast %dot_general3A_13 : vector<1x64xf32> to vector<1024x64xf32>
    %add3A_507 = arith.addf %dot_general3A_505, %add3A_506 : vector<1024x64xf32>
    %get3A_508 = arith.constant 0 : index
    %get3A_509 = arith.constant 0 : index
    %get3A_510 = vector.load %arg8[%get3A_508, %get3A_509] : memref<64x64xf32, #tpu.memory_space<vmem>>, vector<64x64xf32>
    %dot_general3A_511 = arith.constant dense<0.000000e+00> : vector<1024x64xf32>
    %dot_general3A_512 = tpu.matmul %slice3A_488, %get3A_510, %dot_general3A_511 {dimension_numbers = #tpu.dot_dimension_numbers<[1], [0], [0], [1], [0, 0, 1, 1], [], []>, transpose_lhs_hint = false} : vector<1024x64xf32>, vector<64x64xf32>, vector<1024x64xf32> -> vector<1024x64xf32>
    %add3A_513 = arith.addf %dot_general3A_512, %add3A_507 : vector<1024x64xf32>
    %get3A_514 = arith.constant 0 : index
    %get3A_515 = arith.constant 0 : index
    %get3A_516 = vector.load %arg10[%get3A_514, %get3A_515] : memref<1x64xf32, #tpu.memory_space<vmem>>, vector<1x64xf32>
    %add3A_517 = vector.broadcast %get3A_516 : vector<1x64xf32> to vector<1024x64xf32>
    %add3A_518 = arith.addf %add3A_513, %add3A_517 : vector<1024x64xf32>
    %max3A_519 = arith.constant 0.000000e+00 : f32
    %max3A_520 = vector.broadcast %max3A_519 : f32 to vector<1024x64xf32>
    %max3A_521 = arith.maximumf %add3A_518, %max3A_520 : vector<1024x64xf32>
    %get3A_522 = arith.constant 0 : index
    %get3A_523 = arith.constant 0 : index
    %get3A_524 = vector.load %arg11[%get3A_522, %get3A_523] : memref<64x32xf32, #tpu.memory_space<vmem>>, vector<64x32xf32>
    %dot_general3A_525 = arith.constant dense<0.000000e+00> : vector<1024x32xf32>
    %dot_general3A_526 = tpu.matmul %max3A_521, %get3A_524, %dot_general3A_525 {dimension_numbers = #tpu.dot_dimension_numbers<[1], [0], [0], [1], [0, 0, 1, 1], [], []>, transpose_lhs_hint = false} : vector<1024x64xf32>, vector<64x32xf32>, vector<1024x32xf32> -> vector<1024x32xf32>
    %get3A_527 = arith.constant 0 : index
    %get3A_528 = arith.constant 0 : index
    %get3A_529 = vector.load %arg12[%get3A_527, %get3A_528] : memref<1x32xf32, #tpu.memory_space<vmem>>, vector<1x32xf32>
    %add3A_530 = vector.broadcast %get3A_529 : vector<1x32xf32> to vector<1024x32xf32>
    %add3A_531 = arith.addf %dot_general3A_526, %add3A_530 : vector<1024x32xf32>
    %max3A_532 = arith.constant 0.000000e+00 : f32
    %max3A_533 = vector.broadcast %max3A_532 : f32 to vector<1024x32xf32>
    %max3A_534 = arith.maximumf %add3A_531, %max3A_533 : vector<1024x32xf32>
    %get3A_535 = arith.constant 0 : index
    %get3A_536 = arith.constant 0 : index
    %get3A_537 = vector.load %arg13[%get3A_535, %get3A_536] : memref<32x1xf32, #tpu.memory_space<vmem>>, vector<32x1xf32>
    %dot_general3A_538 = arith.constant dense<0.000000e+00> : vector<1024x1xf32>
    %dot_general3A_539 = tpu.matmul %max3A_534, %get3A_537, %dot_general3A_538 {dimension_numbers = #tpu.dot_dimension_numbers<[1], [0], [0], [1], [0, 0, 1, 1], [], []>, transpose_lhs_hint = false} : vector<1024x32xf32>, vector<32x1xf32>, vector<1024x1xf32> -> vector<1024x1xf32>
    %get3A_540 = arith.constant 0 : index
    %get3A_541 = arith.constant 0 : index
    %get3A_542 = vector.load %arg14[%get3A_540, %get3A_541] : memref<1x1xf32, #tpu.memory_space<vmem>>, vector<1x1xf32>
    %add3A_543 = vector.broadcast %get3A_542 : vector<1x1xf32> to vector<1024x1xf32>
    %add3A_544 = arith.addf %dot_general3A_539, %add3A_543 : vector<1024x1xf32>
    %slice3A_545 = vector.extract_strided_slice %get3A_487 {offsets = [0, 64], sizes = [1024, 64], strides = [1, 1]} : vector<1024x128xf32> to vector<1024x64xf32>
    %slice3A_546 = vector.extract_strided_slice %transpose3A_20 {offsets = [0, 4], sizes = [1024, 1], strides = [1, 1]} : vector<1024x8xf32> to vector<1024x1xf32>
    %get3A_547 = arith.constant 0 : index
    %get3A_548 = arith.constant 0 : index
    %get3A_549 = vector.load %arg4[%get3A_547, %get3A_548] : memref<1x32xf32, #tpu.memory_space<vmem>>, vector<1x32xf32>
    %mul3A_550 = vector.broadcast %slice3A_546 : vector<1024x1xf32> to vector<1024x32xf32>
    %mul3A_551 = vector.broadcast %get3A_549 : vector<1x32xf32> to vector<1024x32xf32>
    %mul3A_552 = arith.mulf %mul3A_550, %mul3A_551 : vector<1024x32xf32>
    %get3A_553 = arith.constant 0 : index
    %get3A_554 = arith.constant 0 : index
    %get3A_555 = vector.load %arg5[%get3A_553, %get3A_554] : memref<1x32xf32, #tpu.memory_space<vmem>>, vector<1x32xf32>
    %add3A_556 = vector.broadcast %get3A_555 : vector<1x32xf32> to vector<1024x32xf32>
    %add3A_557 = arith.addf %mul3A_552, %add3A_556 : vector<1024x32xf32>
    %max3A_558 = arith.constant 0.000000e+00 : f32
    %max3A_559 = vector.broadcast %max3A_558 : f32 to vector<1024x32xf32>
    %max3A_560 = arith.maximumf %add3A_557, %max3A_559 : vector<1024x32xf32>
    %dot_general3A_561 = arith.constant dense<0.000000e+00> : vector<1024x64xf32>
    %dot_general3A_562 = tpu.matmul %max3A_560, %dot_general3A_5, %dot_general3A_561 {dimension_numbers = #tpu.dot_dimension_numbers<[1], [0], [0], [1], [0, 0, 1, 1], [], []>, transpose_lhs_hint = false} : vector<1024x32xf32>, vector<32x64xf32>, vector<1024x64xf32> -> vector<1024x64xf32>
    %add3A_563 = vector.broadcast %dot_general3A_13 : vector<1x64xf32> to vector<1024x64xf32>
    %add3A_564 = arith.addf %dot_general3A_562, %add3A_563 : vector<1024x64xf32>
    %get3A_565 = arith.constant 0 : index
    %get3A_566 = arith.constant 0 : index
    %get3A_567 = vector.load %arg8[%get3A_565, %get3A_566] : memref<64x64xf32, #tpu.memory_space<vmem>>, vector<64x64xf32>
    %dot_general3A_568 = arith.constant dense<0.000000e+00> : vector<1024x64xf32>
    %dot_general3A_569 = tpu.matmul %slice3A_545, %get3A_567, %dot_general3A_568 {dimension_numbers = #tpu.dot_dimension_numbers<[1], [0], [0], [1], [0, 0, 1, 1], [], []>, transpose_lhs_hint = false} : vector<1024x64xf32>, vector<64x64xf32>, vector<1024x64xf32> -> vector<1024x64xf32>
    %add3A_570 = arith.addf %dot_general3A_569, %add3A_564 : vector<1024x64xf32>
    %get3A_571 = arith.constant 0 : index
    %get3A_572 = arith.constant 0 : index
    %get3A_573 = vector.load %arg10[%get3A_571, %get3A_572] : memref<1x64xf32, #tpu.memory_space<vmem>>, vector<1x64xf32>
    %add3A_574 = vector.broadcast %get3A_573 : vector<1x64xf32> to vector<1024x64xf32>
    %add3A_575 = arith.addf %add3A_570, %add3A_574 : vector<1024x64xf32>
    %max3A_576 = arith.constant 0.000000e+00 : f32
    %max3A_577 = vector.broadcast %max3A_576 : f32 to vector<1024x64xf32>
    %max3A_578 = arith.maximumf %add3A_575, %max3A_577 : vector<1024x64xf32>
    %get3A_579 = arith.constant 0 : index
    %get3A_580 = arith.constant 0 : index
    %get3A_581 = vector.load %arg11[%get3A_579, %get3A_580] : memref<64x32xf32, #tpu.memory_space<vmem>>, vector<64x32xf32>
    %dot_general3A_582 = arith.constant dense<0.000000e+00> : vector<1024x32xf32>
    %dot_general3A_583 = tpu.matmul %max3A_578, %get3A_581, %dot_general3A_582 {dimension_numbers = #tpu.dot_dimension_numbers<[1], [0], [0], [1], [0, 0, 1, 1], [], []>, transpose_lhs_hint = false} : vector<1024x64xf32>, vector<64x32xf32>, vector<1024x32xf32> -> vector<1024x32xf32>
    %get3A_584 = arith.constant 0 : index
    %get3A_585 = arith.constant 0 : index
    %get3A_586 = vector.load %arg12[%get3A_584, %get3A_585] : memref<1x32xf32, #tpu.memory_space<vmem>>, vector<1x32xf32>
    %add3A_587 = vector.broadcast %get3A_586 : vector<1x32xf32> to vector<1024x32xf32>
    %add3A_588 = arith.addf %dot_general3A_583, %add3A_587 : vector<1024x32xf32>
    %max3A_589 = arith.constant 0.000000e+00 : f32
    %max3A_590 = vector.broadcast %max3A_589 : f32 to vector<1024x32xf32>
    %max3A_591 = arith.maximumf %add3A_588, %max3A_590 : vector<1024x32xf32>
    %get3A_592 = arith.constant 0 : index
    %get3A_593 = arith.constant 0 : index
    %get3A_594 = vector.load %arg13[%get3A_592, %get3A_593] : memref<32x1xf32, #tpu.memory_space<vmem>>, vector<32x1xf32>
    %dot_general3A_595 = arith.constant dense<0.000000e+00> : vector<1024x1xf32>
    %dot_general3A_596 = tpu.matmul %max3A_591, %get3A_594, %dot_general3A_595 {dimension_numbers = #tpu.dot_dimension_numbers<[1], [0], [0], [1], [0, 0, 1, 1], [], []>, transpose_lhs_hint = false} : vector<1024x32xf32>, vector<32x1xf32>, vector<1024x1xf32> -> vector<1024x1xf32>
    %get3A_597 = arith.constant 0 : index
    %get3A_598 = arith.constant 0 : index
    %get3A_599 = vector.load %arg14[%get3A_597, %get3A_598] : memref<1x1xf32, #tpu.memory_space<vmem>>, vector<1x1xf32>
    %add3A_600 = vector.broadcast %get3A_599 : vector<1x1xf32> to vector<1024x1xf32>
    %add3A_601 = arith.addf %dot_general3A_596, %add3A_600 : vector<1024x1xf32>
    %get3A_602 = arith.constant 5120 : index
    %get3A_603 = arith.constant 0 : index
    %get3A_604 = vector.load %arg1[%get3A_602, %get3A_603] : memref<8192x128xf32, #tpu.memory_space<vmem>>, vector<1024x128xf32>
    %slice3A_605 = vector.extract_strided_slice %get3A_604 {offsets = [0, 0], sizes = [1024, 64], strides = [1, 1]} : vector<1024x128xf32> to vector<1024x64xf32>
    %slice3A_606 = vector.extract_strided_slice %transpose3A {offsets = [0, 5], sizes = [1024, 1], strides = [1, 1]} : vector<1024x8xf32> to vector<1024x1xf32>
    %get3A_607 = arith.constant 0 : index
    %get3A_608 = arith.constant 0 : index
    %get3A_609 = vector.load %arg4[%get3A_607, %get3A_608] : memref<1x32xf32, #tpu.memory_space<vmem>>, vector<1x32xf32>
    %mul3A_610 = vector.broadcast %slice3A_606 : vector<1024x1xf32> to vector<1024x32xf32>
    %mul3A_611 = vector.broadcast %get3A_609 : vector<1x32xf32> to vector<1024x32xf32>
    %mul3A_612 = arith.mulf %mul3A_610, %mul3A_611 : vector<1024x32xf32>
    %get3A_613 = arith.constant 0 : index
    %get3A_614 = arith.constant 0 : index
    %get3A_615 = vector.load %arg5[%get3A_613, %get3A_614] : memref<1x32xf32, #tpu.memory_space<vmem>>, vector<1x32xf32>
    %add3A_616 = vector.broadcast %get3A_615 : vector<1x32xf32> to vector<1024x32xf32>
    %add3A_617 = arith.addf %mul3A_612, %add3A_616 : vector<1024x32xf32>
    %max3A_618 = arith.constant 0.000000e+00 : f32
    %max3A_619 = vector.broadcast %max3A_618 : f32 to vector<1024x32xf32>
    %max3A_620 = arith.maximumf %add3A_617, %max3A_619 : vector<1024x32xf32>
    %dot_general3A_621 = arith.constant dense<0.000000e+00> : vector<1024x64xf32>
    %dot_general3A_622 = tpu.matmul %max3A_620, %dot_general3A_5, %dot_general3A_621 {dimension_numbers = #tpu.dot_dimension_numbers<[1], [0], [0], [1], [0, 0, 1, 1], [], []>, transpose_lhs_hint = false} : vector<1024x32xf32>, vector<32x64xf32>, vector<1024x64xf32> -> vector<1024x64xf32>
    %add3A_623 = vector.broadcast %dot_general3A_13 : vector<1x64xf32> to vector<1024x64xf32>
    %add3A_624 = arith.addf %dot_general3A_622, %add3A_623 : vector<1024x64xf32>
    %get3A_625 = arith.constant 0 : index
    %get3A_626 = arith.constant 0 : index
    %get3A_627 = vector.load %arg8[%get3A_625, %get3A_626] : memref<64x64xf32, #tpu.memory_space<vmem>>, vector<64x64xf32>
    %dot_general3A_628 = arith.constant dense<0.000000e+00> : vector<1024x64xf32>
    %dot_general3A_629 = tpu.matmul %slice3A_605, %get3A_627, %dot_general3A_628 {dimension_numbers = #tpu.dot_dimension_numbers<[1], [0], [0], [1], [0, 0, 1, 1], [], []>, transpose_lhs_hint = false} : vector<1024x64xf32>, vector<64x64xf32>, vector<1024x64xf32> -> vector<1024x64xf32>
    %add3A_630 = arith.addf %dot_general3A_629, %add3A_624 : vector<1024x64xf32>
    %get3A_631 = arith.constant 0 : index
    %get3A_632 = arith.constant 0 : index
    %get3A_633 = vector.load %arg10[%get3A_631, %get3A_632] : memref<1x64xf32, #tpu.memory_space<vmem>>, vector<1x64xf32>
    %add3A_634 = vector.broadcast %get3A_633 : vector<1x64xf32> to vector<1024x64xf32>
    %add3A_635 = arith.addf %add3A_630, %add3A_634 : vector<1024x64xf32>
    %max3A_636 = arith.constant 0.000000e+00 : f32
    %max3A_637 = vector.broadcast %max3A_636 : f32 to vector<1024x64xf32>
    %max3A_638 = arith.maximumf %add3A_635, %max3A_637 : vector<1024x64xf32>
    %get3A_639 = arith.constant 0 : index
    %get3A_640 = arith.constant 0 : index
    %get3A_641 = vector.load %arg11[%get3A_639, %get3A_640] : memref<64x32xf32, #tpu.memory_space<vmem>>, vector<64x32xf32>
    %dot_general3A_642 = arith.constant dense<0.000000e+00> : vector<1024x32xf32>
    %dot_general3A_643 = tpu.matmul %max3A_638, %get3A_641, %dot_general3A_642 {dimension_numbers = #tpu.dot_dimension_numbers<[1], [0], [0], [1], [0, 0, 1, 1], [], []>, transpose_lhs_hint = false} : vector<1024x64xf32>, vector<64x32xf32>, vector<1024x32xf32> -> vector<1024x32xf32>
    %get3A_644 = arith.constant 0 : index
    %get3A_645 = arith.constant 0 : index
    %get3A_646 = vector.load %arg12[%get3A_644, %get3A_645] : memref<1x32xf32, #tpu.memory_space<vmem>>, vector<1x32xf32>
    %add3A_647 = vector.broadcast %get3A_646 : vector<1x32xf32> to vector<1024x32xf32>
    %add3A_648 = arith.addf %dot_general3A_643, %add3A_647 : vector<1024x32xf32>
    %max3A_649 = arith.constant 0.000000e+00 : f32
    %max3A_650 = vector.broadcast %max3A_649 : f32 to vector<1024x32xf32>
    %max3A_651 = arith.maximumf %add3A_648, %max3A_650 : vector<1024x32xf32>
    %get3A_652 = arith.constant 0 : index
    %get3A_653 = arith.constant 0 : index
    %get3A_654 = vector.load %arg13[%get3A_652, %get3A_653] : memref<32x1xf32, #tpu.memory_space<vmem>>, vector<32x1xf32>
    %dot_general3A_655 = arith.constant dense<0.000000e+00> : vector<1024x1xf32>
    %dot_general3A_656 = tpu.matmul %max3A_651, %get3A_654, %dot_general3A_655 {dimension_numbers = #tpu.dot_dimension_numbers<[1], [0], [0], [1], [0, 0, 1, 1], [], []>, transpose_lhs_hint = false} : vector<1024x32xf32>, vector<32x1xf32>, vector<1024x1xf32> -> vector<1024x1xf32>
    %get3A_657 = arith.constant 0 : index
    %get3A_658 = arith.constant 0 : index
    %get3A_659 = vector.load %arg14[%get3A_657, %get3A_658] : memref<1x1xf32, #tpu.memory_space<vmem>>, vector<1x1xf32>
    %add3A_660 = vector.broadcast %get3A_659 : vector<1x1xf32> to vector<1024x1xf32>
    %add3A_661 = arith.addf %dot_general3A_656, %add3A_660 : vector<1024x1xf32>
    %slice3A_662 = vector.extract_strided_slice %get3A_604 {offsets = [0, 64], sizes = [1024, 64], strides = [1, 1]} : vector<1024x128xf32> to vector<1024x64xf32>
    %slice3A_663 = vector.extract_strided_slice %transpose3A_20 {offsets = [0, 5], sizes = [1024, 1], strides = [1, 1]} : vector<1024x8xf32> to vector<1024x1xf32>
    %get3A_664 = arith.constant 0 : index
    %get3A_665 = arith.constant 0 : index
    %get3A_666 = vector.load %arg4[%get3A_664, %get3A_665] : memref<1x32xf32, #tpu.memory_space<vmem>>, vector<1x32xf32>
    %mul3A_667 = vector.broadcast %slice3A_663 : vector<1024x1xf32> to vector<1024x32xf32>
    %mul3A_668 = vector.broadcast %get3A_666 : vector<1x32xf32> to vector<1024x32xf32>
    %mul3A_669 = arith.mulf %mul3A_667, %mul3A_668 : vector<1024x32xf32>
    %get3A_670 = arith.constant 0 : index
    %get3A_671 = arith.constant 0 : index
    %get3A_672 = vector.load %arg5[%get3A_670, %get3A_671] : memref<1x32xf32, #tpu.memory_space<vmem>>, vector<1x32xf32>
    %add3A_673 = vector.broadcast %get3A_672 : vector<1x32xf32> to vector<1024x32xf32>
    %add3A_674 = arith.addf %mul3A_669, %add3A_673 : vector<1024x32xf32>
    %max3A_675 = arith.constant 0.000000e+00 : f32
    %max3A_676 = vector.broadcast %max3A_675 : f32 to vector<1024x32xf32>
    %max3A_677 = arith.maximumf %add3A_674, %max3A_676 : vector<1024x32xf32>
    %dot_general3A_678 = arith.constant dense<0.000000e+00> : vector<1024x64xf32>
    %dot_general3A_679 = tpu.matmul %max3A_677, %dot_general3A_5, %dot_general3A_678 {dimension_numbers = #tpu.dot_dimension_numbers<[1], [0], [0], [1], [0, 0, 1, 1], [], []>, transpose_lhs_hint = false} : vector<1024x32xf32>, vector<32x64xf32>, vector<1024x64xf32> -> vector<1024x64xf32>
    %add3A_680 = vector.broadcast %dot_general3A_13 : vector<1x64xf32> to vector<1024x64xf32>
    %add3A_681 = arith.addf %dot_general3A_679, %add3A_680 : vector<1024x64xf32>
    %get3A_682 = arith.constant 0 : index
    %get3A_683 = arith.constant 0 : index
    %get3A_684 = vector.load %arg8[%get3A_682, %get3A_683] : memref<64x64xf32, #tpu.memory_space<vmem>>, vector<64x64xf32>
    %dot_general3A_685 = arith.constant dense<0.000000e+00> : vector<1024x64xf32>
    %dot_general3A_686 = tpu.matmul %slice3A_662, %get3A_684, %dot_general3A_685 {dimension_numbers = #tpu.dot_dimension_numbers<[1], [0], [0], [1], [0, 0, 1, 1], [], []>, transpose_lhs_hint = false} : vector<1024x64xf32>, vector<64x64xf32>, vector<1024x64xf32> -> vector<1024x64xf32>
    %add3A_687 = arith.addf %dot_general3A_686, %add3A_681 : vector<1024x64xf32>
    %get3A_688 = arith.constant 0 : index
    %get3A_689 = arith.constant 0 : index
    %get3A_690 = vector.load %arg10[%get3A_688, %get3A_689] : memref<1x64xf32, #tpu.memory_space<vmem>>, vector<1x64xf32>
    %add3A_691 = vector.broadcast %get3A_690 : vector<1x64xf32> to vector<1024x64xf32>
    %add3A_692 = arith.addf %add3A_687, %add3A_691 : vector<1024x64xf32>
    %max3A_693 = arith.constant 0.000000e+00 : f32
    %max3A_694 = vector.broadcast %max3A_693 : f32 to vector<1024x64xf32>
    %max3A_695 = arith.maximumf %add3A_692, %max3A_694 : vector<1024x64xf32>
    %get3A_696 = arith.constant 0 : index
    %get3A_697 = arith.constant 0 : index
    %get3A_698 = vector.load %arg11[%get3A_696, %get3A_697] : memref<64x32xf32, #tpu.memory_space<vmem>>, vector<64x32xf32>
    %dot_general3A_699 = arith.constant dense<0.000000e+00> : vector<1024x32xf32>
    %dot_general3A_700 = tpu.matmul %max3A_695, %get3A_698, %dot_general3A_699 {dimension_numbers = #tpu.dot_dimension_numbers<[1], [0], [0], [1], [0, 0, 1, 1], [], []>, transpose_lhs_hint = false} : vector<1024x64xf32>, vector<64x32xf32>, vector<1024x32xf32> -> vector<1024x32xf32>
    %get3A_701 = arith.constant 0 : index
    %get3A_702 = arith.constant 0 : index
    %get3A_703 = vector.load %arg12[%get3A_701, %get3A_702] : memref<1x32xf32, #tpu.memory_space<vmem>>, vector<1x32xf32>
    %add3A_704 = vector.broadcast %get3A_703 : vector<1x32xf32> to vector<1024x32xf32>
    %add3A_705 = arith.addf %dot_general3A_700, %add3A_704 : vector<1024x32xf32>
    %max3A_706 = arith.constant 0.000000e+00 : f32
    %max3A_707 = vector.broadcast %max3A_706 : f32 to vector<1024x32xf32>
    %max3A_708 = arith.maximumf %add3A_705, %max3A_707 : vector<1024x32xf32>
    %get3A_709 = arith.constant 0 : index
    %get3A_710 = arith.constant 0 : index
    %get3A_711 = vector.load %arg13[%get3A_709, %get3A_710] : memref<32x1xf32, #tpu.memory_space<vmem>>, vector<32x1xf32>
    %dot_general3A_712 = arith.constant dense<0.000000e+00> : vector<1024x1xf32>
    %dot_general3A_713 = tpu.matmul %max3A_708, %get3A_711, %dot_general3A_712 {dimension_numbers = #tpu.dot_dimension_numbers<[1], [0], [0], [1], [0, 0, 1, 1], [], []>, transpose_lhs_hint = false} : vector<1024x32xf32>, vector<32x1xf32>, vector<1024x1xf32> -> vector<1024x1xf32>
    %get3A_714 = arith.constant 0 : index
    %get3A_715 = arith.constant 0 : index
    %get3A_716 = vector.load %arg14[%get3A_714, %get3A_715] : memref<1x1xf32, #tpu.memory_space<vmem>>, vector<1x1xf32>
    %add3A_717 = vector.broadcast %get3A_716 : vector<1x1xf32> to vector<1024x1xf32>
    %add3A_718 = arith.addf %dot_general3A_713, %add3A_717 : vector<1024x1xf32>
    %get3A_719 = arith.constant 6144 : index
    %get3A_720 = arith.constant 0 : index
    %get3A_721 = vector.load %arg1[%get3A_719, %get3A_720] : memref<8192x128xf32, #tpu.memory_space<vmem>>, vector<1024x128xf32>
    %slice3A_722 = vector.extract_strided_slice %get3A_721 {offsets = [0, 0], sizes = [1024, 64], strides = [1, 1]} : vector<1024x128xf32> to vector<1024x64xf32>
    %slice3A_723 = vector.extract_strided_slice %transpose3A {offsets = [0, 6], sizes = [1024, 1], strides = [1, 1]} : vector<1024x8xf32> to vector<1024x1xf32>
    %get3A_724 = arith.constant 0 : index
    %get3A_725 = arith.constant 0 : index
    %get3A_726 = vector.load %arg4[%get3A_724, %get3A_725] : memref<1x32xf32, #tpu.memory_space<vmem>>, vector<1x32xf32>
    %mul3A_727 = vector.broadcast %slice3A_723 : vector<1024x1xf32> to vector<1024x32xf32>
    %mul3A_728 = vector.broadcast %get3A_726 : vector<1x32xf32> to vector<1024x32xf32>
    %mul3A_729 = arith.mulf %mul3A_727, %mul3A_728 : vector<1024x32xf32>
    %get3A_730 = arith.constant 0 : index
    %get3A_731 = arith.constant 0 : index
    %get3A_732 = vector.load %arg5[%get3A_730, %get3A_731] : memref<1x32xf32, #tpu.memory_space<vmem>>, vector<1x32xf32>
    %add3A_733 = vector.broadcast %get3A_732 : vector<1x32xf32> to vector<1024x32xf32>
    %add3A_734 = arith.addf %mul3A_729, %add3A_733 : vector<1024x32xf32>
    %max3A_735 = arith.constant 0.000000e+00 : f32
    %max3A_736 = vector.broadcast %max3A_735 : f32 to vector<1024x32xf32>
    %max3A_737 = arith.maximumf %add3A_734, %max3A_736 : vector<1024x32xf32>
    %dot_general3A_738 = arith.constant dense<0.000000e+00> : vector<1024x64xf32>
    %dot_general3A_739 = tpu.matmul %max3A_737, %dot_general3A_5, %dot_general3A_738 {dimension_numbers = #tpu.dot_dimension_numbers<[1], [0], [0], [1], [0, 0, 1, 1], [], []>, transpose_lhs_hint = false} : vector<1024x32xf32>, vector<32x64xf32>, vector<1024x64xf32> -> vector<1024x64xf32>
    %add3A_740 = vector.broadcast %dot_general3A_13 : vector<1x64xf32> to vector<1024x64xf32>
    %add3A_741 = arith.addf %dot_general3A_739, %add3A_740 : vector<1024x64xf32>
    %get3A_742 = arith.constant 0 : index
    %get3A_743 = arith.constant 0 : index
    %get3A_744 = vector.load %arg8[%get3A_742, %get3A_743] : memref<64x64xf32, #tpu.memory_space<vmem>>, vector<64x64xf32>
    %dot_general3A_745 = arith.constant dense<0.000000e+00> : vector<1024x64xf32>
    %dot_general3A_746 = tpu.matmul %slice3A_722, %get3A_744, %dot_general3A_745 {dimension_numbers = #tpu.dot_dimension_numbers<[1], [0], [0], [1], [0, 0, 1, 1], [], []>, transpose_lhs_hint = false} : vector<1024x64xf32>, vector<64x64xf32>, vector<1024x64xf32> -> vector<1024x64xf32>
    %add3A_747 = arith.addf %dot_general3A_746, %add3A_741 : vector<1024x64xf32>
    %get3A_748 = arith.constant 0 : index
    %get3A_749 = arith.constant 0 : index
    %get3A_750 = vector.load %arg10[%get3A_748, %get3A_749] : memref<1x64xf32, #tpu.memory_space<vmem>>, vector<1x64xf32>
    %add3A_751 = vector.broadcast %get3A_750 : vector<1x64xf32> to vector<1024x64xf32>
    %add3A_752 = arith.addf %add3A_747, %add3A_751 : vector<1024x64xf32>
    %max3A_753 = arith.constant 0.000000e+00 : f32
    %max3A_754 = vector.broadcast %max3A_753 : f32 to vector<1024x64xf32>
    %max3A_755 = arith.maximumf %add3A_752, %max3A_754 : vector<1024x64xf32>
    %get3A_756 = arith.constant 0 : index
    %get3A_757 = arith.constant 0 : index
    %get3A_758 = vector.load %arg11[%get3A_756, %get3A_757] : memref<64x32xf32, #tpu.memory_space<vmem>>, vector<64x32xf32>
    %dot_general3A_759 = arith.constant dense<0.000000e+00> : vector<1024x32xf32>
    %dot_general3A_760 = tpu.matmul %max3A_755, %get3A_758, %dot_general3A_759 {dimension_numbers = #tpu.dot_dimension_numbers<[1], [0], [0], [1], [0, 0, 1, 1], [], []>, transpose_lhs_hint = false} : vector<1024x64xf32>, vector<64x32xf32>, vector<1024x32xf32> -> vector<1024x32xf32>
    %get3A_761 = arith.constant 0 : index
    %get3A_762 = arith.constant 0 : index
    %get3A_763 = vector.load %arg12[%get3A_761, %get3A_762] : memref<1x32xf32, #tpu.memory_space<vmem>>, vector<1x32xf32>
    %add3A_764 = vector.broadcast %get3A_763 : vector<1x32xf32> to vector<1024x32xf32>
    %add3A_765 = arith.addf %dot_general3A_760, %add3A_764 : vector<1024x32xf32>
    %max3A_766 = arith.constant 0.000000e+00 : f32
    %max3A_767 = vector.broadcast %max3A_766 : f32 to vector<1024x32xf32>
    %max3A_768 = arith.maximumf %add3A_765, %max3A_767 : vector<1024x32xf32>
    %get3A_769 = arith.constant 0 : index
    %get3A_770 = arith.constant 0 : index
    %get3A_771 = vector.load %arg13[%get3A_769, %get3A_770] : memref<32x1xf32, #tpu.memory_space<vmem>>, vector<32x1xf32>
    %dot_general3A_772 = arith.constant dense<0.000000e+00> : vector<1024x1xf32>
    %dot_general3A_773 = tpu.matmul %max3A_768, %get3A_771, %dot_general3A_772 {dimension_numbers = #tpu.dot_dimension_numbers<[1], [0], [0], [1], [0, 0, 1, 1], [], []>, transpose_lhs_hint = false} : vector<1024x32xf32>, vector<32x1xf32>, vector<1024x1xf32> -> vector<1024x1xf32>
    %get3A_774 = arith.constant 0 : index
    %get3A_775 = arith.constant 0 : index
    %get3A_776 = vector.load %arg14[%get3A_774, %get3A_775] : memref<1x1xf32, #tpu.memory_space<vmem>>, vector<1x1xf32>
    %add3A_777 = vector.broadcast %get3A_776 : vector<1x1xf32> to vector<1024x1xf32>
    %add3A_778 = arith.addf %dot_general3A_773, %add3A_777 : vector<1024x1xf32>
    %slice3A_779 = vector.extract_strided_slice %get3A_721 {offsets = [0, 64], sizes = [1024, 64], strides = [1, 1]} : vector<1024x128xf32> to vector<1024x64xf32>
    %slice3A_780 = vector.extract_strided_slice %transpose3A_20 {offsets = [0, 6], sizes = [1024, 1], strides = [1, 1]} : vector<1024x8xf32> to vector<1024x1xf32>
    %get3A_781 = arith.constant 0 : index
    %get3A_782 = arith.constant 0 : index
    %get3A_783 = vector.load %arg4[%get3A_781, %get3A_782] : memref<1x32xf32, #tpu.memory_space<vmem>>, vector<1x32xf32>
    %mul3A_784 = vector.broadcast %slice3A_780 : vector<1024x1xf32> to vector<1024x32xf32>
    %mul3A_785 = vector.broadcast %get3A_783 : vector<1x32xf32> to vector<1024x32xf32>
    %mul3A_786 = arith.mulf %mul3A_784, %mul3A_785 : vector<1024x32xf32>
    %get3A_787 = arith.constant 0 : index
    %get3A_788 = arith.constant 0 : index
    %get3A_789 = vector.load %arg5[%get3A_787, %get3A_788] : memref<1x32xf32, #tpu.memory_space<vmem>>, vector<1x32xf32>
    %add3A_790 = vector.broadcast %get3A_789 : vector<1x32xf32> to vector<1024x32xf32>
    %add3A_791 = arith.addf %mul3A_786, %add3A_790 : vector<1024x32xf32>
    %max3A_792 = arith.constant 0.000000e+00 : f32
    %max3A_793 = vector.broadcast %max3A_792 : f32 to vector<1024x32xf32>
    %max3A_794 = arith.maximumf %add3A_791, %max3A_793 : vector<1024x32xf32>
    %dot_general3A_795 = arith.constant dense<0.000000e+00> : vector<1024x64xf32>
    %dot_general3A_796 = tpu.matmul %max3A_794, %dot_general3A_5, %dot_general3A_795 {dimension_numbers = #tpu.dot_dimension_numbers<[1], [0], [0], [1], [0, 0, 1, 1], [], []>, transpose_lhs_hint = false} : vector<1024x32xf32>, vector<32x64xf32>, vector<1024x64xf32> -> vector<1024x64xf32>
    %add3A_797 = vector.broadcast %dot_general3A_13 : vector<1x64xf32> to vector<1024x64xf32>
    %add3A_798 = arith.addf %dot_general3A_796, %add3A_797 : vector<1024x64xf32>
    %get3A_799 = arith.constant 0 : index
    %get3A_800 = arith.constant 0 : index
    %get3A_801 = vector.load %arg8[%get3A_799, %get3A_800] : memref<64x64xf32, #tpu.memory_space<vmem>>, vector<64x64xf32>
    %dot_general3A_802 = arith.constant dense<0.000000e+00> : vector<1024x64xf32>
    %dot_general3A_803 = tpu.matmul %slice3A_779, %get3A_801, %dot_general3A_802 {dimension_numbers = #tpu.dot_dimension_numbers<[1], [0], [0], [1], [0, 0, 1, 1], [], []>, transpose_lhs_hint = false} : vector<1024x64xf32>, vector<64x64xf32>, vector<1024x64xf32> -> vector<1024x64xf32>
    %add3A_804 = arith.addf %dot_general3A_803, %add3A_798 : vector<1024x64xf32>
    %get3A_805 = arith.constant 0 : index
    %get3A_806 = arith.constant 0 : index
    %get3A_807 = vector.load %arg10[%get3A_805, %get3A_806] : memref<1x64xf32, #tpu.memory_space<vmem>>, vector<1x64xf32>
    %add3A_808 = vector.broadcast %get3A_807 : vector<1x64xf32> to vector<1024x64xf32>
    %add3A_809 = arith.addf %add3A_804, %add3A_808 : vector<1024x64xf32>
    %max3A_810 = arith.constant 0.000000e+00 : f32
    %max3A_811 = vector.broadcast %max3A_810 : f32 to vector<1024x64xf32>
    %max3A_812 = arith.maximumf %add3A_809, %max3A_811 : vector<1024x64xf32>
    %get3A_813 = arith.constant 0 : index
    %get3A_814 = arith.constant 0 : index
    %get3A_815 = vector.load %arg11[%get3A_813, %get3A_814] : memref<64x32xf32, #tpu.memory_space<vmem>>, vector<64x32xf32>
    %dot_general3A_816 = arith.constant dense<0.000000e+00> : vector<1024x32xf32>
    %dot_general3A_817 = tpu.matmul %max3A_812, %get3A_815, %dot_general3A_816 {dimension_numbers = #tpu.dot_dimension_numbers<[1], [0], [0], [1], [0, 0, 1, 1], [], []>, transpose_lhs_hint = false} : vector<1024x64xf32>, vector<64x32xf32>, vector<1024x32xf32> -> vector<1024x32xf32>
    %get3A_818 = arith.constant 0 : index
    %get3A_819 = arith.constant 0 : index
    %get3A_820 = vector.load %arg12[%get3A_818, %get3A_819] : memref<1x32xf32, #tpu.memory_space<vmem>>, vector<1x32xf32>
    %add3A_821 = vector.broadcast %get3A_820 : vector<1x32xf32> to vector<1024x32xf32>
    %add3A_822 = arith.addf %dot_general3A_817, %add3A_821 : vector<1024x32xf32>
    %max3A_823 = arith.constant 0.000000e+00 : f32
    %max3A_824 = vector.broadcast %max3A_823 : f32 to vector<1024x32xf32>
    %max3A_825 = arith.maximumf %add3A_822, %max3A_824 : vector<1024x32xf32>
    %get3A_826 = arith.constant 0 : index
    %get3A_827 = arith.constant 0 : index
    %get3A_828 = vector.load %arg13[%get3A_826, %get3A_827] : memref<32x1xf32, #tpu.memory_space<vmem>>, vector<32x1xf32>
    %dot_general3A_829 = arith.constant dense<0.000000e+00> : vector<1024x1xf32>
    %dot_general3A_830 = tpu.matmul %max3A_825, %get3A_828, %dot_general3A_829 {dimension_numbers = #tpu.dot_dimension_numbers<[1], [0], [0], [1], [0, 0, 1, 1], [], []>, transpose_lhs_hint = false} : vector<1024x32xf32>, vector<32x1xf32>, vector<1024x1xf32> -> vector<1024x1xf32>
    %get3A_831 = arith.constant 0 : index
    %get3A_832 = arith.constant 0 : index
    %get3A_833 = vector.load %arg14[%get3A_831, %get3A_832] : memref<1x1xf32, #tpu.memory_space<vmem>>, vector<1x1xf32>
    %add3A_834 = vector.broadcast %get3A_833 : vector<1x1xf32> to vector<1024x1xf32>
    %add3A_835 = arith.addf %dot_general3A_830, %add3A_834 : vector<1024x1xf32>
    %get3A_836 = arith.constant 7168 : index
    %get3A_837 = arith.constant 0 : index
    %get3A_838 = vector.load %arg1[%get3A_836, %get3A_837] : memref<8192x128xf32, #tpu.memory_space<vmem>>, vector<1024x128xf32>
    %slice3A_839 = vector.extract_strided_slice %get3A_838 {offsets = [0, 0], sizes = [1024, 64], strides = [1, 1]} : vector<1024x128xf32> to vector<1024x64xf32>
    %slice3A_840 = vector.extract_strided_slice %transpose3A {offsets = [0, 7], sizes = [1024, 1], strides = [1, 1]} : vector<1024x8xf32> to vector<1024x1xf32>
    %get3A_841 = arith.constant 0 : index
    %get3A_842 = arith.constant 0 : index
    %get3A_843 = vector.load %arg4[%get3A_841, %get3A_842] : memref<1x32xf32, #tpu.memory_space<vmem>>, vector<1x32xf32>
    %mul3A_844 = vector.broadcast %slice3A_840 : vector<1024x1xf32> to vector<1024x32xf32>
    %mul3A_845 = vector.broadcast %get3A_843 : vector<1x32xf32> to vector<1024x32xf32>
    %mul3A_846 = arith.mulf %mul3A_844, %mul3A_845 : vector<1024x32xf32>
    %get3A_847 = arith.constant 0 : index
    %get3A_848 = arith.constant 0 : index
    %get3A_849 = vector.load %arg5[%get3A_847, %get3A_848] : memref<1x32xf32, #tpu.memory_space<vmem>>, vector<1x32xf32>
    %add3A_850 = vector.broadcast %get3A_849 : vector<1x32xf32> to vector<1024x32xf32>
    %add3A_851 = arith.addf %mul3A_846, %add3A_850 : vector<1024x32xf32>
    %max3A_852 = arith.constant 0.000000e+00 : f32
    %max3A_853 = vector.broadcast %max3A_852 : f32 to vector<1024x32xf32>
    %max3A_854 = arith.maximumf %add3A_851, %max3A_853 : vector<1024x32xf32>
    %dot_general3A_855 = arith.constant dense<0.000000e+00> : vector<1024x64xf32>
    %dot_general3A_856 = tpu.matmul %max3A_854, %dot_general3A_5, %dot_general3A_855 {dimension_numbers = #tpu.dot_dimension_numbers<[1], [0], [0], [1], [0, 0, 1, 1], [], []>, transpose_lhs_hint = false} : vector<1024x32xf32>, vector<32x64xf32>, vector<1024x64xf32> -> vector<1024x64xf32>
    %add3A_857 = vector.broadcast %dot_general3A_13 : vector<1x64xf32> to vector<1024x64xf32>
    %add3A_858 = arith.addf %dot_general3A_856, %add3A_857 : vector<1024x64xf32>
    %get3A_859 = arith.constant 0 : index
    %get3A_860 = arith.constant 0 : index
    %get3A_861 = vector.load %arg8[%get3A_859, %get3A_860] : memref<64x64xf32, #tpu.memory_space<vmem>>, vector<64x64xf32>
    %dot_general3A_862 = arith.constant dense<0.000000e+00> : vector<1024x64xf32>
    %dot_general3A_863 = tpu.matmul %slice3A_839, %get3A_861, %dot_general3A_862 {dimension_numbers = #tpu.dot_dimension_numbers<[1], [0], [0], [1], [0, 0, 1, 1], [], []>, transpose_lhs_hint = false} : vector<1024x64xf32>, vector<64x64xf32>, vector<1024x64xf32> -> vector<1024x64xf32>
    %add3A_864 = arith.addf %dot_general3A_863, %add3A_858 : vector<1024x64xf32>
    %get3A_865 = arith.constant 0 : index
    %get3A_866 = arith.constant 0 : index
    %get3A_867 = vector.load %arg10[%get3A_865, %get3A_866] : memref<1x64xf32, #tpu.memory_space<vmem>>, vector<1x64xf32>
    %add3A_868 = vector.broadcast %get3A_867 : vector<1x64xf32> to vector<1024x64xf32>
    %add3A_869 = arith.addf %add3A_864, %add3A_868 : vector<1024x64xf32>
    %max3A_870 = arith.constant 0.000000e+00 : f32
    %max3A_871 = vector.broadcast %max3A_870 : f32 to vector<1024x64xf32>
    %max3A_872 = arith.maximumf %add3A_869, %max3A_871 : vector<1024x64xf32>
    %get3A_873 = arith.constant 0 : index
    %get3A_874 = arith.constant 0 : index
    %get3A_875 = vector.load %arg11[%get3A_873, %get3A_874] : memref<64x32xf32, #tpu.memory_space<vmem>>, vector<64x32xf32>
    %dot_general3A_876 = arith.constant dense<0.000000e+00> : vector<1024x32xf32>
    %dot_general3A_877 = tpu.matmul %max3A_872, %get3A_875, %dot_general3A_876 {dimension_numbers = #tpu.dot_dimension_numbers<[1], [0], [0], [1], [0, 0, 1, 1], [], []>, transpose_lhs_hint = false} : vector<1024x64xf32>, vector<64x32xf32>, vector<1024x32xf32> -> vector<1024x32xf32>
    %get3A_878 = arith.constant 0 : index
    %get3A_879 = arith.constant 0 : index
    %get3A_880 = vector.load %arg12[%get3A_878, %get3A_879] : memref<1x32xf32, #tpu.memory_space<vmem>>, vector<1x32xf32>
    %add3A_881 = vector.broadcast %get3A_880 : vector<1x32xf32> to vector<1024x32xf32>
    %add3A_882 = arith.addf %dot_general3A_877, %add3A_881 : vector<1024x32xf32>
    %max3A_883 = arith.constant 0.000000e+00 : f32
    %max3A_884 = vector.broadcast %max3A_883 : f32 to vector<1024x32xf32>
    %max3A_885 = arith.maximumf %add3A_882, %max3A_884 : vector<1024x32xf32>
    %get3A_886 = arith.constant 0 : index
    %get3A_887 = arith.constant 0 : index
    %get3A_888 = vector.load %arg13[%get3A_886, %get3A_887] : memref<32x1xf32, #tpu.memory_space<vmem>>, vector<32x1xf32>
    %dot_general3A_889 = arith.constant dense<0.000000e+00> : vector<1024x1xf32>
    %dot_general3A_890 = tpu.matmul %max3A_885, %get3A_888, %dot_general3A_889 {dimension_numbers = #tpu.dot_dimension_numbers<[1], [0], [0], [1], [0, 0, 1, 1], [], []>, transpose_lhs_hint = false} : vector<1024x32xf32>, vector<32x1xf32>, vector<1024x1xf32> -> vector<1024x1xf32>
    %get3A_891 = arith.constant 0 : index
    %get3A_892 = arith.constant 0 : index
    %get3A_893 = vector.load %arg14[%get3A_891, %get3A_892] : memref<1x1xf32, #tpu.memory_space<vmem>>, vector<1x1xf32>
    %add3A_894 = vector.broadcast %get3A_893 : vector<1x1xf32> to vector<1024x1xf32>
    %add3A_895 = arith.addf %dot_general3A_890, %add3A_894 : vector<1024x1xf32>
    %slice3A_896 = vector.extract_strided_slice %get3A_838 {offsets = [0, 64], sizes = [1024, 64], strides = [1, 1]} : vector<1024x128xf32> to vector<1024x64xf32>
    %slice3A_897 = vector.extract_strided_slice %transpose3A_20 {offsets = [0, 7], sizes = [1024, 1], strides = [1, 1]} : vector<1024x8xf32> to vector<1024x1xf32>
    %get3A_898 = arith.constant 0 : index
    %get3A_899 = arith.constant 0 : index
    %get3A_900 = vector.load %arg4[%get3A_898, %get3A_899] : memref<1x32xf32, #tpu.memory_space<vmem>>, vector<1x32xf32>
    %mul3A_901 = vector.broadcast %slice3A_897 : vector<1024x1xf32> to vector<1024x32xf32>
    %mul3A_902 = vector.broadcast %get3A_900 : vector<1x32xf32> to vector<1024x32xf32>
    %mul3A_903 = arith.mulf %mul3A_901, %mul3A_902 : vector<1024x32xf32>
    %get3A_904 = arith.constant 0 : index
    %get3A_905 = arith.constant 0 : index
    %get3A_906 = vector.load %arg5[%get3A_904, %get3A_905] : memref<1x32xf32, #tpu.memory_space<vmem>>, vector<1x32xf32>
    %add3A_907 = vector.broadcast %get3A_906 : vector<1x32xf32> to vector<1024x32xf32>
    %add3A_908 = arith.addf %mul3A_903, %add3A_907 : vector<1024x32xf32>
    %max3A_909 = arith.constant 0.000000e+00 : f32
    %max3A_910 = vector.broadcast %max3A_909 : f32 to vector<1024x32xf32>
    %max3A_911 = arith.maximumf %add3A_908, %max3A_910 : vector<1024x32xf32>
    %dot_general3A_912 = arith.constant dense<0.000000e+00> : vector<1024x64xf32>
    %dot_general3A_913 = tpu.matmul %max3A_911, %dot_general3A_5, %dot_general3A_912 {dimension_numbers = #tpu.dot_dimension_numbers<[1], [0], [0], [1], [0, 0, 1, 1], [], []>, transpose_lhs_hint = false} : vector<1024x32xf32>, vector<32x64xf32>, vector<1024x64xf32> -> vector<1024x64xf32>
    %add3A_914 = vector.broadcast %dot_general3A_13 : vector<1x64xf32> to vector<1024x64xf32>
    %add3A_915 = arith.addf %dot_general3A_913, %add3A_914 : vector<1024x64xf32>
    %get3A_916 = arith.constant 0 : index
    %get3A_917 = arith.constant 0 : index
    %get3A_918 = vector.load %arg8[%get3A_916, %get3A_917] : memref<64x64xf32, #tpu.memory_space<vmem>>, vector<64x64xf32>
    %dot_general3A_919 = arith.constant dense<0.000000e+00> : vector<1024x64xf32>
    %dot_general3A_920 = tpu.matmul %slice3A_896, %get3A_918, %dot_general3A_919 {dimension_numbers = #tpu.dot_dimension_numbers<[1], [0], [0], [1], [0, 0, 1, 1], [], []>, transpose_lhs_hint = false} : vector<1024x64xf32>, vector<64x64xf32>, vector<1024x64xf32> -> vector<1024x64xf32>
    %add3A_921 = arith.addf %dot_general3A_920, %add3A_915 : vector<1024x64xf32>
    %get3A_922 = arith.constant 0 : index
    %get3A_923 = arith.constant 0 : index
    %get3A_924 = vector.load %arg10[%get3A_922, %get3A_923] : memref<1x64xf32, #tpu.memory_space<vmem>>, vector<1x64xf32>
    %add3A_925 = vector.broadcast %get3A_924 : vector<1x64xf32> to vector<1024x64xf32>
    %add3A_926 = arith.addf %add3A_921, %add3A_925 : vector<1024x64xf32>
    %max3A_927 = arith.constant 0.000000e+00 : f32
    %max3A_928 = vector.broadcast %max3A_927 : f32 to vector<1024x64xf32>
    %max3A_929 = arith.maximumf %add3A_926, %max3A_928 : vector<1024x64xf32>
    %get3A_930 = arith.constant 0 : index
    %get3A_931 = arith.constant 0 : index
    %get3A_932 = vector.load %arg11[%get3A_930, %get3A_931] : memref<64x32xf32, #tpu.memory_space<vmem>>, vector<64x32xf32>
    %dot_general3A_933 = arith.constant dense<0.000000e+00> : vector<1024x32xf32>
    %dot_general3A_934 = tpu.matmul %max3A_929, %get3A_932, %dot_general3A_933 {dimension_numbers = #tpu.dot_dimension_numbers<[1], [0], [0], [1], [0, 0, 1, 1], [], []>, transpose_lhs_hint = false} : vector<1024x64xf32>, vector<64x32xf32>, vector<1024x32xf32> -> vector<1024x32xf32>
    %get3A_935 = arith.constant 0 : index
    %get3A_936 = arith.constant 0 : index
    %get3A_937 = vector.load %arg12[%get3A_935, %get3A_936] : memref<1x32xf32, #tpu.memory_space<vmem>>, vector<1x32xf32>
    %add3A_938 = vector.broadcast %get3A_937 : vector<1x32xf32> to vector<1024x32xf32>
    %add3A_939 = arith.addf %dot_general3A_934, %add3A_938 : vector<1024x32xf32>
    %max3A_940 = arith.constant 0.000000e+00 : f32
    %max3A_941 = vector.broadcast %max3A_940 : f32 to vector<1024x32xf32>
    %max3A_942 = arith.maximumf %add3A_939, %max3A_941 : vector<1024x32xf32>
    %get3A_943 = arith.constant 0 : index
    %get3A_944 = arith.constant 0 : index
    %get3A_945 = vector.load %arg13[%get3A_943, %get3A_944] : memref<32x1xf32, #tpu.memory_space<vmem>>, vector<32x1xf32>
    %dot_general3A_946 = arith.constant dense<0.000000e+00> : vector<1024x1xf32>
    %dot_general3A_947 = tpu.matmul %max3A_942, %get3A_945, %dot_general3A_946 {dimension_numbers = #tpu.dot_dimension_numbers<[1], [0], [0], [1], [0, 0, 1, 1], [], []>, transpose_lhs_hint = false} : vector<1024x32xf32>, vector<32x1xf32>, vector<1024x1xf32> -> vector<1024x1xf32>
    %get3A_948 = arith.constant 0 : index
    %get3A_949 = arith.constant 0 : index
    %get3A_950 = vector.load %arg14[%get3A_948, %get3A_949] : memref<1x1xf32, #tpu.memory_space<vmem>>, vector<1x1xf32>
    %add3A_951 = vector.broadcast %get3A_950 : vector<1x1xf32> to vector<1024x1xf32>
    %add3A_952 = arith.addf %dot_general3A_947, %add3A_951 : vector<1024x1xf32>
    %concatenate3A = tpu.concatenate %add3A_76, %add3A_193, %add3A_310, %add3A_427, %add3A_544, %add3A_661, %add3A_778, %add3A_895 in 1 : vector<1024x1xf32>, vector<1024x1xf32>, vector<1024x1xf32>, vector<1024x1xf32>, vector<1024x1xf32>, vector<1024x1xf32>, vector<1024x1xf32>, vector<1024x1xf32> -> vector<1024x8xf32>
    %transpose3A_953 = tpu.transpose %concatenate3A, [1, 0] : vector<1024x8xf32> -> vector<8x1024xf32>
    %swap3A = arith.constant 0 : index
    %swap3A_954 = arith.constant 0 : index
    %swap3A_955 = vector.load %arg15[%swap3A, %swap3A_954] : memref<8x1024xf32, #tpu.memory_space<vmem>>, vector<8x1024xf32>
    tpu.vector_store %arg15[%swap3A, %swap3A_954], %transpose3A_953 {strides = array<i32>} : memref<8x1024xf32, #tpu.memory_space<vmem>>, vector<8x1024xf32>,
    %concatenate3A_956 = tpu.concatenate %add3A_133, %add3A_250, %add3A_367, %add3A_484, %add3A_601, %add3A_718, %add3A_835, %add3A_952 in 1 : vector<1024x1xf32>, vector<1024x1xf32>, vector<1024x1xf32>, vector<1024x1xf32>, vector<1024x1xf32>, vector<1024x1xf32>, vector<1024x1xf32>, vector<1024x1xf32> -> vector<1024x8xf32>
    %transpose3A_957 = tpu.transpose %concatenate3A_956, [1, 0] : vector<1024x8xf32> -> vector<8x1024xf32>
    %swap3A_958 = arith.constant 0 : index
    %swap3A_959 = arith.constant 0 : index
    %swap3A_960 = vector.load %arg16[%swap3A_958, %swap3A_959] : memref<8x1024xf32, #tpu.memory_space<vmem>>, vector<8x1024xf32>
    tpu.vector_store %arg16[%swap3A_958, %swap3A_959], %transpose3A_957 {strides = array<i32>} : memref<8x1024xf32, #tpu.memory_space<vmem>>, vector<8x1024xf32>,
    return
  }
  func.func @transform_0(%arg0: i32) -> (i32, i32) {
    %c0_i32 = arith.constant 0 : i32
    %c0_i32_0 = arith.constant 0 : i32
    return %arg0, %c0_i32 : i32, i32
  }
  func.func @transform_1(%arg0: i32) -> (i32, i32) {
    %c0_i32 = arith.constant 0 : i32
    %c0_i32_0 = arith.constant 0 : i32
    return %arg0, %c0_i32 : i32, i32
  }
  func.func @transform_2(%arg0: i32) -> (i32, i32) {
    %c0_i32 = arith.constant 0 : i32
    %c0_i32_0 = arith.constant 0 : i32
    return %arg0, %c0_i32 : i32, i32
  }
  func.func @transform_3(%arg0: i32) -> (i32, i32) {
    %c0_i32 = arith.constant 0 : i32
    %c0_i32_0 = arith.constant 0 : i32
    %c0_i32_1 = arith.constant 0 : i32
    return %c0_i32, %c0_i32_0 : i32, i32
  }
  func.func @transform_4(%arg0: i32) -> (i32, i32) {
    %c0_i32 = arith.constant 0 : i32
    %c0_i32_0 = arith.constant 0 : i32
    %c0_i32_1 = arith.constant 0 : i32
    return %c0_i32, %c0_i32_0 : i32, i32
  }
  func.func @transform_5(%arg0: i32) -> (i32, i32) {
    %c0_i32 = arith.constant 0 : i32
    %c0_i32_0 = arith.constant 0 : i32
    %c0_i32_1 = arith.constant 0 : i32
    return %c0_i32, %c0_i32_0 : i32, i32
  }
  func.func @transform_6(%arg0: i32) -> (i32, i32) {
    %c0_i32 = arith.constant 0 : i32
    %c0_i32_0 = arith.constant 0 : i32
    %c0_i32_1 = arith.constant 0 : i32
    return %c0_i32, %c0_i32_0 : i32, i32
  }
  func.func @transform_7(%arg0: i32) -> (i32, i32) {
    %c0_i32 = arith.constant 0 : i32
    %c0_i32_0 = arith.constant 0 : i32
    %c0_i32_1 = arith.constant 0 : i32
    return %c0_i32, %c0_i32_0 : i32, i32
  }
  func.func @transform_8(%arg0: i32) -> (i32, i32) {
    %c0_i32 = arith.constant 0 : i32
    %c0_i32_0 = arith.constant 0 : i32
    %c0_i32_1 = arith.constant 0 : i32
    return %c0_i32, %c0_i32_0 : i32, i32
  }
  func.func @transform_9(%arg0: i32) -> (i32, i32) {
    %c0_i32 = arith.constant 0 : i32
    %c0_i32_0 = arith.constant 0 : i32
    %c0_i32_1 = arith.constant 0 : i32
    return %c0_i32, %c0_i32_0 : i32, i32
  }
  func.func @transform_10(%arg0: i32) -> (i32, i32) {
    %c0_i32 = arith.constant 0 : i32
    %c0_i32_0 = arith.constant 0 : i32
    %c0_i32_1 = arith.constant 0 : i32
    return %c0_i32, %c0_i32_0 : i32, i32
  }
  func.func @transform_11(%arg0: i32) -> (i32, i32) {
    %c0_i32 = arith.constant 0 : i32
    %c0_i32_0 = arith.constant 0 : i32
    %c0_i32_1 = arith.constant 0 : i32
    return %c0_i32, %c0_i32_0 : i32, i32
  }
  func.func @transform_12(%arg0: i32) -> (i32, i32) {
    %c0_i32 = arith.constant 0 : i32
    %c0_i32_0 = arith.constant 0 : i32
    %c0_i32_1 = arith.constant 0 : i32
    return %c0_i32, %c0_i32_0 : i32, i32
  }
  func.func @transform_13(%arg0: i32) -> (i32, i32) {
    %c0_i32 = arith.constant 0 : i32
    %c0_i32_0 = arith.constant 0 : i32
    %c0_i32_1 = arith.constant 0 : i32
    return %c0_i32, %c0_i32_0 : i32, i32
  }
  func.func @transform_14(%arg0: i32) -> (i32, i32) {
    %c0_i32 = arith.constant 0 : i32
    %c0_i32_0 = arith.constant 0 : i32
    return %arg0, %c0_i32 : i32, i32
  }
  func.func @transform_15(%arg0: i32) -> (i32, i32) {
    %c0_i32 = arith.constant 0 : i32
    %c0_i32_0 = arith.constant 0 : i32
    return %arg0, %c0_i32 : i32, i32
  }
}

</mosaic_0001>

<sc_bundles>
// kernel: kernel.12.cloned.1.call-start
scs
__scs_entry_jumppad:
0x0: {  	(pc) =	sbr.rel $0x88, $3  }
0x1: {  	(tag) =	ssettag $0x0;
	lr =	simm.s32 $0x1  }
0x2: {  	[smem:$0x3F8D] =	sst lr;
	_ =	strace $0xD0000000  }
0x3: {  	_ = 	snop  }
0x4: {  	_ = 	snop  }
0x5: {  	_ = 	snop  }
0x6: {  	_ = 	snop  }
0x7: {  	_ = 	snop  }
__scs_overlays_trampoline_lowered:
0x8: {  	[smem:$0x3F9C] =	sst s0  }
0x9: {  	[smem:$0x3F9D] =	sst s1  }
0xa: {  	[smem:$0x3F9E] =	sst s2  }
0xb: {  	[smem:$0x3F9F] =	sst s3  }
0xc: {  	[smem:$0x3FA0] =	sst s4  }
0xd: {  	[smem:$0x3FA1] =	sst s5  }
0xe: {  	[smem:$0x3FA2] =	sst s6  }
0xf: {  	[smem:$0x3FA3] =	sst s7  }
0x10: {  	[smem:$0x3FA4] =	sst s8  }
0x11: {  	[smem:$0x3FA5] =	sst s9;
	s0 =	simm.s32 @!p0 $0x0  }
0x12: {  	s1 =	sld [smem:$0x3F8B];
	s0 =	simm.s32 @p0 $0x1  }
0x13: {  	[smem:$0x3FA6] =	sst s0;
	s0 =	simm.s32 @!p1 $0x0  }
0x14: {  	s2 =	sld [smem:$0x3F8A];
	s0 =	simm.s32 @p1 $0x1  }
0x15: {  	[smem:$0x3FA7] =	sst s0;
	s0 =	simm.s32 @!p2 $0x0  }
0x16: {  	s3 =	sld [smem:$0x3FDB];
	s0 =	simm.s32 @p2 $0x1  }
0x17: {  	s4 =	simm.s32 $0x1BF5;
	[smem:$0x3FA9] =	sst s0  }
0x18: {  	s0 =	sld [smem:$0x3F8C];
	_ =	swait.ge [sflag:s4], $0x0  }
0x19: {  	s7 =	sld [smem:$0x3F8D]  }
0x1a: {  	s8 =	sadd.s32 $0xFFFFE003, lr  }
0x1b: {  	s9 =	sadd.s32 $0xFFFFFEF7, lr;
	s5 =	simm.s32 $0xFFFFFFFF;
	p2 =	slt.u32 s8, $0xFFFFF086  }
0x1c: {  	p1 =	slt.u32 s9, $0xF7A;
	s5 =	simm.s32 @!p2 $0x0  }
0x1d: {  	s5 =	simm.s32 @p1 $0x1;
	p0 =	seq.s32 s7, s2  }
0x1e: {  	s7 =	smul.u32 @!p0 $0xF7A, s2;
	p2 =	seq.s32 @!p0 s5, $0x0  }
0x1f: {  	s9 =	smul.u32 $0xF7A, s1;
	s8 =	simm.s32 @!p0 $0x1BF5;
	p2 =	por !p2, p0  }
0x20: {  	[sflag:s8] =	ssyncset.s32 @!p0 $0xFFFFF086;
	s6 =	sadd.s32 @!p0 s3, s7;
	s7 =	simm.s32 @!p0 $0x108  }
0x21: {  	s3 =	sadd.s32 s3, s9;
	s6 =	sadd.s32 @!p0 $0x88, s6;
	s7 =	simm.s32 @p2 $0x1082  }
0x22: {  	[simem:s7], [sflag:s8] =	dma.local @!p0 [hbm:s6], $0xF7A  }
0x23: {  	s9 =	sor.u32 $0xD0000000, s2;
	s6 =	simm.s32 $0x108;
	_ =	swait.ge @!p0 [sflag:s8], $0x0  }
0x24: {  	s3 =	sadd.s32 $0x88, s3;
	s6 =	simm.s32 @!p1 $0x1082;
	[sflag:s4] =	ssyncset.s32 $0xFFFFF086  }
0x25: {  	[simem:s6], [sflag:s4] =	dma.local [hbm:s3], $0xF7A  }
0x26: {  	[smem:$0x3F8D] =	sst s1;
	(tag) =	ssettag s2;
	_ =	strace s9  }
0x27: {  	s1 =	sld [smem:$0x3F9D]  }
0x28: {  	s2 =	sld [smem:$0x3F9E]  }
0x29: {  	s4 =	sld [smem:$0x3FA0]  }
0x2a: {  	p0 =	seq.s32 s5, $0x0;
	s5 =	sld [smem:$0x3FA1]  }
0x2b: {  	s6 =	sld [smem:$0x3FA2]  }
0x2c: {  	s7 =	sld [smem:$0x3FA3]  }
0x2d: {  	s3 =	simm.s32 $0x108;
	s8 =	sld [smem:$0x3FA4]  }
0x2e: {  	s3 =	simm.s32 @!p0 $0x1082;
	s9 =	sld [smem:$0x3FA5]  }
0x2f: {  	lr =	sadd.s32 s0, s3;
	s0 =	sld [smem:$0x3F9C]  }
0x30: {  	s3 =	sld [smem:$0x3F9F]  }
0x31: {  	[smem:$0x3FA8] =	sst s10  }
0x32: {  	s10 =	sld [smem:$0x3FA6];
	_ =	sdelay $0x3  }
0x33: {  	p0 =	seq.s32 s10, $0x1;
	s10 =	sld [smem:$0x3FA8];
	_ =	sdelay $0x3  }
0x34: {  	[smem:$0x3FA8] =	sst s10  }
0x35: {  	s10 =	sld [smem:$0x3FA7];
	_ =	sdelay $0x3  }
0x36: {  	p1 =	seq.s32 s10, $0x1;
	s10 =	sld [smem:$0x3FA8];
	_ =	sdelay $0x3  }
0x37: {  	[smem:$0x3FA8] =	sst s10  }
0x38: {  	s10 =	sld [smem:$0x3FA9]  }
0x39: {  	_ = 	snop;
	(pc) =	sbr.ind lr, $3  }
0x3a: {  	_ = 	snop  }
0x3b: {  	_ = 	snop  }
0x3c: {  	p2 =	seq.s32 s10, $0x1;
	s10 =	sld [smem:$0x3FA8]  }
0x3d: {  	_ =	shalt  }
0x3e: {  	_ =	shalt  }
0x3f: {  	_ =	shalt  }
0x40: {  	_ =	shalt  }
0x41: {  	_ =	shalt  }
0x42: {  	_ =	shalt  }
0x43: {  	_ =	shalt  }
0x44: {  	_ =	shalt  }
0x45: {  	_ =	shalt  }
0x46: {  	_ =	shalt  }
0x47: {  	_ =	shalt  }
0x48: {  	_ =	shalt  }
0x49: {  	_ =	shalt  }
0x4a: {  	_ =	shalt  }
0x4b: {  	_ =	shalt  }
0x4c: {  	_ =	shalt  }
0x4d: {  	_ =	shalt  }
0x4e: {  	_ =	shalt  }
0x4f: {  	_ =	shalt  }
0x50: {  	_ =	shalt  }
0x51: {  	_ =	shalt  }
0x52: {  	_ =	shalt  }
0x53: {  	_ =	shalt  }
0x54: {  	_ =	shalt  }
0x55: {  	_ =	shalt  }
0x56: {  	_ =	shalt  }
0x57: {  	_ =	shalt  }
0x58: {  	_ =	shalt  }
0x59: {  	_ =	shalt  }
0x5a: {  	_ =	shalt  }
0x5b: {  	_ =	shalt  }
0x5c: {  	_ =	shalt  }
0x5d: {  	_ =	shalt  }
0x5e: {  	_ =	shalt  }
0x5f: {  	_ =	shalt  }
0x60: {  	_ =	shalt  }
0x61: {  	_ =	shalt  }
0x62: {  	_ =	shalt  }
0x63: {  	_ =	shalt  }
0x64: {  	_ =	shalt  }
0x65: {  	_ =	shalt  }
0x66: {  	_ =	shalt  }
0x67: {  	_ =	shalt  }
0x68: {  	_ =	shalt  }
0x69: {  	_ =	shalt  }
0x6a: {  	_ =	shalt  }
0x6b: {  	_ =	shalt  }
0x6c: {  	_ =	shalt  }
0x6d: {  	_ =	shalt  }
0x6e: {  	_ =	shalt  }
0x6f: {  	_ =	shalt  }
0x70: {  	_ =	shalt  }
0x71: {  	_ =	shalt  }
0x72: {  	_ =	shalt  }
0x73: {  	_ =	shalt  }
0x74: {  	_ =	shalt  }
0x75: {  	_ =	shalt  }
0x76: {  	_ =	shalt  }
0x77: {  	_ =	shalt  }
0x78: {  	_ =	shalt  }
0x79: {  	_ =	shalt  }
0x7a: {  	_ =	shalt  }
0x7b: {  	_ =	shalt  }
0x7c: {  	_ =	shalt  }
0x7d: {  	_ =	shalt  }
0x7e: {  	_ =	shalt  }
0x7f: {  	_ =	shalt  }
0x80: {  	_ =	shalt  }
0x81: {  	_ =	shalt  }
0x82: {  	_ =	shalt  }
0x83: {  	_ =	shalt  }
0x84: {  	_ =	shalt  }
0x85: {  	_ =	shalt  }
0x86: {  	_ =	shalt  }
0x87: {  	_ =	shalt  }
.Lfunc_end0:
.L_simem_size_0:
called_computation.1_lowered:
.L_overlay_start_0:
0x88: {  	s2 =	sld [smem:$0x3FD9]  }
0x89: {  	s3 =	sld [smem:$0x3FFE];
	_ =	sdelay $0x1  }
0x8a: {  	s1 =	srdreg.scid  }
0x8b: {  	s0 =	sand.u32 $0x1, s1  }
0x8c: {  	s17 =	sshll.u32 s0, $0xA;
	s2 =	sadd.s32 s3, s2  }
0x8d: {  	s2 =	sadd.s32 s2, s17  }
0x8e: {  	[smem:$0x3FB4] =	sst s2  }
0x8f: {  	_ = 	snop  }
0x90: {  	s2 =	sld [smem:$0x3FD0];
	(tm) =	ssettm $0x1  }
0x91: {  	s18 =	sld [smem:$0x3FFB];
	_ =	sdelay $0x3  }
0x92: {  	_ =	strace s18  }
0x93: {  	s3 =	sld [smem:$0x3FFC];
	_ =	sdelay $0x3  }
0x94: {  	_ =	strace s3  }
0x95: {  	s3 =	sld [smem:$0x3FFD];
	_ =	sdelay $0x3  }
0x96: {  	_ =	strace s3  }
0x97: {  	_ =	strace $0x8FFFFFFF  }
0x98: {  	s19 =	sld [smem:$0x3FDB];
	_ =	sdelay $0x1  }
0x99: {  	s4 =	simm.s32 $_scs_section_size  }
0x9a: {  	s5 =	simm.s32 $_size__tile_overlayer_lowered;
	s6 =	simm.s32 $_tile_overlayer_lowered  }
0x9b: {  	s22 =	simm.s32 $0x1BFF;
	s21 =	sshll.u32 s6, $0x1;
	s3 =	sadd.s32 s4, s19  }
0x9c: {  	s7 =	simm.s32 $0x0;
	s20 =	sshll.u32 s5, $0x1;
	s5 =	sadd.s32 s21, s3  }
0x9d: {  	[timem:s7], [sflag:s22] =	dma.local [hbm:s5], s20  }
0x9e: {  	_ =	swait.ge [sflag:s22], s20  }
0x9f: {  	s4 =	ssub.s32 $0x0, s20;
	[sflag:s22] =	ssyncset.done $0x0  }
0xa0: {  	[sflag:s22] =	ssyncadd.s32 s4;
	_ =	sdelay $0x1  }
0xa1: {  	s23 =	simm.s32 $0x1B8B  }
0xa2: {  	_ =	swait.ge [sflag:s23], $0x1  }
0xa3: {  	[sflag:s23] =	ssyncset.done $0x0  }
0xa4: {  	s25 =	simm.s32 $0x1B8E;
	s24 =	sld [smem:$0x3FFE];
	[sflag:s23] =	ssyncadd.s32 $0xFFFFFFFF  }
0xa5: {  	s26 =	simm.s32 $execute0_lowered;
	[smem:$0x3FD2] =	sst s25  }
0xa6: {  	s5 =	sshll.u32 s26, $0x1;
	_ =	strace $0x80000049;
	[dreg:$0x1] =	wrdreg $0xFFFFFFFF  }
0xa7: {  	s28 =	simm.s32 $_size_execute0_lowered;
	s3 =	sadd.s32 s3, s5;
	[dreg:$0x0] =	wrdreg $0x0  }
0xa8: {  	s5 =	sshll.u32 s28, $0x1;
	[dreg:$0x2] =	wrdreg s3  }
0xa9: {  	[dreg:$0x3] =	wrdreg s5  }
0xaa: {  	[dreg:$0x4] =	wrdreg $0xC0  }
0xab: {  	_ =	task [dreg:s7], $0x5FFFF  }
0xac: {  	[dreg:$0x1] =	wrdreg $0xFFFFFFFF  }
0xad: {  	[dreg:$0x0] =	wrdreg $0x60  }
0xae: {  	[dreg:$0x2] =	wrdreg s24  }
0xaf: {  	[dreg:$0x3] =	wrdreg s2  }
0xb0: {  	[dreg:$0x4] =	wrdreg $0x62200  }
0xb1: {  	[dreg:$0x5] =	wrdreg $0x9  }
0xb2: {  	_ =	task.clear_ibuf [dreg:s7], $0x6FFFF;
	_ =	strace $0x90000049  }
0xb3: {  	s29 =	simm.s32 $0x9;
	_ =	strace $0x8000004B  }
0xb4: {  	_ =	swait.ge [sflag:s29], $0x1  }
0xb5: {  	[sflag:s29] =	ssyncadd.s32 $0xFFFFFFFF  }
0xb6: {  	_ =	strace $0x9000004B  }
0xb7: {  	_ =	sfence  }
0xb8: {  	s30 =	sld [smem:$0x0];
	_ =	sdelay $0x2  }
0xb9: {  	s31 =	sshll.u32 s1, $0xD;
	s1 =	sshrl.u32 s1, $0x2  }
0xba: {  	s3 =	sand.u32 $0x4000, s31;
	s1 =	sadd.s32 s1, s30  }
0xbb: {  	s0 =	sor.u32 s3, s0;
	s1 =	sshll.u32 s1, $0x11  }
0xbc: {  	s0 =	sor.u32 s1, s0  }
0xbd: {  	s0 =	sadd.s32 $0x8F2B, s0  }
0xbe: {  	[sflag:s0] =	ssyncadd.remote.s32 $0x1  }
0xbf: {  	_ =	sfence.sel $0xFFFF  }
0xc0: {  	[dreg:$0x0] =	wrdreg $0xFFFFFFFF;
	(pc) =	sbr.abs _section_cstart, $3  }
0xc1: {  	[dreg:$0x1] =	wrdreg $0xFFFFFFFF  }
0xc2: {  	_ =	task.clear_ibuf [dreg:s7], $0x2FFFF;
	_ =	strace $0x9FFFFFFF  }
0xc3: {  	(tm) =	ssettm $0x7FFFFFFF  }
tec
execute0_lowered:
.L_overlay_start_1:
0x0: {  	(tag) =	ssettag $0x1  }
0x1: {  	s5 =	rddreg [dreg:$0x0]  }
0x2: {  	s8 =	rddreg [dreg:$0x1];
	s1 =	srdreg.scid  }
0x3: {  	s0 =	stileid.u32;
	s2 =	rddreg [dreg:$0x2]  }
0x4: {  	s3 =	simm.s32 $0x0;
	s15 =	simm.s32 $0x5820;
	s16 =	simm.s32 $0x1  }
0x5: {  	s17 =	simm.s32 $0x3;
	s6 =	sand.u32 $0x1, s1;
	s1 =	rddreg [dreg:$0x3]  }
0x6: {  	s4 =	sshll.u32 s0, $0x1;
	[smem:$0x7FF] =	sst s3;
	s7 =	smul.u32 $0x4E00, s0  }
0x7: {  	s31 =	sshll.u32 s0, $0x6;
	s4 =	sor.u32 s6, s4;
	s10 =	smul.u32 $0x9C40, s6  }
0x8: {  	_ =	strace $0x8000004A;
	s6 =	ssub.s32 $0x2, s6;
	s9 =	smul.u32 $0x4E2, s4  }
0x9: {  	s4 =	sadd.s32 $0x34400, s5;
	s18 =	sshrl.u32 s7, $0x3;
	s12 =	sshrl.u32 s6, $0x1  }
0xa: {  	s14 =	sadd.s32 s7, s2;
	s13 =	sadd.s32 s18, s5;
	s10 =	sadd.s32 s10, s5  }
0xb: {  	s12 =	ssub.s32 s6, s12;
	s6 =	sor.u32 $0x1C05, s31;
	s11 =	sadd.s32 s9, s5  }
0xc: {  	s5 =	sadd.s32 $0x4D000, s13;
	s8 =	sadd.s32 s8, s9;
	s19 =	sadd.s32 $0x56E00, s10  }
0xd: {  	s9 =	smax.u32 s12, $0x1;
	s10 =	sshrl.u32 s14, $0x3;
	s12 =	simm.s32 $0x2710  }
0xe: {  	s13 =	simm.s32 $0x50;
	s14 =	simm.s32 $0x4E20;
	s7 =	sadd.s32 $0x3400, s11  }
0xf: {  	s11 =	simm.s32 $0x5;
	s18 =	sadd.s32 s18, s19;
	s19 =	simm.s32 $0x0  }
.LBB2_1:
0x10: {  	[spmem:s10], [sflag:s6] =	dma.local [hbm:s5], $0xA00  }
0x11: {  	_ =	swait.ge [sflag:s11], $0xA00  }
0x12: {  	[sflag:s11] =	ssyncset.done $0x0  }
0x13: {  	[sflag:s11] =	ssyncadd.s32 $0xFFFFF600  }
0x14: {  	[tilespmem:s3], [sflag:$0x5] =	stream.linear.gather [hbm4b:s7+s3], $0x2710, $0x38;
	[tilespmem:$0xB060] =	vst v63  }
0x15: {  	_ =	swait.ge [sflag:s11], $0x2710  }
0x16: {  	[sflag:s11] =	ssyncset.done $0x0  }
0x17: {  	[sflag:s11] =	ssyncadd.s32 $0xFFFFD8F0  }
0x18: {  	[tilespmem:s12], [sflag:$0x5] =	stream.linear.gather [hbm4b:s8+s3], $0x2710, $0x38;
	[tilespmem:$0xB060] =	vst v63  }
0x19: {  	_ =	swait.ge [sflag:s11], $0x2710  }
0x1a: {  	[sflag:s11] =	ssyncset.done $0x0  }
0x1b: {  	[sflag:s11] =	ssyncadd.s32 $0xFFFFD8F0  }
0x1c: {  	[tilespmem:s14], [sflag:$0x1] =	stream.indirect.gather [hbm4b:s4+s13], $0x20, s3, s13, $0xb8;
	[tilespmem:$0xB060] =	vst v63  }
0x1d: {  	s20 =	simm.s32 $0x2;
	s24 =	simm.s32 $0x1;
	[bflag:$0x0] =	sbarrier.arrive $0xFFFF  }
0x1e: {  	[tilespmem:s15], [sflag:$0x2] =	stream.indirect.gather [hbm4b:s4+s13], $0x20, s13, s13, $0xb8;
	[tilespmem:$0xB060] =	vst v63  }
0x1f: {  	s21 =	sand.u32 $0x1, s20;
	s20 =	simm.s32 $0xA0;
	_ =	swait.ge [sflag:s16], $0xA00  }
0x20: {  	s26 =	sand.u32 $0x1, s24;
	s22 =	sadd.s32 $0x3, s21;
	[sflag:s16] =	ssyncset.done $0x0  }
0x21: {  	s23 =	smul.u32 $0x2800, s21;
	s21 =	sadd.s32 $0x1, s21;
	[sflag:s16] =	ssyncadd.s32 $0xFFFFF600  }
0x22: {  	[spmem:s2] =	stream.indirect.scatter.add.f32 [tilespmem:s14], [sflag:$0x3], $0x20, s12, s13, $0xb8;
	[tilespmem:$0xB060] =	vst v63  }
0x23: {  	s31 =	smul.u32 $0x2800, s26;
	s24 =	sadd.s32 $0x1, s26;
	_ =	swait.ge [sflag:s22], $0xA00  }
0x24: {  	s26 =	sadd.s32 $0x3, s26;
	s23 =	sshrl.u32 s23, $0x2;
	[sflag:s22] =	ssyncset.done $0x0  }
0x25: {  	s30 =	sadd.s32 $0x4E20, s23;
	s23 =	sshrl.u32 s31, $0x2;
	[sflag:s22] =	ssyncadd.s32 $0xFFFFF600  }
0x26: {  	[tilespmem:s30], [sflag:s21] =	stream.indirect.gather [hbm4b:s4+s13], $0x20, s20, s13, $0xb8;
	[tilespmem:$0xB060] =	vst v63  }
0x27: {  	s25 =	sadd.s32 $0x4E20, s23;
	s23 =	simm.s32 $0x2760;
	_ =	swait.ge [sflag:s24], $0xA00  }
0x28: {  	s22 =	simm.s32 $0x3;
	s21 =	simm.s32 $0x2760;
	[sflag:s24] =	ssyncset.done $0x0  }
.LBB2_2:
0x29: {  	[sflag:s24] =	ssyncadd.s32 $0xFFFFF600  }
0x2a: {  	s21 =	sadd.s32 $0x50, s21;
	s20 =	sadd.s32 $0x50, s20;
	s24 =	smov.u32 s22  }
0x2b: {  	[spmem:s2] =	stream.indirect.scatter.add.f32 [tilespmem:s25], [sflag:s26], $0x20, s23, s13, $0xb8;
	[tilespmem:$0xB060] =	vst v63  }
0x2c: {  	p0 =	sne.s32 s22, $0x7C;
	s22 =	sadd.s32 $0x1, s22;
	s25 =	sand.u32 $0x1, s24  }
0x2d: {  	s23 =	smov.u32 s21;
	s26 =	sadd.s32 $0x3, s25;
	s28 =	smul.u32 $0x2800, s25  }
0x2e: {  	s24 =	sadd.s32 $0xFFFFFFFF, s24;
	_ =	swait.ge [sflag:s26], $0xA00  }
0x2f: {  	s29 =	sand.u32 $0x1, s24;
	s28 =	sshrl.u32 s28, $0x2;
	[sflag:s26] =	ssyncset.done $0x0  }
.Ltmp0:
0x30: {  	[sflag:s26] =	ssyncadd.s32 $0xFFFFF600;
	s26 =	sadd.s32 $0x4E20, s28;
	(pc) =	sbr.rel @p0 .LBB2_2-.Ltmp0, $4  }
0x31: {  	s25 =	sadd.s32 $0x1, s25;
	s24 =	sadd.s32 $0x1, s29;
	s28 =	smul.u32 $0x2800, s29  }
0x32: {  	[tilespmem:s26], [sflag:s25] =	stream.indirect.gather [hbm4b:s4+s13], $0x20, s20, s13, $0xb8;
	[tilespmem:$0xB060] =	vst v63  }
0x33: {  	s25 =	sshrl.u32 s28, $0x2;
	_ =	swait.ge [sflag:s24], $0xA00  }
0x34: {  	s26 =	sadd.s32 $0x3, s29;
	s25 =	sadd.s32 $0x4E20, s25;
	[sflag:s24] =	ssyncset.done $0x0  }
0x35: {  	[sflag:s24] =	ssyncadd.s32 $0xFFFFF600  }
0x36: {  	[spmem:s2] =	stream.indirect.scatter.add.f32 [tilespmem:s25], [sflag:s26], $0x20, s23, s13, $0xb8;
	[tilespmem:$0xB060] =	vst v63  }
0x37: {  	_ =	swait.ge [sflag:s26], $0xA00  }
0x38: {  	[sflag:s26] =	ssyncset.done $0x0  }
0x39: {  	[sflag:s26] =	ssyncadd.s32 $0xFFFFF600  }
0x3a: {  	_ =	swait.ge [sflag:s16], $0xA00  }
0x3b: {  	[sflag:s16] =	ssyncset.done $0x0  }
0x3c: {  	s20 =	sadd.s32 $0x50, s21;
	[sflag:s16] =	ssyncadd.s32 $0xFFFFF600  }
0x3d: {  	[spmem:s2] =	stream.indirect.scatter.add.f32 [tilespmem:s14], [sflag:$0x3], $0x20, s20, s13, $0xb8;
	[tilespmem:$0xB060] =	vst v63  }
0x3e: {  	_ =	swait.ge [sflag:s17], $0xA00  }
0x3f: {  	s19 =	sadd.s32 $0x1, s19;
	[sflag:s17] =	ssyncset.done $0x0  }
0x40: {  	p0 =	sne.s32 s19, s9;
	[sflag:s17] =	ssyncadd.s32 $0xFFFFF600  }
.Ltmp1:
0x41: {  	[bflag:$0x0] =	sbarrier.arrive $0xFFFF;
	(pc) =	sbr.rel @p0 .LBB2_1-.Ltmp1, $4  }
0x42: {  	[hbm:s18], [sflag:s6] =	dma.local [spmem:s10], $0xA00  }
0x43: {  	_ =	swait.ge [sflag:s11], $0xA00  }
0x44: {  	[sflag:s11] =	ssyncset.done $0x0  }
0x45: {  	[sflag:s11] =	ssyncadd.s32 $0xFFFFF600  }
0x46: {  	_ =	sfence.sel $0x180000  }
0x47: {  	[bflag:$0x0] =	sbarrier.arrive $0xFFFF  }
0x48: {  	p0 =	sne.s32 s0, $0x0;
	_ =	strace $0x9000004A  }
0x49: {  	s0 =	sadd.s32 @!p0 $0x100000, s1;
	[bflag:$0x2] =	sbarrier.arrive $0xFFFF  }
0x4a: {  	[sflag:s0] =	ssyncadd.tile.s32 @!p0 $0x1;
	_ =	shalt  }
.Lfunc_end2:
_tile_overlayer_lowered:
.L_overlay_start_2:
0x4b: {  	(tag) =	ssettag $0x2  }
0x4c: {  	s0 =	rddreg [dreg:$0x0];
	s2 =	stileid.u32  }
0x4d: {  	s1 =	rddreg [dreg:$0x1];
	p0 =	sne.s32 s2, $0x0  }
0x4e: {  	s3 =	rddreg [dreg:$0x2];
	[bflag:$0x3] =	sbarrier.arrive $0xFFFF;
	s2 =	simm.s32 @!p0 $0x1C05  }
0x4f: {  	[timem:s3], [sflag:s2] =	dma.local @!p0 [hbm:s0], s1  }
0x50: {  	s0 =	simm.s32 @!p0 $0x5  }
0x51: {  	_ =	swait.ge @!p0 [sflag:s0], s1  }
0x52: {  	s1 =	ssub.s32 @!p0 $0x0, s1;
	[sflag:s0] =	ssyncset.done @!p0 $0x0  }
0x53: {  	[sflag:s0] =	ssyncadd.s32 @!p0 s1  }
0x54: {  	[bflag:$0x3] =	sbarrier.arrive $0xFFFF  }
0x55: {  	_ =	shalt  }

// kernel: kernel.15.cloned.1.call-start
scs
__scs_entry_jumppad:
0x0: {  	(pc) =	sbr.rel $0x88, $3  }
0x1: {  	(tag) =	ssettag $0x0;
	lr =	simm.s32 $0x1  }
0x2: {  	[smem:$0x3F8D] =	sst lr;
	_ =	strace $0xD0000000  }
0x3: {  	_ = 	snop  }
0x4: {  	_ = 	snop  }
0x5: {  	_ = 	snop  }
0x6: {  	_ = 	snop  }
0x7: {  	_ = 	snop  }
__scs_overlays_trampoline_lowered:
0x8: {  	[smem:$0x3F9C] =	sst s0  }
0x9: {  	[smem:$0x3F9D] =	sst s1  }
0xa: {  	[smem:$0x3F9E] =	sst s2  }
0xb: {  	[smem:$0x3F9F] =	sst s3  }
0xc: {  	[smem:$0x3FA0] =	sst s4  }
0xd: {  	[smem:$0x3FA1] =	sst s5  }
0xe: {  	[smem:$0x3FA2] =	sst s6  }
0xf: {  	[smem:$0x3FA3] =	sst s7  }
0x10: {  	[smem:$0x3FA4] =	sst s8  }
0x11: {  	[smem:$0x3FA5] =	sst s9;
	s0 =	simm.s32 @!p0 $0x0  }
0x12: {  	s1 =	sld [smem:$0x3F8B];
	s0 =	simm.s32 @p0 $0x1  }
0x13: {  	[smem:$0x3FA6] =	sst s0;
	s0 =	simm.s32 @!p1 $0x0  }
0x14: {  	s2 =	sld [smem:$0x3F8A];
	s0 =	simm.s32 @p1 $0x1  }
0x15: {  	[smem:$0x3FA7] =	sst s0;
	s0 =	simm.s32 @!p2 $0x0  }
0x16: {  	s3 =	sld [smem:$0x3FDB];
	s0 =	simm.s32 @p2 $0x1  }
0x17: {  	s4 =	simm.s32 $0x1BF5;
	[smem:$0x3FA9] =	sst s0  }
0x18: {  	s0 =	sld [smem:$0x3F8C];
	_ =	swait.ge [sflag:s4], $0x0  }
0x19: {  	s7 =	sld [smem:$0x3F8D]  }
0x1a: {  	s8 =	sadd.s32 $0xFFFFE003, lr  }
0x1b: {  	s9 =	sadd.s32 $0xFFFFFEF7, lr;
	s5 =	simm.s32 $0xFFFFFFFF;
	p2 =	slt.u32 s8, $0xFFFFF086  }
0x1c: {  	p1 =	slt.u32 s9, $0xF7A;
	s5 =	simm.s32 @!p2 $0x0  }
0x1d: {  	s5 =	simm.s32 @p1 $0x1;
	p0 =	seq.s32 s7, s2  }
0x1e: {  	s7 =	smul.u32 @!p0 $0xF7A, s2;
	p2 =	seq.s32 @!p0 s5, $0x0  }
0x1f: {  	s9 =	smul.u32 $0xF7A, s1;
	s8 =	simm.s32 @!p0 $0x1BF5;
	p2 =	por !p2, p0  }
0x20: {  	[sflag:s8] =	ssyncset.s32 @!p0 $0xFFFFF086;
	s6 =	sadd.s32 @!p0 s3, s7;
	s7 =	simm.s32 @!p0 $0x108  }
0x21: {  	s3 =	sadd.s32 s3, s9;
	s6 =	sadd.s32 @!p0 $0x88, s6;
	s7 =	simm.s32 @p2 $0x1082  }
0x22: {  	[simem:s7], [sflag:s8] =	dma.local @!p0 [hbm:s6], $0xF7A  }
0x23: {  	s9 =	sor.u32 $0xD0000000, s2;
	s6 =	simm.s32 $0x108;
	_ =	swait.ge @!p0 [sflag:s8], $0x0  }
0x24: {  	s3 =	sadd.s32 $0x88, s3;
	s6 =	simm.s32 @!p1 $0x1082;
	[sflag:s4] =	ssyncset.s32 $0xFFFFF086  }
0x25: {  	[simem:s6], [sflag:s4] =	dma.local [hbm:s3], $0xF7A  }
0x26: {  	[smem:$0x3F8D] =	sst s1;
	(tag) =	ssettag s2;
	_ =	strace s9  }
0x27: {  	s1 =	sld [smem:$0x3F9D]  }
0x28: {  	s2 =	sld [smem:$0x3F9E]  }
0x29: {  	s4 =	sld [smem:$0x3FA0]  }
0x2a: {  	p0 =	seq.s32 s5, $0x0;
	s5 =	sld [smem:$0x3FA1]  }
0x2b: {  	s6 =	sld [smem:$0x3FA2]  }
0x2c: {  	s7 =	sld [smem:$0x3FA3]  }
0x2d: {  	s3 =	simm.s32 $0x108;
	s8 =	sld [smem:$0x3FA4]  }
0x2e: {  	s3 =	simm.s32 @!p0 $0x1082;
	s9 =	sld [smem:$0x3FA5]  }
0x2f: {  	lr =	sadd.s32 s0, s3;
	s0 =	sld [smem:$0x3F9C]  }
0x30: {  	s3 =	sld [smem:$0x3F9F]  }
0x31: {  	[smem:$0x3FA8] =	sst s10  }
0x32: {  	s10 =	sld [smem:$0x3FA6];
	_ =	sdelay $0x3  }
0x33: {  	p0 =	seq.s32 s10, $0x1;
	s10 =	sld [smem:$0x3FA8];
	_ =	sdelay $0x3  }
0x34: {  	[smem:$0x3FA8] =	sst s10  }
0x35: {  	s10 =	sld [smem:$0x3FA7];
	_ =	sdelay $0x3  }
0x36: {  	p1 =	seq.s32 s10, $0x1;
	s10 =	sld [smem:$0x3FA8];
	_ =	sdelay $0x3  }
0x37: {  	[smem:$0x3FA8] =	sst s10  }
0x38: {  	s10 =	sld [smem:$0x3FA9]  }
0x39: {  	_ = 	snop;
	(pc) =	sbr.ind lr, $3  }
0x3a: {  	_ = 	snop  }
0x3b: {  	_ = 	snop  }
0x3c: {  	p2 =	seq.s32 s10, $0x1;
	s10 =	sld [smem:$0x3FA8]  }
0x3d: {  	_ =	shalt  }
0x3e: {  	_ =	shalt  }
0x3f: {  	_ =	shalt  }
0x40: {  	_ =	shalt  }
0x41: {  	_ =	shalt  }
0x42: {  	_ =	shalt  }
0x43: {  	_ =	shalt  }
0x44: {  	_ =	shalt  }
0x45: {  	_ =	shalt  }
0x46: {  	_ =	shalt  }
0x47: {  	_ =	shalt  }
0x48: {  	_ =	shalt  }
0x49: {  	_ =	shalt  }
0x4a: {  	_ =	shalt  }
0x4b: {  	_ =	shalt  }
0x4c: {  	_ =	shalt  }
0x4d: {  	_ =	shalt  }
0x4e: {  	_ =	shalt  }
0x4f: {  	_ =	shalt  }
0x50: {  	_ =	shalt  }
0x51: {  	_ =	shalt  }
0x52: {  	_ =	shalt  }
0x53: {  	_ =	shalt  }
0x54: {  	_ =	shalt  }
0x55: {  	_ =	shalt  }
0x56: {  	_ =	shalt  }
0x57: {  	_ =	shalt  }
0x58: {  	_ =	shalt  }
0x59: {  	_ =	shalt  }
0x5a: {  	_ =	shalt  }
0x5b: {  	_ =	shalt  }
0x5c: {  	_ =	shalt  }
0x5d: {  	_ =	shalt  }
0x5e: {  	_ =	shalt  }
0x5f: {  	_ =	shalt  }
0x60: {  	_ =	shalt  }
0x61: {  	_ =	shalt  }
0x62: {  	_ =	shalt  }
0x63: {  	_ =	shalt  }
0x64: {  	_ =	shalt  }
0x65: {  	_ =	shalt  }
0x66: {  	_ =	shalt  }
0x67: {  	_ =	shalt  }
0x68: {  	_ =	shalt  }
0x69: {  	_ =	shalt  }
0x6a: {  	_ =	shalt  }
0x6b: {  	_ =	shalt  }
0x6c: {  	_ =	shalt  }
0x6d: {  	_ =	shalt  }
0x6e: {  	_ =	shalt  }
0x6f: {  	_ =	shalt  }
0x70: {  	_ =	shalt  }
0x71: {  	_ =	shalt  }
0x72: {  	_ =	shalt  }
0x73: {  	_ =	shalt  }
0x74: {  	_ =	shalt  }
0x75: {  	_ =	shalt  }
0x76: {  	_ =	shalt  }
0x77: {  	_ =	shalt  }
0x78: {  	_ =	shalt  }
0x79: {  	_ =	shalt  }
0x7a: {  	_ =	shalt  }
0x7b: {  	_ =	shalt  }
0x7c: {  	_ =	shalt  }
0x7d: {  	_ =	shalt  }
0x7e: {  	_ =	shalt  }
0x7f: {  	_ =	shalt  }
0x80: {  	_ =	shalt  }
0x81: {  	_ =	shalt  }
0x82: {  	_ =	shalt  }
0x83: {  	_ =	shalt  }
0x84: {  	_ =	shalt  }
0x85: {  	_ =	shalt  }
0x86: {  	_ =	shalt  }
0x87: {  	_ =	shalt  }
.Lfunc_end0:
.L_simem_size_0:
called_computation.2_lowered:
.L_overlay_start_0:
0x88: {  	s2 =	sld [smem:$0x3FD9]  }
0x89: {  	s3 =	sld [smem:$0x3FFE];
	_ =	sdelay $0x1  }
0x8a: {  	s1 =	srdreg.scid  }
0x8b: {  	s0 =	sand.u32 $0x1, s1  }
0x8c: {  	s17 =	sshll.u32 s0, $0xA;
	s2 =	sadd.s32 s3, s2  }
0x8d: {  	s2 =	sadd.s32 s2, s17  }
0x8e: {  	[smem:$0x3FB4] =	sst s2  }
0x8f: {  	_ = 	snop  }
0x90: {  	s2 =	sld [smem:$0x3FD0];
	(tm) =	ssettm $0x1  }
0x91: {  	s18 =	sld [smem:$0x3FFB];
	_ =	sdelay $0x3  }
0x92: {  	_ =	strace s18  }
0x93: {  	s3 =	sld [smem:$0x3FFC];
	_ =	sdelay $0x3  }
0x94: {  	_ =	strace s3  }
0x95: {  	s3 =	sld [smem:$0x3FFD];
	_ =	sdelay $0x3  }
0x96: {  	_ =	strace s3  }
0x97: {  	_ =	strace $0x8FFFFFFF  }
0x98: {  	s19 =	sld [smem:$0x3FDB];
	_ =	sdelay $0x1  }
0x99: {  	s4 =	simm.s32 $_scs_section_size  }
0x9a: {  	s5 =	simm.s32 $_size__tile_overlayer_lowered;
	s6 =	simm.s32 $_tile_overlayer_lowered  }
0x9b: {  	s22 =	simm.s32 $0x1BFF;
	s21 =	sshll.u32 s6, $0x1;
	s3 =	sadd.s32 s4, s19  }
0x9c: {  	s7 =	simm.s32 $0x0;
	s20 =	sshll.u32 s5, $0x1;
	s5 =	sadd.s32 s21, s3  }
0x9d: {  	[timem:s7], [sflag:s22] =	dma.local [hbm:s5], s20  }
0x9e: {  	_ =	swait.ge [sflag:s22], s20  }
0x9f: {  	s4 =	ssub.s32 $0x0, s20;
	[sflag:s22] =	ssyncset.done $0x0  }
0xa0: {  	[sflag:s22] =	ssyncadd.s32 s4;
	_ =	sdelay $0x1  }
0xa1: {  	s23 =	simm.s32 $0x1B8B  }
0xa2: {  	_ =	swait.ge [sflag:s23], $0x1  }
0xa3: {  	[sflag:s23] =	ssyncset.done $0x0  }
0xa4: {  	s25 =	simm.s32 $0x1B8E;
	s24 =	sld [smem:$0x3FFE];
	[sflag:s23] =	ssyncadd.s32 $0xFFFFFFFF  }
0xa5: {  	s26 =	simm.s32 $execute0_lowered;
	[smem:$0x3FD2] =	sst s25  }
0xa6: {  	s5 =	sshll.u32 s26, $0x1;
	_ =	strace $0x8000004C;
	[dreg:$0x1] =	wrdreg $0xFFFFFFFF  }
0xa7: {  	s28 =	simm.s32 $_size_execute0_lowered;
	s3 =	sadd.s32 s3, s5;
	[dreg:$0x0] =	wrdreg $0x0  }
0xa8: {  	s5 =	sshll.u32 s28, $0x1;
	[dreg:$0x2] =	wrdreg s3  }
0xa9: {  	[dreg:$0x3] =	wrdreg s5  }
0xaa: {  	[dreg:$0x4] =	wrdreg $0xC0  }
0xab: {  	_ =	task [dreg:s7], $0x5FFFF  }
0xac: {  	[dreg:$0x1] =	wrdreg $0xFFFFFFFF  }
0xad: {  	[dreg:$0x0] =	wrdreg $0x60  }
0xae: {  	[dreg:$0x2] =	wrdreg s2  }
0xaf: {  	[dreg:$0x3] =	wrdreg s24  }
0xb0: {  	[dreg:$0x4] =	wrdreg $0x9  }
0xb1: {  	_ =	task.clear_ibuf [dreg:s7], $0x5FFFF;
	_ =	strace $0x9000004C  }
0xb2: {  	s29 =	simm.s32 $0x9;
	_ =	strace $0x8000004E  }
0xb3: {  	_ =	swait.ge [sflag:s29], $0x1  }
0xb4: {  	[sflag:s29] =	ssyncadd.s32 $0xFFFFFFFF  }
0xb5: {  	_ =	strace $0x9000004E  }
0xb6: {  	_ =	sfence  }
0xb7: {  	s30 =	sld [smem:$0x0];
	_ =	sdelay $0x2  }
0xb8: {  	s31 =	sshll.u32 s1, $0xD;
	s1 =	sshrl.u32 s1, $0x2  }
0xb9: {  	s3 =	sand.u32 $0x4000, s31;
	s1 =	sadd.s32 s1, s30  }
0xba: {  	s0 =	sor.u32 s3, s0;
	s1 =	sshll.u32 s1, $0x11  }
0xbb: {  	s0 =	sor.u32 s1, s0  }
0xbc: {  	s0 =	sadd.s32 $0x8F2B, s0  }
0xbd: {  	[sflag:s0] =	ssyncadd.remote.s32 $0x1  }
0xbe: {  	_ =	sfence.sel $0xFFFF  }
0xbf: {  	[dreg:$0x0] =	wrdreg $0xFFFFFFFF;
	(pc) =	sbr.abs _section_cstart, $3  }
0xc0: {  	[dreg:$0x1] =	wrdreg $0xFFFFFFFF  }
0xc1: {  	_ =	task.clear_ibuf [dreg:s7], $0x2FFFF;
	_ =	strace $0x9FFFFFFF  }
0xc2: {  	(tm) =	ssettm $0x7FFFFFFF  }
0xc3: {  	_ =	shalt  }
tec
execute0_lowered:
.L_overlay_start_1:
0x0: {  	(tag) =	ssettag $0x1  }
0x1: {  	s1 =	srdreg.scid;
	s2 =	rddreg [dreg:$0x0]  }
0x2: {  	s0 =	stileid.u32;
	s6 =	rddreg [dreg:$0x1]  }
0x3: {  	s3 =	simm.s32 $0x0;
	s11 =	simm.s32 $0x2;
	s12 =	simm.s32 $0x6000  }
0x4: {  	s4 =	sand.u32 $0x1, s1;
	s29 =	sshll.u32 s0, $0x1;
	s8 =	smul.u32 $0x140000, s0  }
0x5: {  	s5 =	sor.u32 s4, s29;
	s9 =	ssub.s32 $0x2, s4;
	s4 =	smul.u32 $0xA0000, s4  }
0x6: {  	s13 =	simm.s32 $0x0;
	s1 =	rddreg [dreg:$0x2];
	s7 =	smul.u32 $0xA00, s5  }
0x7: {  	[smem:$0x7FF] =	sst s3;
	s10 =	sadd.s32 $0x3400, s6;
	s5 =	smul.u32 $0xA0000, s5  }
0x8: {  	_ =	strace $0x8000004D;
	s30 =	sshrl.u32 s9, $0x1;
	s8 =	sadd.s32 s4, s8  }
0x9: {  	s7 =	sadd.s32 s7, s6;
	s6 =	ssub.s32 s9, s30;
	s5 =	sshrl.u32 s5, $0x3  }
0xa: {  	s8 =	sshrl.u32 s8, $0x3;
	s9 =	simm.s32 $0x5000;
	s4 =	sadd.s32 $0x56A800, s7  }
0xb: {  	s31 =	sadd.s32 s10, s5;
	s5 =	smax.u32 s6, $0x1;
	s7 =	sadd.s32 s8, s10  }
0xc: {  	s8 =	simm.s32 $0x3;
	s10 =	simm.s32 $0x80;
	s6 =	sadd.s32 $0x13E00, s31  }
.LBB2_1:
0xd: {  	[tilespmem:s3], [sflag:$0x3] =	stream.linear.gather [hbm4b:s4+s3], $0x5000, $0x38;
	[tilespmem:$0x7000] =	vst v63  }
0xe: {  	s14 =	simm.s32 $0x1;
	_ =	swait.ge [sflag:s8], $0x5000  }
0xf: {  	s15 =	simm.s32 $0x0;
	s14 =	sand.u32 $0x1, s14;
	[sflag:s8] =	ssyncset.done $0x0  }
0x10: {  	s15 =	sand.u32 $0x1, s15;
	s16 =	sshll.u32 s14, $0xC;
	[sflag:s8] =	ssyncadd.s32 $0xFFFFB000  }
0x11: {  	[tilespmem:s9], [sflag:$0x1] =	stream.indirect.gather [hbm4b:s2+s10], $0x20, s3, s10, $0xb8;
	[tilespmem:$0x7000] =	vst v63  }
0x12: {  	s14 =	sadd.s32 $0x1, s14;
	s17 =	sadd.s32 $0x1, s15;
	s16 =	sadd.s32 $0x5000, s16  }
0x13: {  	[tilespmem:s16], [sflag:s14] =	stream.indirect.gather [hbm4b:s2+s10], $0x20, s10, s10, $0xb8;
	[tilespmem:$0x7000] =	vst v63  }
0x14: {  	s31 =	sshll.u32 s15, $0xC;
	_ =	swait.ge [sflag:s17], $0x1000  }
0x15: {  	s15 =	simm.s32 $0x100;
	s16 =	simm.s32 $0x2;
	[sflag:s17] =	ssyncset.done $0x0  }
0x16: {  	s14 =	sadd.s32 $0x5000, s31;
	s18 =	sand.u32 $0x1, s16;
	[sflag:s17] =	ssyncadd.s32 $0xFFFFF000  }
0x17: {  	[hbm4b:s7+s3] =	stream.linear.scatter [tilespmem:s14], [sflag:$0x3], $0x1000, $0x38;
	[tilespmem:$0x7000] =	vst v63  }
0x18: {  	s17 =	simm.s32 $0x3;
	s14 =	sadd.s32 $0x200, s7;
	_ =	swait.ge [sflag:s8], $0x1000  }
.LBB2_2:
0x19: {  	s19 =	sadd.s32 $0xFFFFFFFF, s16;
	s20 =	sshll.u32 s18, $0xC  }
0x1a: {  	[sflag:s8] =	ssyncset.done $0x0;
	s16 =	smov.u32 s17;
	s18 =	sadd.s32 $0x1, s18  }
0x1b: {  	p0 =	sne.s32 s17, $0x9F;
	s19 =	sand.u32 $0x1, s19;
	s20 =	sadd.s32 $0x5000, s20  }
0x1c: {  	s21 =	sadd.s32 $0x1, s19;
	s19 =	sshll.u32 s19, $0xC;
	[sflag:s8] =	ssyncadd.s32 $0xFFFFF000  }
0x1d: {  	[tilespmem:s20], [sflag:s18] =	stream.indirect.gather [hbm4b:s2+s10], $0x20, s15, s10, $0xb8;
	[tilespmem:$0x7000] =	vst v63  }
.Ltmp0:
0x1e: {  	s20 =	sadd.s32 $0x1, s17;
	_ =	swait.ge [sflag:s21], $0x1000;
	(pc) =	sbr.rel @p0 .LBB2_2-.Ltmp0, $4  }
0x1f: {  	s17 =	sadd.s32 $0x5000, s19;
	[sflag:s21] =	ssyncset.done $0x0  }
0x20: {  	s15 =	sadd.s32 $0x80, s15;
	s18 =	sand.u32 $0x1, s16;
	[sflag:s21] =	ssyncadd.s32 $0xFFFFF000  }
0x21: {  	[hbm4b:s14+s3] =	stream.linear.scatter [tilespmem:s17], [sflag:$0x3], $0x1000, $0x38;
	[tilespmem:$0x7000] =	vst v63  }
0x22: {  	s14 =	sadd.s32 $0x200, s14;
	s17 =	smov.u32 s20;
	_ =	swait.ge [sflag:s8], $0x1000  }
0x23: {  	s16 =	sadd.s32 $0xFFFFFFFF, s16;
	s17 =	sshll.u32 s18, $0xC  }
0x24: {  	[sflag:s8] =	ssyncset.done $0x0;
	s30 =	sadd.s32 $0x1, s18;
	s16 =	sand.u32 $0x1, s16  }
0x25: {  	s17 =	sadd.s32 $0x5000, s17;
	[sflag:s8] =	ssyncadd.s32 $0xFFFFF000;
	s19 =	sadd.s32 $0x1, s16  }
0x26: {  	[tilespmem:s17], [sflag:s30] =	stream.indirect.gather [hbm4b:s2+s10], $0x20, s15, s10, $0xb8;
	[tilespmem:$0x7000] =	vst v63  }
0x27: {  	_ =	swait.ge [sflag:s19], $0x1000  }
0x28: {  	s31 =	sshll.u32 s16, $0xC;
	[sflag:s19] =	ssyncset.done $0x0  }
0x29: {  	s15 =	sadd.s32 $0x5000, s31;
	[sflag:s19] =	ssyncadd.s32 $0xFFFFF000  }
0x2a: {  	[hbm4b:s14+s3] =	stream.linear.scatter [tilespmem:s15], [sflag:$0x3], $0x1000, $0x38;
	[tilespmem:$0x7000] =	vst v63  }
0x2b: {  	_ =	swait.ge [sflag:s8], $0x1000  }
0x2c: {  	[sflag:s8] =	ssyncset.done $0x0  }
0x2d: {  	[sflag:s8] =	ssyncadd.s32 $0xFFFFF000  }
0x2e: {  	s13 =	sadd.s32 $0x1, s13;
	_ =	swait.ge [sflag:s11], $0x1000  }
0x2f: {  	p0 =	sne.s32 s13, s5;
	[sflag:s11] =	ssyncset.done $0x0  }
.Ltmp1:
0x30: {  	[sflag:s11] =	ssyncadd.s32 $0xFFFFF000;
	(pc) =	sbr.rel @p0 .LBB2_1-.Ltmp1, $4  }
0x31: {  	[hbm4b:s6+s3] =	stream.linear.scatter [tilespmem:s12], [sflag:$0x3], $0x1000, $0x38;
	[tilespmem:$0x7000] =	vst v63  }
0x32: {  	_ =	swait.ge [sflag:s8], $0x1000  }
0x33: {  	[sflag:s8] =	ssyncset.done $0x0  }
0x34: {  	[sflag:s8] =	ssyncadd.s32 $0xFFFFF000  }
0x35: {  	_ =	sfence.sel $0x180000  }
0x36: {  	[bflag:$0x0] =	sbarrier.arrive $0xFFFF  }
0x37: {  	p0 =	sne.s32 s0, $0x0;
	_ =	strace $0x9000004D  }
0x38: {  	s0 =	sadd.s32 @!p0 $0x100000, s1;
	[bflag:$0x2] =	sbarrier.arrive $0xFFFF  }
0x39: {  	[sflag:s0] =	ssyncadd.tile.s32 @!p0 $0x1;
	_ =	shalt  }
.Lfunc_end2:
_tile_overlayer_lowered:
.L_overlay_start_2:
0x3a: {  	(tag) =	ssettag $0x2  }
0x3b: {  	s0 =	rddreg [dreg:$0x0];
	s2 =	stileid.u32  }
0x3c: {  	s1 =	rddreg [dreg:$0x1];
	p0 =	sne.s32 s2, $0x0  }
0x3d: {  	s3 =	rddreg [dreg:$0x2];
	[bflag:$0x3] =	sbarrier.arrive $0xFFFF;
	s2 =	simm.s32 @!p0 $0x1C03  }
0x3e: {  	[timem:s3], [sflag:s2] =	dma.local @!p0 [hbm:s0], s1  }
0x3f: {  	s0 =	simm.s32 @!p0 $0x3  }
0x40: {  	_ =	swait.ge @!p0 [sflag:s0], s1  }
0x41: {  	s1 =	ssub.s32 @!p0 $0x0, s1;
	[sflag:s0] =	ssyncset.done @!p0 $0x0  }
0x42: {  	[sflag:s0] =	ssyncadd.s32 @!p0 s1  }
0x43: {  	[bflag:$0x3] =	sbarrier.arrive $0xFFFF  }
0x44: {  	_ =	shalt  }

// kernel: kernel.9.cloned.1.call-start
scs
__scs_entry_jumppad:
0x0: {  	(pc) =	sbr.rel $0x88, $3  }
0x1: {  	(tag) =	ssettag $0x0;
	lr =	simm.s32 $0x1  }
0x2: {  	[smem:$0x3F8D] =	sst lr;
	_ =	strace $0xD0000000  }
0x3: {  	_ = 	snop  }
0x4: {  	_ = 	snop  }
0x5: {  	_ = 	snop  }
0x6: {  	_ = 	snop  }
0x7: {  	_ = 	snop  }
__scs_overlays_trampoline_lowered:
0x8: {  	[smem:$0x3F9C] =	sst s0  }
0x9: {  	[smem:$0x3F9D] =	sst s1  }
0xa: {  	[smem:$0x3F9E] =	sst s2  }
0xb: {  	[smem:$0x3F9F] =	sst s3  }
0xc: {  	[smem:$0x3FA0] =	sst s4  }
0xd: {  	[smem:$0x3FA1] =	sst s5  }
0xe: {  	[smem:$0x3FA2] =	sst s6  }
0xf: {  	[smem:$0x3FA3] =	sst s7  }
0x10: {  	[smem:$0x3FA4] =	sst s8  }
0x11: {  	[smem:$0x3FA5] =	sst s9;
	s0 =	simm.s32 @!p0 $0x0  }
0x12: {  	s1 =	sld [smem:$0x3F8B];
	s0 =	simm.s32 @p0 $0x1  }
0x13: {  	[smem:$0x3FA6] =	sst s0;
	s0 =	simm.s32 @!p1 $0x0  }
0x14: {  	s2 =	sld [smem:$0x3F8A];
	s0 =	simm.s32 @p1 $0x1  }
0x15: {  	[smem:$0x3FA7] =	sst s0;
	s0 =	simm.s32 @!p2 $0x0  }
0x16: {  	s3 =	sld [smem:$0x3FDB];
	s0 =	simm.s32 @p2 $0x1  }
0x17: {  	s4 =	simm.s32 $0x1BF5;
	[smem:$0x3FA9] =	sst s0  }
0x18: {  	s0 =	sld [smem:$0x3F8C];
	_ =	swait.ge [sflag:s4], $0x0  }
0x19: {  	s7 =	sld [smem:$0x3F8D]  }
0x1a: {  	s8 =	sadd.s32 $0xFFFFE003, lr  }
0x1b: {  	s9 =	sadd.s32 $0xFFFFFEF7, lr;
	s5 =	simm.s32 $0xFFFFFFFF;
	p2 =	slt.u32 s8, $0xFFFFF086  }
0x1c: {  	p1 =	slt.u32 s9, $0xF7A;
	s5 =	simm.s32 @!p2 $0x0  }
0x1d: {  	s5 =	simm.s32 @p1 $0x1;
	p0 =	seq.s32 s7, s2  }
0x1e: {  	s7 =	smul.u32 @!p0 $0xF7A, s2;
	p2 =	seq.s32 @!p0 s5, $0x0  }
0x1f: {  	s9 =	smul.u32 $0xF7A, s1;
	s8 =	simm.s32 @!p0 $0x1BF5;
	p2 =	por !p2, p0  }
0x20: {  	[sflag:s8] =	ssyncset.s32 @!p0 $0xFFFFF086;
	s6 =	sadd.s32 @!p0 s3, s7;
	s7 =	simm.s32 @!p0 $0x108  }
0x21: {  	s3 =	sadd.s32 s3, s9;
	s6 =	sadd.s32 @!p0 $0x88, s6;
	s7 =	simm.s32 @p2 $0x1082  }
0x22: {  	[simem:s7], [sflag:s8] =	dma.local @!p0 [hbm:s6], $0xF7A  }
0x23: {  	s9 =	sor.u32 $0xD0000000, s2;
	s6 =	simm.s32 $0x108;
	_ =	swait.ge @!p0 [sflag:s8], $0x0  }
0x24: {  	s3 =	sadd.s32 $0x88, s3;
	s6 =	simm.s32 @!p1 $0x1082;
	[sflag:s4] =	ssyncset.s32 $0xFFFFF086  }
0x25: {  	[simem:s6], [sflag:s4] =	dma.local [hbm:s3], $0xF7A  }
0x26: {  	[smem:$0x3F8D] =	sst s1;
	(tag) =	ssettag s2;
	_ =	strace s9  }
0x27: {  	s1 =	sld [smem:$0x3F9D]  }
0x28: {  	s2 =	sld [smem:$0x3F9E]  }
0x29: {  	s4 =	sld [smem:$0x3FA0]  }
0x2a: {  	p0 =	seq.s32 s5, $0x0;
	s5 =	sld [smem:$0x3FA1]  }
0x2b: {  	s6 =	sld [smem:$0x3FA2]  }
0x2c: {  	s7 =	sld [smem:$0x3FA3]  }
0x2d: {  	s3 =	simm.s32 $0x108;
	s8 =	sld [smem:$0x3FA4]  }
0x2e: {  	s3 =	simm.s32 @!p0 $0x1082;
	s9 =	sld [smem:$0x3FA5]  }
0x2f: {  	lr =	sadd.s32 s0, s3;
	s0 =	sld [smem:$0x3F9C]  }
0x30: {  	s3 =	sld [smem:$0x3F9F]  }
0x31: {  	[smem:$0x3FA8] =	sst s10  }
0x32: {  	s10 =	sld [smem:$0x3FA6];
	_ =	sdelay $0x3  }
0x33: {  	p0 =	seq.s32 s10, $0x1;
	s10 =	sld [smem:$0x3FA8];
	_ =	sdelay $0x3  }
0x34: {  	[smem:$0x3FA8] =	sst s10  }
0x35: {  	s10 =	sld [smem:$0x3FA7];
	_ =	sdelay $0x3  }
0x36: {  	p1 =	seq.s32 s10, $0x1;
	s10 =	sld [smem:$0x3FA8];
	_ =	sdelay $0x3  }
0x37: {  	[smem:$0x3FA8] =	sst s10  }
0x38: {  	s10 =	sld [smem:$0x3FA9]  }
0x39: {  	_ = 	snop;
	(pc) =	sbr.ind lr, $3  }
0x3a: {  	_ = 	snop  }
0x3b: {  	_ = 	snop  }
0x3c: {  	p2 =	seq.s32 s10, $0x1;
	s10 =	sld [smem:$0x3FA8]  }
0x3d: {  	_ =	shalt  }
0x3e: {  	_ =	shalt  }
0x3f: {  	_ =	shalt  }
0x40: {  	_ =	shalt  }
0x41: {  	_ =	shalt  }
0x42: {  	_ =	shalt  }
0x43: {  	_ =	shalt  }
0x44: {  	_ =	shalt  }
0x45: {  	_ =	shalt  }
0x46: {  	_ =	shalt  }
0x47: {  	_ =	shalt  }
0x48: {  	_ =	shalt  }
0x49: {  	_ =	shalt  }
0x4a: {  	_ =	shalt  }
0x4b: {  	_ =	shalt  }
0x4c: {  	_ =	shalt  }
0x4d: {  	_ =	shalt  }
0x4e: {  	_ =	shalt  }
0x4f: {  	_ =	shalt  }
0x50: {  	_ =	shalt  }
0x51: {  	_ =	shalt  }
0x52: {  	_ =	shalt  }
0x53: {  	_ =	shalt  }
0x54: {  	_ =	shalt  }
0x55: {  	_ =	shalt  }
0x56: {  	_ =	shalt  }
0x57: {  	_ =	shalt  }
0x58: {  	_ =	shalt  }
0x59: {  	_ =	shalt  }
0x5a: {  	_ =	shalt  }
0x5b: {  	_ =	shalt  }
0x5c: {  	_ =	shalt  }
0x5d: {  	_ =	shalt  }
0x5e: {  	_ =	shalt  }
0x5f: {  	_ =	shalt  }
0x60: {  	_ =	shalt  }
0x61: {  	_ =	shalt  }
0x62: {  	_ =	shalt  }
0x63: {  	_ =	shalt  }
0x64: {  	_ =	shalt  }
0x65: {  	_ =	shalt  }
0x66: {  	_ =	shalt  }
0x67: {  	_ =	shalt  }
0x68: {  	_ =	shalt  }
0x69: {  	_ =	shalt  }
0x6a: {  	_ =	shalt  }
0x6b: {  	_ =	shalt  }
0x6c: {  	_ =	shalt  }
0x6d: {  	_ =	shalt  }
0x6e: {  	_ =	shalt  }
0x6f: {  	_ =	shalt  }
0x70: {  	_ =	shalt  }
0x71: {  	_ =	shalt  }
0x72: {  	_ =	shalt  }
0x73: {  	_ =	shalt  }
0x74: {  	_ =	shalt  }
0x75: {  	_ =	shalt  }
0x76: {  	_ =	shalt  }
0x77: {  	_ =	shalt  }
0x78: {  	_ =	shalt  }
0x79: {  	_ =	shalt  }
0x7a: {  	_ =	shalt  }
0x7b: {  	_ =	shalt  }
0x7c: {  	_ =	shalt  }
0x7d: {  	_ =	shalt  }
0x7e: {  	_ =	shalt  }
0x7f: {  	_ =	shalt  }
0x80: {  	_ =	shalt  }
0x81: {  	_ =	shalt  }
0x82: {  	_ =	shalt  }
0x83: {  	_ =	shalt  }
0x84: {  	_ =	shalt  }
0x85: {  	_ =	shalt  }
0x86: {  	_ =	shalt  }
0x87: {  	_ =	shalt  }
.Lfunc_end0:
.L_simem_size_0:
called_computation_lowered:
.L_overlay_start_0:
0x88: {  	s2 =	sld [smem:$0x3FD9]  }
0x89: {  	s3 =	sld [smem:$0x3FFE];
	_ =	sdelay $0x1  }
0x8a: {  	s1 =	srdreg.scid  }
0x8b: {  	s0 =	sand.u32 $0x1, s1  }
0x8c: {  	s17 =	sshll.u32 s0, $0xA;
	s2 =	sadd.s32 s3, s2  }
0x8d: {  	s2 =	sadd.s32 s2, s17  }
0x8e: {  	[smem:$0x3FB4] =	sst s2  }
0x8f: {  	_ = 	snop  }
0x90: {  	s2 =	sld [smem:$0x3FD0];
	(tm) =	ssettm $0x1  }
0x91: {  	s18 =	sld [smem:$0x3FFB];
	_ =	sdelay $0x3  }
0x92: {  	_ =	strace s18  }
0x93: {  	s3 =	sld [smem:$0x3FFC];
	_ =	sdelay $0x3  }
0x94: {  	_ =	strace s3  }
0x95: {  	s3 =	sld [smem:$0x3FFD];
	_ =	sdelay $0x3  }
0x96: {  	_ =	strace s3  }
0x97: {  	_ =	strace $0x8FFFFFFF  }
0x98: {  	s19 =	sld [smem:$0x3FDB];
	_ =	sdelay $0x1  }
0x99: {  	s4 =	simm.s32 $_scs_section_size  }
0x9a: {  	s5 =	simm.s32 $_size__tile_overlayer_lowered;
	s6 =	simm.s32 $_tile_overlayer_lowered  }
0x9b: {  	s22 =	simm.s32 $0x1BFF;
	s21 =	sshll.u32 s6, $0x1;
	s3 =	sadd.s32 s4, s19  }
0x9c: {  	s7 =	simm.s32 $0x0;
	s20 =	sshll.u32 s5, $0x1;
	s5 =	sadd.s32 s21, s3  }
0x9d: {  	[timem:s7], [sflag:s22] =	dma.local [hbm:s5], s20  }
0x9e: {  	_ =	swait.ge [sflag:s22], s20  }
0x9f: {  	s4 =	ssub.s32 $0x0, s20;
	[sflag:s22] =	ssyncset.done $0x0  }
0xa0: {  	[sflag:s22] =	ssyncadd.s32 s4;
	_ =	sdelay $0x1  }
0xa1: {  	s23 =	simm.s32 $0x1B8B  }
0xa2: {  	_ =	swait.ge [sflag:s23], $0x1  }
0xa3: {  	[sflag:s23] =	ssyncset.done $0x0  }
0xa4: {  	s25 =	simm.s32 $0x1B8E;
	s24 =	sld [smem:$0x3FFE];
	[sflag:s23] =	ssyncadd.s32 $0xFFFFFFFF  }
0xa5: {  	s26 =	simm.s32 $execute0_lowered;
	[smem:$0x3FD2] =	sst s25  }
0xa6: {  	s5 =	sshll.u32 s26, $0x1;
	_ =	strace $0x80000046;
	[dreg:$0x1] =	wrdreg $0xFFFFFFFF  }
0xa7: {  	s28 =	simm.s32 $_size_execute0_lowered;
	s3 =	sadd.s32 s3, s5;
	[dreg:$0x0] =	wrdreg $0x0  }
0xa8: {  	s5 =	sshll.u32 s28, $0x1;
	[dreg:$0x2] =	wrdreg s3  }
0xa9: {  	[dreg:$0x3] =	wrdreg s5  }
0xaa: {  	[dreg:$0x4] =	wrdreg $0xC0  }
0xab: {  	_ =	task [dreg:s7], $0x5FFFF  }
0xac: {  	[dreg:$0x1] =	wrdreg $0xFFFFFFFF  }
0xad: {  	[dreg:$0x0] =	wrdreg $0x60  }
0xae: {  	[dreg:$0x2] =	wrdreg s24  }
0xaf: {  	[dreg:$0x3] =	wrdreg s2  }
0xb0: {  	[dreg:$0x4] =	wrdreg $0x7B200  }
0xb1: {  	[dreg:$0x5] =	wrdreg $0x117A00  }
0xb2: {  	[dreg:$0x6] =	wrdreg $0x9  }
0xb3: {  	_ =	task.clear_ibuf [dreg:s7], $0x7FFFF;
	_ =	strace $0x90000046  }
0xb4: {  	s29 =	simm.s32 $0x9;
	_ =	strace $0x80000048  }
0xb5: {  	_ =	swait.ge [sflag:s29], $0x1  }
0xb6: {  	[sflag:s29] =	ssyncadd.s32 $0xFFFFFFFF  }
0xb7: {  	_ =	strace $0x90000048  }
0xb8: {  	_ =	sfence  }
0xb9: {  	s30 =	sld [smem:$0x0];
	_ =	sdelay $0x2  }
0xba: {  	s31 =	sshll.u32 s1, $0xD;
	s1 =	sshrl.u32 s1, $0x2  }
0xbb: {  	s3 =	sand.u32 $0x4000, s31;
	s1 =	sadd.s32 s1, s30  }
0xbc: {  	s0 =	sor.u32 s3, s0;
	s1 =	sshll.u32 s1, $0x11  }
0xbd: {  	s0 =	sor.u32 s1, s0  }
0xbe: {  	s0 =	sadd.s32 $0x8F2B, s0  }
0xbf: {  	[sflag:s0] =	ssyncadd.remote.s32 $0x1  }
0xc0: {  	_ =	sfence.sel $0xFFFF  }
0xc1: {  	[dreg:$0x0] =	wrdreg $0xFFFFFFFF;
	(pc) =	sbr.abs _section_cstart, $3  }
0xc2: {  	[dreg:$0x1] =	wrdreg $0xFFFFFFFF  }
0xc3: {  	_ =	task.clear_ibuf [dreg:s7], $0x2FFFF;
	_ =	strace $0x9FFFFFFF  }
0xc4: {  	(tm) =	ssettm $0x7FFFFFFF  }
0xc5: {  	_ =	shalt  }
tec
execute0_lowered:
.L_overlay_start_1:
0x0: {  	(tag) =	ssettag $0x1  }
0x1: {  	s7 =	rddreg [dreg:$0x0]  }
0x2: {  	s11 =	rddreg [dreg:$0x1]  }
0x3: {  	s2 =	rddreg [dreg:$0x2]  }
0x4: {  	s3 =	rddreg [dreg:$0x3]  }
0x5: {  	s5 =	srdreg.scid;
	s0 =	stileid.u32  }
0x6: {  	s4 =	simm.s32 $0x0;
	s21 =	simm.s32 $0x1;
	s6 =	sand.u32 $0x1, s5  }
0x7: {  	s28 =	sshll.u32 s0, $0x1;
	[smem:$0x7FF] =	sst s4;
	s8 =	smul.u32 $0x9C00, s0  }
0x8: {  	s9 =	smul.u32 $0x2700, s0;
	s1 =	sadd.s32 $0x4CE00, s7;
	s31 =	sshll.u32 s0, $0x6  }
0x9: {  	s5 =	sor.u32 s6, s28;
	_ =	strace $0x80000047;
	s14 =	smul.u32 $0x13880, s6  }
0xa: {  	s15 =	smul.u32 $0x4E20, s6;
	s16 =	ssub.s32 $0x2, s6;
	[dreg:$0x5] =	wrdreg s1  }
0xb: {  	s12 =	smul.u32 $0x4E2, s5;
	s5 =	sadd.s32 $0x34400, s7;
	s22 =	sshrl.u32 s8, $0x3  }
0xc: {  	s24 =	sshrl.u32 s9, $0x3;
	s18 =	sshrl.u32 s16, $0x1;
	s29 =	sadd.s32 s8, s2  }
0xd: {  	s8 =	sor.u32 $0x1C05, s31;
	s19 =	sadd.s32 s9, s3;
	s13 =	sadd.s32 s22, s7  }
0xe: {  	s17 =	sadd.s32 s24, s7;
	s14 =	sadd.s32 s14, s7;
	s15 =	sadd.s32 s15, s7  }
0xf: {  	s16 =	ssub.s32 s16, s18;
	s18 =	simm.s32 $0x50;
	s10 =	sadd.s32 s12, s7  }
0x10: {  	s30 =	sadd.s32 $0x4D000, s13;
	s9 =	sadd.s32 $0x47E00, s17;
	s11 =	sadd.s32 s11, s12  }
0x11: {  	s23 =	sadd.s32 $0x6A800, s14;
	s25 =	sadd.s32 $0x60A00, s15;
	s12 =	smax.u32 s16, $0x1  }
0x12: {  	s13 =	sshrl.u32 s29, $0x3;
	s14 =	simm.s32 $0x5;
	s15 =	sshrl.u32 s19, $0x3  }
0x13: {  	s16 =	simm.s32 $0x7620;
	s17 =	simm.s32 $0x2710;
	s19 =	simm.s32 $0x4E20  }
0x14: {  	[dreg:$0x6] =	wrdreg s30;
	s10 =	sadd.s32 $0x3400, s10;
	s22 =	sadd.s32 s22, s23  }
0x15: {  	s23 =	simm.s32 $0x3;
	s24 =	sadd.s32 s24, s25;
	s25 =	simm.s32 $0x0  }
.LBB2_1:
0x16: {  	s0 =	rddreg [dreg:$0x6]  }
0x17: {  	[spmem:s13], [sflag:s8] =	dma.local [hbm:s0], $0x1400  }
0x18: {  	_ =	swait.ge [sflag:s14], $0x1400  }
0x19: {  	[sflag:s14] =	ssyncset.done $0x0  }
0x1a: {  	[sflag:s14] =	ssyncadd.s32 $0xFFFFEC00  }
0x1b: {  	[spmem:s15], [sflag:s8] =	dma.local [hbm:s9], $0x500  }
0x1c: {  	_ =	swait.ge [sflag:s14], $0x500  }
0x1d: {  	[sflag:s14] =	ssyncset.done $0x0  }
0x1e: {  	s20 =	rddreg [dreg:$0x5];
	[sflag:s14] =	ssyncadd.s32 $0xFFFFFB00  }
0x1f: {  	[tilespmem:s16], [sflag:$0x5] =	stream.linear.gather [hbm4b:s20+s4], $0x500, $0x38;
	[tilespmem:$0x13EC0] =	vst v63  }
0x20: {  	_ =	swait.ge [sflag:s14], $0x500  }
0x21: {  	[sflag:s14] =	ssyncset.done $0x0  }
0x22: {  	[sflag:s14] =	ssyncadd.s32 $0xFFFFFB00  }
0x23: {  	[tilespmem:s4], [sflag:$0x5] =	stream.linear.gather [hbm4b:s10+s4], $0x2710, $0x38;
	[tilespmem:$0x13EC0] =	vst v63  }
0x24: {  	_ =	swait.ge [sflag:s14], $0x2710  }
0x25: {  	[sflag:s14] =	ssyncset.done $0x0  }
0x26: {  	[sflag:s14] =	ssyncadd.s32 $0xFFFFD8F0  }
0x27: {  	[tilespmem:s17], [sflag:$0x5] =	stream.linear.gather [hbm4b:s11+s4], $0x2710, $0x38;
	[tilespmem:$0x13EC0] =	vst v63  }
0x28: {  	_ =	swait.ge [sflag:s14], $0x2710  }
0x29: {  	[sflag:s14] =	ssyncset.done $0x0  }
0x2a: {  	[sflag:s14] =	ssyncadd.s32 $0xFFFFD8F0  }
0x2b: {  	[tilespmem:s19], [sflag:$0x1] =	stream.indirect.gather [hbm4b:s5+s18], $0x40, s4, s18, $0xb8;
	[tilespmem:$0x13EC0] =	vst v63  }
0x2c: {  	s26 =	simm.s32 $0x6220;
	[bflag:$0x0] =	sbarrier.arrive $0xFFFF  }
0x2d: {  	[tilespmem:s26], [sflag:$0x2] =	stream.indirect.gather [hbm4b:s5+s18], $0x40, s18, s18, $0xb8;
	[tilespmem:$0x13EC0] =	vst v63  }
0x2e: {  	_ =	swait.ge [sflag:s21], $0x1400  }
0x2f: {  	[sflag:s21] =	ssyncset.done $0x0  }
0x30: {  	[sflag:s21] =	ssyncadd.s32 $0xFFFFEC00  }
0x31: {  	[spmem:s2] =	stream.indirect.scatter.add.f32 [tilespmem:s19], [sflag:$0x3], $0x40, s17, s18, $0xb8;
	[tilespmem:$0x13EC0] =	vst v63  }
0x32: {  	_ = 	snop  }
0x33: {  	[spmem:s3] =	stream.indirect.scatter.add.f32 [tilespmem:s16], [sflag:$0x5], $0x10, s17, s18, $0xb8;
	[tilespmem:$0x13EC0] =	vst v63  }
0x34: {  	s26 =	simm.s32 $0x2;
	_ =	swait.ge [sflag:s14], $0x500  }
0x35: {  	s26 =	sand.u32 $0x1, s26;
	[sflag:s14] =	ssyncset.done $0x0  }
0x36: {  	s28 =	sadd.s32 $0x3, s26;
	[sflag:s14] =	ssyncadd.s32 $0xFFFFFB00  }
0x37: {  	s29 =	smul.u32 $0x5000, s26;
	_ =	swait.ge [sflag:s28], $0x1400  }
0x38: {  	s30 =	simm.s32 $0xA0;
	[sflag:s28] =	ssyncset.done $0x0  }
0x39: {  	s29 =	sshrl.u32 s29, $0x2;
	[sflag:s28] =	ssyncadd.s32 $0xFFFFEC00;
	s28 =	simm.s32 $0x1  }
0x3a: {  	s26 =	sadd.s32 $0x1, s26;
	s29 =	sadd.s32 $0x4E20, s29;
	s28 =	sand.u32 $0x1, s28  }
0x3b: {  	[tilespmem:s29], [sflag:s26] =	stream.indirect.gather [hbm4b:s5+s18], $0x40, s30, s18, $0xb8;
	[tilespmem:$0x13EC0] =	vst v63  }
0x3c: {  	s31 =	smul.u32 $0x5000, s28;
	s29 =	sadd.s32 $0x1, s28  }
0x3d: {  	_ =	swait.ge [sflag:s29], $0x1400  }
0x3e: {  	s30 =	simm.s32 $0x2760;
	s26 =	sshrl.u32 s31, $0x2;
	[sflag:s29] =	ssyncset.done $0x0  }
0x3f: {  	s28 =	sadd.s32 $0x3, s28;
	s26 =	sadd.s32 $0x4E20, s26;
	[sflag:s29] =	ssyncadd.s32 $0xFFFFEC00  }
0x40: {  	[spmem:s2] =	stream.indirect.scatter.add.f32 [tilespmem:s26], [sflag:s28], $0x40, s30, s18, $0xb8;
	[tilespmem:$0x13EC0] =	vst v63  }
0x41: {  	s29 =	simm.s32 $0x3;
	s26 =	simm.s32 $0x27B0  }
0x42: {  	[spmem:s3] =	stream.indirect.scatter.add.f32 [tilespmem:s16], [sflag:$0x5], $0x10, s30, s18, $0xb8;
	[tilespmem:$0x13EC0] =	vst v63  }
0x43: {  	s28 =	simm.s32 $0xF0;
	s30 =	simm.s32 $0x4;
	_ =	swait.ge [sflag:s14], $0x500  }
.LBB2_2:
0x44: {  	s31 =	sand.u32 $0x1, s29  }
0x45: {  	[sflag:s14] =	ssyncset.done $0x0;
	s0 =	smov.u32 s30;
	s1 =	sadd.s32 $0x1, s30  }
0x46: {  	s20 =	sadd.s32 $0x3, s31;
	s6 =	smul.u32 $0x5000, s31;
	[sflag:s14] =	ssyncadd.s32 $0xFFFFFB00  }
0x47: {  	p0 =	sne.s32 s30, $0x7C;
	_ =	swait.ge [sflag:s20], $0x1400  }
0x48: {  	s29 =	sadd.s32 $0xFFFFFFFF, s29;
	[sflag:s20] =	ssyncset.done $0x0;
	s6 =	sshrl.u32 s6, $0x2  }
0x49: {  	s30 =	sand.u32 $0x1, s29;
	[sflag:s20] =	ssyncadd.s32 $0xFFFFEC00;
	s6 =	sadd.s32 $0x4E20, s6  }
0x4a: {  	s7 =	sadd.s32 $0x1, s30;
	s20 =	sadd.s32 $0x1, s31;
	s31 =	smul.u32 $0x5000, s30  }
0x4b: {  	[tilespmem:s6], [sflag:s20] =	stream.indirect.gather [hbm4b:s5+s18], $0x40, s28, s18, $0xb8;
	[tilespmem:$0x13EC0] =	vst v63  }
0x4c: {  	s29 =	smov.u32 s0;
	_ =	swait.ge [sflag:s7], $0x1400  }
0x4d: {  	s0 =	sshrl.u32 s31, $0x2;
	s6 =	sadd.s32 $0x3, s30;
	[sflag:s7] =	ssyncset.done $0x0  }
.Ltmp0:
0x4e: {  	s0 =	sadd.s32 $0x4E20, s0;
	[sflag:s7] =	ssyncadd.s32 $0xFFFFEC00;
	(pc) =	sbr.rel @p0 .LBB2_2-.Ltmp0, $4  }
0x4f: {  	[spmem:s2] =	stream.indirect.scatter.add.f32 [tilespmem:s0], [sflag:s6], $0x40, s26, s18, $0xb8;
	[tilespmem:$0x13EC0] =	vst v63  }
0x50: {  	s28 =	sadd.s32 $0x50, s28  }
0x51: {  	[spmem:s3] =	stream.indirect.scatter.add.f32 [tilespmem:s16], [sflag:$0x5], $0x10, s26, s18, $0xb8;
	[tilespmem:$0x13EC0] =	vst v63  }
0x52: {  	s30 =	smov.u32 s1;
	s26 =	sadd.s32 $0x50, s26;
	_ =	swait.ge [sflag:s14], $0x500  }
0x53: {  	s0 =	sand.u32 $0x1, s29;
	[sflag:s14] =	ssyncset.done $0x0;
	s7 =	sadd.s32 $0xFFFFFFFF, s29  }
0x54: {  	s1 =	sadd.s32 $0x3, s0;
	s6 =	smul.u32 $0x5000, s0;
	[sflag:s14] =	ssyncadd.s32 $0xFFFFFB00  }
0x55: {  	s7 =	sand.u32 $0x1, s7;
	s0 =	sadd.s32 $0x1, s0;
	_ =	swait.ge [sflag:s1], $0x1400  }
0x56: {  	s31 =	smul.u32 $0x5000, s7;
	[sflag:s1] =	ssyncset.done $0x0;
	s6 =	sshrl.u32 s6, $0x2  }
0x57: {  	s20 =	sadd.s32 $0x1, s7;
	[sflag:s1] =	ssyncadd.s32 $0xFFFFEC00;
	s30 =	sadd.s32 $0x4E20, s6  }
0x58: {  	[tilespmem:s30], [sflag:s0] =	stream.indirect.gather [hbm4b:s5+s18], $0x40, s28, s18, $0xb8;
	[tilespmem:$0x13EC0] =	vst v63  }
0x59: {  	_ =	swait.ge [sflag:s20], $0x1400  }
0x5a: {  	s29 =	sshrl.u32 s31, $0x2;
	[sflag:s20] =	ssyncset.done $0x0  }
0x5b: {  	s0 =	sadd.s32 $0x4E20, s29;
	s30 =	sadd.s32 $0x3, s7;
	[sflag:s20] =	ssyncadd.s32 $0xFFFFEC00  }
0x5c: {  	[spmem:s2] =	stream.indirect.scatter.add.f32 [tilespmem:s0], [sflag:s30], $0x40, s26, s18, $0xb8;
	[tilespmem:$0x13EC0] =	vst v63  }
0x5d: {  	_ = 	snop  }
0x5e: {  	[spmem:s3] =	stream.indirect.scatter.add.f32 [tilespmem:s16], [sflag:$0x5], $0x10, s26, s18, $0xb8;
	[tilespmem:$0x13EC0] =	vst v63  }
0x5f: {  	_ =	swait.ge [sflag:s14], $0x500  }
0x60: {  	[sflag:s14] =	ssyncset.done $0x0  }
0x61: {  	[sflag:s14] =	ssyncadd.s32 $0xFFFFFB00  }
0x62: {  	_ =	swait.ge [sflag:s30], $0x1400  }
0x63: {  	[sflag:s30] =	ssyncset.done $0x0  }
0x64: {  	[sflag:s30] =	ssyncadd.s32 $0xFFFFEC00  }
0x65: {  	_ =	swait.ge [sflag:s21], $0x1400  }
0x66: {  	[sflag:s21] =	ssyncset.done $0x0  }
0x67: {  	s31 =	sadd.s32 $0x50, s26;
	[sflag:s21] =	ssyncadd.s32 $0xFFFFEC00  }
0x68: {  	[spmem:s2] =	stream.indirect.scatter.add.f32 [tilespmem:s19], [sflag:$0x3], $0x40, s31, s18, $0xb8;
	[tilespmem:$0x13EC0] =	vst v63  }
0x69: {  	_ = 	snop  }
0x6a: {  	[spmem:s3] =	stream.indirect.scatter.add.f32 [tilespmem:s16], [sflag:$0x5], $0x10, s31, s18, $0xb8;
	[tilespmem:$0x13EC0] =	vst v63  }
0x6b: {  	_ =	swait.ge [sflag:s14], $0x500  }
0x6c: {  	[sflag:s14] =	ssyncset.done $0x0  }
0x6d: {  	[sflag:s14] =	ssyncadd.s32 $0xFFFFFB00  }
0x6e: {  	_ =	swait.ge [sflag:s23], $0x1400  }
0x6f: {  	[sflag:s23] =	ssyncset.done $0x0  }
0x70: {  	[sflag:s23] =	ssyncadd.s32 $0xFFFFEC00  }
0x71: {  	[bflag:$0x0] =	sbarrier.arrive $0xFFFF  }
0x72: {  	[hbm:s22], [sflag:s8] =	dma.local [spmem:s13], $0x1400  }
0x73: {  	s25 =	sadd.s32 $0x1, s25;
	_ =	swait.ge [sflag:s14], $0x1400  }
0x74: {  	p0 =	sne.s32 s25, s12;
	[sflag:s14] =	ssyncset.done $0x0  }
.Ltmp1:
0x75: {  	[sflag:s14] =	ssyncadd.s32 $0xFFFFEC00;
	(pc) =	sbr.rel @p0 .LBB2_1-.Ltmp1, $4  }
0x76: {  	[hbm:s24], [sflag:s8] =	dma.local [spmem:s15], $0x500  }
0x77: {  	_ =	swait.ge [sflag:s14], $0x500  }
0x78: {  	[sflag:s14] =	ssyncset.done $0x0  }
0x79: {  	[sflag:s14] =	ssyncadd.s32 $0xFFFFFB00  }
0x7a: {  	_ =	sfence.sel $0x180000  }
0x7b: {  	[bflag:$0x0] =	sbarrier.arrive $0xFFFF  }
0x7c: {  	_ =	strace $0x90000047  }
0x7d: {  	s0 =	stileid.u32;
	[bflag:$0x2] =	sbarrier.arrive $0xFFFF  }
0x7e: {  	p0 =	sne.s32 s0, $0x0;
	s0 =	rddreg [dreg:$0x4]  }
0x7f: {  	s0 =	sadd.s32 @!p0 $0x100000, s0  }
0x80: {  	[sflag:s0] =	ssyncadd.tile.s32 @!p0 $0x1;
	_ =	shalt  }
.Lfunc_end2:
_tile_overlayer_lowered:
.L_overlay_start_2:
0x81: {  	(tag) =	ssettag $0x2  }
0x82: {  	s0 =	rddreg [dreg:$0x0];
	s2 =	stileid.u32  }
0x83: {  	s1 =	rddreg [dreg:$0x1];
	p0 =	sne.s32 s2, $0x0  }
0x84: {  	s3 =	rddreg [dreg:$0x2];
	[bflag:$0x3] =	sbarrier.arrive $0xFFFF;
	s2 =	simm.s32 @!p0 $0x1C05  }
0x85: {  	[timem:s3], [sflag:s2] =	dma.local @!p0 [hbm:s0], s1  }
0x86: {  	s0 =	simm.s32 @!p0 $0x5  }
0x87: {  	_ =	swait.ge @!p0 [sflag:s0], s1  }
0x88: {  	s1 =	ssub.s32 @!p0 $0x0, s1;
	[sflag:s0] =	ssyncset.done @!p0 $0x0  }
0x89: {  	[sflag:s0] =	ssyncadd.s32 @!p0 s1  }
0x8a: {  	[bflag:$0x3] =	sbarrier.arrive $0xFFFF  }
0x8b: {  	_ =	shalt  }

</sc_bundles>
